<compile_context>
chip_gen: v7x
topology: tpu7x:2x2x1
jax: 0.10.2.dev20260603
libtpu: 0.0.44.dev20260713+nightly
codegen_flags: <defaults>
</compile_context>

<pallas_src>
import functools

import jax
import jax.numpy as jnp
from jax import lax
from jax.experimental import pallas as pl
from jax.experimental.pallas import tpu as pltpu
from jax.experimental.pallas import tpu_sc as plsc

NC = 2
NS = 16
NW = NC * NS
LN_EPS = 1e-5


def _rsqrt16(t):
    i = plsc.bitcast(t, jnp.int32)
    i = jnp.int32(0x5F3759DF) - lax.shift_right_logical(i, 1)
    y = plsc.bitcast(i, jnp.float32)
    ht = t * 0.5
    for _ in range(2):
        y = y * (1.5 - ht * y * y)
    return y


@functools.partial(jax.jit, static_argnums=(5, 6, 7))
def _sc_embed_ln(xtf, emb, posf, gamma, beta, B, S, D):
    BW = B // NW
    NB = 4
    NBS = 2

    mesh = plsc.VectorSubcoreMesh(core_axis_name="c", subcore_axis_name="s",
                                  num_cores=NC, num_subcores=NS)

    @functools.partial(
        pl.kernel,
        out_type=jax.ShapeDtypeStruct((B, S, 128), jnp.float32),
        mesh=mesh,
        compiler_params=pltpu.CompilerParams(needs_layout_passes=False,
                                             use_tc_tiling_on_sc=False),
        scratch_types=[
            pltpu.VMEM((S * D,), jnp.float32),
            pltpu.VMEM((D,), jnp.float32),
            pltpu.VMEM((D,), jnp.float32),
            [pltpu.VMEM((BW,), jnp.int32) for _ in range(NB)],
            [pltpu.VMEM((BW, D), jnp.float32) for _ in range(NB)],
            [pltpu.VMEM((BW, 128), jnp.float32) for _ in range(NBS)],
            [pltpu.SemaphoreType.DMA for _ in range(NB)],
            [pltpu.SemaphoreType.DMA for _ in range(NB)],
            [pltpu.SemaphoreType.DMA for _ in range(NBS)],
        ],
    )
    def k(x_hbm, emb_hbm, posf_hbm, gamma_hbm, beta_hbm, out_hbm,
          posb_v, gam_v, bet_v, ibufs, pbufs, obufs,
          isems, gsems, ssems):
        wid = lax.axis_index("s") * NC + lax.axis_index("c")
        b0 = wid * BW

        pltpu.sync_copy(posf_hbm, posb_v)
        pltpu.sync_copy(gamma_hbm, gam_v)
        pltpu.sync_copy(beta_hbm, bet_v)

        def fold(p, _):
            for kk in range(D // 16):
                posb_v[pl.ds(D * p + 16 * kk, 16)] = (
                    posb_v[pl.ds(D * p + 16 * kk, 16)]
                    + bet_v[pl.ds(16 * kk, 16)])
            return 0
        lax.fori_loop(0, S, fold, 0)

        def i_src(c):
            return x_hbm.at[pl.ds(c * B + b0, BW)]

        def start_idx(c, b):
            pltpu.async_copy(i_src(c), ibufs[b], isems[b])

        def wait_idx(c, b):
            pltpu.make_async_copy(i_src(c), ibufs[b], isems[b]).wait()

        def prep_gather(c, b):
            pltpu.async_copy(emb_hbm.at[ibufs[b]], pbufs[b], gsems[b])

        def wait_gather(c, b):
            pltpu.make_async_copy(emb_hbm.at[ibufs[b]], pbufs[b],
                                  gsems[b]).wait()

        def s_dst(c):
            return out_hbm.at[pl.ds(b0, BW), c]

        def start_store(c, b):
            pltpu.async_copy(obufs[b], s_dst(c), ssems[b])

        def wait_store(c, b):
            pltpu.make_async_copy(obufs[b], s_dst(c), ssems[b]).wait()

        def compute(c, gb, ob):
            pb = pbufs[gb]
            obuf = obufs[ob]
            NV = D // 16
            gam, pv = [], []
            for kk in range(NV):
                gam.append(gam_v[pl.ds(16 * kk, 16)])
                pv.append(posb_v[pl.ds(c * D + 16 * kk, 16)])

            @plsc.parallel_loop(0, BW, unroll=4)
            def t_body(t):
                v = [pb[t, pl.ds(16 * kk, 16)] for kk in range(NV)]
                s = (v[0] + v[1]) + (v[2] + v[3])
                q = ((v[0] * v[0] + v[1] * v[1])
                     + (v[2] * v[2] + v[3] * v[3]))
                mu = jnp.full((16,), jnp.sum(s) * (1.0 / D), jnp.float32)
                ex2 = jnp.full((16,), jnp.sum(q) * (1.0 / D), jnp.float32)
                var = ex2 - mu * mu
                rstd = _rsqrt16(var + LN_EPS)
                for kk in range(NV):
                    obuf[t, pl.ds(16 * kk, 16)] = (
                        (v[kk] - mu) * (rstd * gam[kk]) + pv[kk])

        start_idx(0, 0)
        start_idx(1, 1)
        start_idx(2, 2)
        wait_idx(0, 0)
        prep_gather(0, 0)
        wait_idx(1, 1)
        prep_gather(1, 1)

        def c_body(cb, _):
            for u in range(NB):
                c = cb + u
                gb = u
                ob = u % NBS

                @pl.when(c + 3 < S)
                def _():
                    start_idx(c + 3, (u + 3) % NB)

                @pl.when(c + 2 < S)
                def _():
                    wait_idx(c + 2, (u + 2) % NB)
                    prep_gather(c + 2, (u + 2) % NB)

                @pl.when(c >= NBS)
                def _():
                    wait_store(c - NBS, ob)

                wait_gather(c, gb)
                compute(c, gb, ob)
                start_store(c, ob)
            return 0

        lax.fori_loop(0, S // NB, lambda i, u: c_body(i * NB, u), 0)

        for c in range(S - NBS, S):
            wait_store(c, c % NBS)

    return k(xtf, emb, posf, gamma, beta)


def kernel(x, emb_table, pos_table, gamma, beta):
    B, S = x.shape
    D = emb_table.shape[1]
    xtf = x.T.reshape(S * B).astype(jnp.int32)
    posf = lax.slice_in_dim(pos_table, 1, S + 1, axis=0).reshape(S * D)
    out = _sc_embed_ln(xtf, emb_table, posf, gamma, beta, B, S, D)
    return lax.slice(out, (0, 0, 0), (B, S, D))

# --- scband reference (transcript-rebuilt; emitter-appended) ---
"""Pipeline reference for scband-embeddings1-d-51273319579751 (READ-ONLY COPY).

The authoritative reference and input builder live on the scoring server;
editing this copy changes nothing except your own understanding.
"""

import jax, jax.numpy as jnp
import numpy as np

NUM_LABELS = 1000000
EMBED_DIM = 64
TARGET_SEQ_LEN = 512
BATCH = 4096
SEQ_LEN = 200
PADDING_IDX = 0
LN_EPS = 1e-5


def setup_inputs(seed: int = 0) -> dict:
    key = jax.random.key(seed)
    k_x, k_emb, k_pos, k_g, k_b = jax.random.split(key, 5)
    x = jax.random.randint(k_x, (BATCH, SEQ_LEN), 0, NUM_LABELS, dtype=jnp.int64 if jax.config.jax_enable_x64 else jnp.int32)
    emb_table = jax.random.normal(k_emb, (NUM_LABELS + 1, EMBED_DIM), dtype=jnp.float32)
    # nn.Embedding padding_idx=0 zeroes row 0 at init
    emb_table = emb_table.at[PADDING_IDX].set(0.0)
    pos_table = jax.random.normal(k_pos, (TARGET_SEQ_LEN, EMBED_DIM), dtype=jnp.float32)
    pos_table = pos_table.at[PADDING_IDX].set(0.0)
    # LayerNorm params at torch init: gamma=1, beta=0 (use random-ish but keep torch default semantics faithful: ones/zeros)
    gamma = jnp.ones((EMBED_DIM,), dtype=jnp.float32)
    beta = jnp.zeros((EMBED_DIM,), dtype=jnp.float32)
    return {"x": x, "emb_table": emb_table, "pos_table": pos_table, "gamma": gamma, "beta": beta}


def _layernorm(h, gamma, beta):
    mu = jnp.mean(h, axis=-1, keepdims=True)
    var = jnp.mean(jnp.square(h - mu), axis=-1, keepdims=True)
    return (h - mu) * jax.lax.rsqrt(var + LN_EPS) * gamma + beta


def reference(x, emb_table, pos_table, gamma, beta):
    # x: int[B, S], S != 101 and emb_only=False -> full path
    # x.squeeze(1) is a no-op for S != 1
    h = jnp.take(emb_table, x, axis=0)                # [B, S, D] token embedding gather
    h = _layernorm(h, gamma, beta)
    # create_position_ids_from_inputs_embeds: arange(padding_idx+1, seq_len+padding_idx+1)
    seq_len = h.shape[1]
    position_ids = jnp.arange(PADDING_IDX + 1, seq_len + PADDING_IDX + 1)
    ps = jnp.take(pos_table, position_ids, axis=0)    # [S, D]
    ps = jnp.broadcast_to(ps[None, :, :], h.shape)
    return h + ps

if __name__ == "__main__":
    import jax
    _d = setup_inputs()
    print(jax.jit(kernel)(*tuple(_d.values())))

</pallas_src>

<mosaic_0001>
#map = affine_map<(d0, d1) -> (0)>
#map1 = affine_map<(d0, d1) -> (0, 0)>
#map2 = affine_map<(d0, d1) -> (0, 0, 0)>
module attributes {stable_mosaic.version = 14 : i64} {
  func.func @k(%arg0: i32, %arg1: i32, %arg2: memref<819200xi32, #tpu.memory_space<hbm>>, %arg3: memref<1000001x64xf32, #tpu.memory_space<hbm>>, %arg4: memref<12800xf32, #tpu.memory_space<hbm>>, %arg5: memref<64xf32, #tpu.memory_space<hbm>>, %arg6: memref<64xf32, #tpu.memory_space<hbm>>, %arg7: memref<4096x200x128xf32, #tpu.memory_space<hbm>>, %arg8: memref<12800xf32, #tpu.memory_space<vmem>>, %arg9: memref<64xf32, #tpu.memory_space<vmem>>, %arg10: memref<64xf32, #tpu.memory_space<vmem>>, %arg11: memref<128xi32, #tpu.memory_space<vmem>>, %arg12: memref<128xi32, #tpu.memory_space<vmem>>, %arg13: memref<128xi32, #tpu.memory_space<vmem>>, %arg14: memref<128xi32, #tpu.memory_space<vmem>>, %arg15: memref<128x64xf32, #tpu.memory_space<vmem>>, %arg16: memref<128x64xf32, #tpu.memory_space<vmem>>, %arg17: memref<128x64xf32, #tpu.memory_space<vmem>>, %arg18: memref<128x64xf32, #tpu.memory_space<vmem>>, %arg19: memref<128x128xf32, #tpu.memory_space<vmem>>, %arg20: memref<128x128xf32, #tpu.memory_space<vmem>>, %arg21: memref<!tpu.dma_semaphore, #tpu.memory_space<semaphore_mem>>, %arg22: memref<!tpu.dma_semaphore, #tpu.memory_space<semaphore_mem>>, %arg23: memref<!tpu.dma_semaphore, #tpu.memory_space<semaphore_mem>>, %arg24: memref<!tpu.dma_semaphore, #tpu.memory_space<semaphore_mem>>, %arg25: memref<!tpu.dma_semaphore, #tpu.memory_space<semaphore_mem>>, %arg26: memref<!tpu.dma_semaphore, #tpu.memory_space<semaphore_mem>>, %arg27: memref<!tpu.dma_semaphore, #tpu.memory_space<semaphore_mem>>, %arg28: memref<!tpu.dma_semaphore, #tpu.memory_space<semaphore_mem>>, %arg29: memref<!tpu.dma_semaphore, #tpu.memory_space<semaphore_mem>>, %arg30: memref<!tpu.dma_semaphore, #tpu.memory_space<semaphore_mem>>) attributes {dimension_semantics = [#tpu.dimension_semantics<core_parallel>, #tpu.dimension_semantics<subcore_parallel>], iteration_bounds = array<i64: 2, 16>, scalar_prefetch = 0 : i64, scratch_operands = 23 : i64, tpu.core_type = #tpu.core_type<sc_vector_subcore>, window_params = [{transform_indices = #map}, {transform_indices = #map1}, {transform_indices = #map}, {transform_indices = #map}, {transform_indices = #map}, {transform_indices = #map2}]} {
    %mul3A = arith.constant 2 : i32
    %mul3A_0 = arith.muli %arg1, %mul3A : i32
    %add3A = arith.addi %mul3A_0, %arg0 : i32
    %mul3A_1 = arith.constant 128 : i32
    %mul3A_2 = arith.muli %add3A, %mul3A_1 : i32
    "tpu.region"() ({
      %run_scoped3A = tpu.sem_alloc : memref<!tpu.dma_semaphore, #tpu.memory_space<semaphore_mem>>
      tpu.enqueue_dma source(%arg4 : memref<12800xf32, #tpu.memory_space<hbm>>) target(%arg8 : memref<12800xf32, #tpu.memory_space<vmem>>) target_semaphore(%run_scoped3A : memref<!tpu.dma_semaphore, #tpu.memory_space<semaphore_mem>>)
      tpu.wait_dma2 semaphore(%run_scoped3A : memref<!tpu.dma_semaphore, #tpu.memory_space<semaphore_mem>>) src(%arg4 : memref<12800xf32, #tpu.memory_space<hbm>>) dst(%arg8 : memref<12800xf32, #tpu.memory_space<vmem>>)
      tpu.yield
    }) : () -> ()
    "tpu.region"() ({
      %run_scoped3A = tpu.sem_alloc : memref<!tpu.dma_semaphore, #tpu.memory_space<semaphore_mem>>
      tpu.enqueue_dma source(%arg5 : memref<64xf32, #tpu.memory_space<hbm>>) target(%arg9 : memref<64xf32, #tpu.memory_space<vmem>>) target_semaphore(%run_scoped3A : memref<!tpu.dma_semaphore, #tpu.memory_space<semaphore_mem>>)
      tpu.wait_dma2 semaphore(%run_scoped3A : memref<!tpu.dma_semaphore, #tpu.memory_space<semaphore_mem>>) src(%arg5 : memref<64xf32, #tpu.memory_space<hbm>>) dst(%arg9 : memref<64xf32, #tpu.memory_space<vmem>>)
      tpu.yield
    }) : () -> ()
    "tpu.region"() ({
      %run_scoped3A = tpu.sem_alloc : memref<!tpu.dma_semaphore, #tpu.memory_space<semaphore_mem>>
      tpu.enqueue_dma source(%arg6 : memref<64xf32, #tpu.memory_space<hbm>>) target(%arg10 : memref<64xf32, #tpu.memory_space<vmem>>) target_semaphore(%run_scoped3A : memref<!tpu.dma_semaphore, #tpu.memory_space<semaphore_mem>>)
      tpu.wait_dma2 semaphore(%run_scoped3A : memref<!tpu.dma_semaphore, #tpu.memory_space<semaphore_mem>>) src(%arg6 : memref<64xf32, #tpu.memory_space<hbm>>) dst(%arg10 : memref<64xf32, #tpu.memory_space<vmem>>)
      tpu.yield
    }) : () -> ()
    %scan3A = arith.constant 0 : i32
    %scan3A_3 = arith.constant 0 : i32
    %scan3A_4 = arith.constant 200 : i32
    %scan3A_5 = arith.addi %scan3A_3, %scan3A_4 : i32
    %scan3A_6 = arith.constant 1 : i32
    %scan3A_7 = scf.for %scan3A_54 = %scan3A_3 to %scan3A_5 step %scan3A_6 iter_args(%scan3A_55 = %scan3A) -> (i32)  : i32 {
      %mul3A_56 = arith.constant 64 : i32
      %mul3A_57 = arith.muli %mul3A_56, %scan3A_54 : i32
      %add3A_58 = arith.constant 0 : i32
      %add3A_59 = arith.addi %mul3A_57, %add3A_58 : i32
      %get3A = arith.index_cast %add3A_59 : i32 to index
      %get3A_60 = tpu.vector_load %arg8[%get3A] {strides = array<i32>} : memref<12800xf32, #tpu.memory_space<vmem>>, vector<16xf32>,
      %get3A_61 = arith.constant 0 : index
      %get3A_62 = tpu.vector_load %arg10[%get3A_61] {strides = array<i32>} : memref<64xf32, #tpu.memory_space<vmem>>, vector<16xf32>,
      %add3A_63 = arith.addf %get3A_60, %get3A_62 : vector<16xf32>
      %mul3A_64 = arith.constant 64 : i32
      %mul3A_65 = arith.muli %mul3A_64, %scan3A_54 : i32
      %add3A_66 = arith.constant 0 : i32
      %add3A_67 = arith.addi %mul3A_65, %add3A_66 : i32
      %swap3A = arith.index_cast %add3A_67 : i32 to index
      %swap3A_68 = tpu.vector_load %arg8[%swap3A] {strides = array<i32>} : memref<12800xf32, #tpu.memory_space<vmem>>, vector<16xf32>,
      tpu.vector_store %arg8[%swap3A], %add3A_63 {strides = array<i32>} : memref<12800xf32, #tpu.memory_space<vmem>>, vector<16xf32>,
      %mul3A_69 = arith.constant 64 : i32
      %mul3A_70 = arith.muli %mul3A_69, %scan3A_54 : i32
      %add3A_71 = arith.constant 16 : i32
      %add3A_72 = arith.addi %mul3A_70, %add3A_71 : i32
      %get3A_73 = arith.index_cast %add3A_72 : i32 to index
      %get3A_74 = tpu.vector_load %arg8[%get3A_73] {strides = array<i32>} : memref<12800xf32, #tpu.memory_space<vmem>>, vector<16xf32>,
      %get3A_75 = arith.constant 16 : index
      %get3A_76 = tpu.vector_load %arg10[%get3A_75] {strides = array<i32>} : memref<64xf32, #tpu.memory_space<vmem>>, vector<16xf32>,
      %add3A_77 = arith.addf %get3A_74, %get3A_76 : vector<16xf32>
      %mul3A_78 = arith.constant 64 : i32
      %mul3A_79 = arith.muli %mul3A_78, %scan3A_54 : i32
      %add3A_80 = arith.constant 16 : i32
      %add3A_81 = arith.addi %mul3A_79, %add3A_80 : i32
      %swap3A_82 = arith.index_cast %add3A_81 : i32 to index
      %swap3A_83 = tpu.vector_load %arg8[%swap3A_82] {strides = array<i32>} : memref<12800xf32, #tpu.memory_space<vmem>>, vector<16xf32>,
      tpu.vector_store %arg8[%swap3A_82], %add3A_77 {strides = array<i32>} : memref<12800xf32, #tpu.memory_space<vmem>>, vector<16xf32>,
      %mul3A_84 = arith.constant 64 : i32
      %mul3A_85 = arith.muli %mul3A_84, %scan3A_54 : i32
      %add3A_86 = arith.constant 32 : i32
      %add3A_87 = arith.addi %mul3A_85, %add3A_86 : i32
      %get3A_88 = arith.index_cast %add3A_87 : i32 to index
      %get3A_89 = tpu.vector_load %arg8[%get3A_88] {strides = array<i32>} : memref<12800xf32, #tpu.memory_space<vmem>>, vector<16xf32>,
      %get3A_90 = arith.constant 32 : index
      %get3A_91 = tpu.vector_load %arg10[%get3A_90] {strides = array<i32>} : memref<64xf32, #tpu.memory_space<vmem>>, vector<16xf32>,
      %add3A_92 = arith.addf %get3A_89, %get3A_91 : vector<16xf32>
      %mul3A_93 = arith.constant 64 : i32
      %mul3A_94 = arith.muli %mul3A_93, %scan3A_54 : i32
      %add3A_95 = arith.constant 32 : i32
      %add3A_96 = arith.addi %mul3A_94, %add3A_95 : i32
      %swap3A_97 = arith.index_cast %add3A_96 : i32 to index
      %swap3A_98 = tpu.vector_load %arg8[%swap3A_97] {strides = array<i32>} : memref<12800xf32, #tpu.memory_space<vmem>>, vector<16xf32>,
      tpu.vector_store %arg8[%swap3A_97], %add3A_92 {strides = array<i32>} : memref<12800xf32, #tpu.memory_space<vmem>>, vector<16xf32>,
      %mul3A_99 = arith.constant 64 : i32
      %mul3A_100 = arith.muli %mul3A_99, %scan3A_54 : i32
      %add3A_101 = arith.constant 48 : i32
      %add3A_102 = arith.addi %mul3A_100, %add3A_101 : i32
      %get3A_103 = arith.index_cast %add3A_102 : i32 to index
      %get3A_104 = tpu.vector_load %arg8[%get3A_103] {strides = array<i32>} : memref<12800xf32, #tpu.memory_space<vmem>>, vector<16xf32>,
      %get3A_105 = arith.constant 48 : index
      %get3A_106 = tpu.vector_load %arg10[%get3A_105] {strides = array<i32>} : memref<64xf32, #tpu.memory_space<vmem>>, vector<16xf32>,
      %add3A_107 = arith.addf %get3A_104, %get3A_106 : vector<16xf32>
      %mul3A_108 = arith.constant 64 : i32
      %mul3A_109 = arith.muli %mul3A_108, %scan3A_54 : i32
      %add3A_110 = arith.constant 48 : i32
      %add3A_111 = arith.addi %mul3A_109, %add3A_110 : i32
      %swap3A_112 = arith.index_cast %add3A_111 : i32 to index
      %swap3A_113 = tpu.vector_load %arg8[%swap3A_112] {strides = array<i32>} : memref<12800xf32, #tpu.memory_space<vmem>>, vector<16xf32>,
      tpu.vector_store %arg8[%swap3A_112], %add3A_107 {strides = array<i32>} : memref<12800xf32, #tpu.memory_space<vmem>>, vector<16xf32>,
      %scan3A_114 = arith.constant 0 : i32
      scf.yield %scan3A_114 : i32
    }
    %scan3A_8 = arith.constant 200 : i32
    %add3A_9 = arith.constant 0 : i32
    %add3A_10 = arith.addi %add3A_9, %mul3A_2 : i32
    %dma_start3A = tpu.memref_slice %arg2[%add3A_10] : memref<819200xi32, #tpu.memory_space<hbm>> -> memref<128xi32, #tpu.memory_space<hbm>>
    %dma_start3A_11 = tpu.memref_slice %arg2[%add3A_10] : memref<819200xi32, #tpu.memory_space<hbm>> -> memref<128xi32, #tpu.memory_space<hbm>>
    tpu.enqueue_dma source(%dma_start3A_11 : memref<128xi32, #tpu.memory_space<hbm>>) target(%arg11 : memref<128xi32, #tpu.memory_space<vmem>>) target_semaphore(%arg21 : memref<!tpu.dma_semaphore, #tpu.memory_space<semaphore_mem>>)
    %add3A_12 = arith.constant 4096 : i32
    %add3A_13 = arith.addi %add3A_12, %mul3A_2 : i32
    %dma_start3A_14 = tpu.memref_slice %arg2[%add3A_13] : memref<819200xi32, #tpu.memory_space<hbm>> -> memref<128xi32, #tpu.memory_space<hbm>>
    %dma_start3A_15 = tpu.memref_slice %arg2[%add3A_13] : memref<819200xi32, #tpu.memory_space<hbm>> -> memref<128xi32, #tpu.memory_space<hbm>>
    tpu.enqueue_dma source(%dma_start3A_15 : memref<128xi32, #tpu.memory_space<hbm>>) target(%arg12 : memref<128xi32, #tpu.memory_space<vmem>>) target_semaphore(%arg22 : memref<!tpu.dma_semaphore, #tpu.memory_space<semaphore_mem>>)
    %add3A_16 = arith.constant 8192 : i32
    %add3A_17 = arith.addi %add3A_16, %mul3A_2 : i32
    %dma_start3A_18 = tpu.memref_slice %arg2[%add3A_17] : memref<819200xi32, #tpu.memory_space<hbm>> -> memref<128xi32, #tpu.memory_space<hbm>>
    %dma_start3A_19 = tpu.memref_slice %arg2[%add3A_17] : memref<819200xi32, #tpu.memory_space<hbm>> -> memref<128xi32, #tpu.memory_space<hbm>>
    tpu.enqueue_dma source(%dma_start3A_19 : memref<128xi32, #tpu.memory_space<hbm>>) target(%arg13 : memref<128xi32, #tpu.memory_space<vmem>>) target_semaphore(%arg23 : memref<!tpu.dma_semaphore, #tpu.memory_space<semaphore_mem>>)
    %add3A_20 = arith.constant 0 : i32
    %add3A_21 = arith.addi %add3A_20, %mul3A_2 : i32
    %dma_wait3A = tpu.memref_slice %arg2[%add3A_21] : memref<819200xi32, #tpu.memory_space<hbm>> -> memref<128xi32, #tpu.memory_space<hbm>>
    %dma_wait3A_22 = tpu.memref_slice %arg2[%add3A_21] : memref<819200xi32, #tpu.memory_space<hbm>> -> memref<128xi32, #tpu.memory_space<hbm>>
    tpu.wait_dma2 semaphore(%arg21 : memref<!tpu.dma_semaphore, #tpu.memory_space<semaphore_mem>>) src(%dma_wait3A_22 : memref<128xi32, #tpu.memory_space<hbm>>) dst(%arg11 : memref<128xi32, #tpu.memory_space<vmem>>)
    %dma_start3A_23 = arith.constant 0 : i32
    %dma_start3A_24 = arith.constant 0 : i32
    %dma_start3A_25 = tpu.memref_slice %arg3[%dma_start3A_23, %dma_start3A_24] : memref<1000001x64xf32, #tpu.memory_space<hbm>> -> memref<1000001x64xf32, #tpu.memory_space<hbm>>
    tpu.enqueue_indirect_dma source(%dma_start3A_25 : memref<1000001x64xf32, #tpu.memory_space<hbm>>) target(%arg15 : memref<128x64xf32, #tpu.memory_space<vmem>>) offsets(%arg11 : memref<128xi32, #tpu.memory_space<vmem>>) semaphore(%arg25 : memref<!tpu.dma_semaphore, #tpu.memory_space<semaphore_mem>>)
    %add3A_26 = arith.constant 4096 : i32
    %add3A_27 = arith.addi %add3A_26, %mul3A_2 : i32
    %dma_wait3A_28 = tpu.memref_slice %arg2[%add3A_27] : memref<819200xi32, #tpu.memory_space<hbm>> -> memref<128xi32, #tpu.memory_space<hbm>>
    %dma_wait3A_29 = tpu.memref_slice %arg2[%add3A_27] : memref<819200xi32, #tpu.memory_space<hbm>> -> memref<128xi32, #tpu.memory_space<hbm>>
    tpu.wait_dma2 semaphore(%arg22 : memref<!tpu.dma_semaphore, #tpu.memory_space<semaphore_mem>>) src(%dma_wait3A_29 : memref<128xi32, #tpu.memory_space<hbm>>) dst(%arg12 : memref<128xi32, #tpu.memory_space<vmem>>)
    %dma_start3A_30 = arith.constant 0 : i32
    %dma_start3A_31 = arith.constant 0 : i32
    %dma_start3A_32 = tpu.memref_slice %arg3[%dma_start3A_30, %dma_start3A_31] : memref<1000001x64xf32, #tpu.memory_space<hbm>> -> memref<1000001x64xf32, #tpu.memory_space<hbm>>
    tpu.enqueue_indirect_dma source(%dma_start3A_32 : memref<1000001x64xf32, #tpu.memory_space<hbm>>) target(%arg16 : memref<128x64xf32, #tpu.memory_space<vmem>>) offsets(%arg12 : memref<128xi32, #tpu.memory_space<vmem>>) semaphore(%arg26 : memref<!tpu.dma_semaphore, #tpu.memory_space<semaphore_mem>>)
    %scan3A_33 = arith.constant 0 : i32
    %scan3A_34 = arith.constant 0 : i32
    %scan3A_35 = arith.constant 50 : i32
    %scan3A_36 = arith.addi %scan3A_34, %scan3A_35 : i32
    %scan3A_37 = arith.constant 1 : i32
    %scan3A_38 = scf.for %scan3A_54 = %scan3A_34 to %scan3A_36 step %scan3A_37 iter_args(%scan3A_55 = %scan3A_33) -> (i32)  : i32 {
      %mul3A_56 = arith.constant 4 : i32
      %mul3A_57 = arith.muli %scan3A_54, %mul3A_56 : i32
      %add3A_58 = arith.constant 0 : i32
      %add3A_59 = arith.addi %mul3A_57, %add3A_58 : i32
      %add3A_60 = arith.constant 3 : i32
      %add3A_61 = arith.addi %add3A_59, %add3A_60 : i32
      %lt3A = arith.constant 200 : i32
      %lt3A_62 = arith.cmpi slt, %add3A_61, %lt3A : i32
      %convert_element_type3A = arith.extui %lt3A_62 : i1 to i32
      %cond3A = arith.constant 0 : i32
      %cond3A_63 = arith.cmpi ne, %convert_element_type3A, %cond3A : i32
      scf.if %cond3A_63 {
        %add3A_313 = arith.constant 3 : i32
        %add3A_314 = arith.addi %add3A_59, %add3A_313 : i32
        %mul3A_315 = arith.constant 4096 : i32
        %mul3A_316 = arith.muli %add3A_314, %mul3A_315 : i32
        %add3A_317 = arith.addi %mul3A_316, %mul3A_2 : i32
        %dma_start3A_318 = tpu.memref_slice %arg2[%add3A_317] : memref<819200xi32, #tpu.memory_space<hbm>> -> memref<128xi32, #tpu.memory_space<hbm>>
        %dma_start3A_319 = tpu.memref_slice %arg2[%add3A_317] : memref<819200xi32, #tpu.memory_space<hbm>> -> memref<128xi32, #tpu.memory_space<hbm>>
        tpu.enqueue_dma source(%dma_start3A_319 : memref<128xi32, #tpu.memory_space<hbm>>) target(%arg14 : memref<128xi32, #tpu.memory_space<vmem>>) target_semaphore(%arg24 : memref<!tpu.dma_semaphore, #tpu.memory_space<semaphore_mem>>)
      } else {
      }
      %add3A_64 = arith.constant 2 : i32
      %add3A_65 = arith.addi %add3A_59, %add3A_64 : i32
      %lt3A_66 = arith.constant 200 : i32
      %lt3A_67 = arith.cmpi slt, %add3A_65, %lt3A_66 : i32
      %convert_element_type3A_68 = arith.extui %lt3A_67 : i1 to i32
      %cond3A_69 = arith.constant 0 : i32
      %cond3A_70 = arith.cmpi ne, %convert_element_type3A_68, %cond3A_69 : i32
      scf.if %cond3A_70 {
        %add3A_313 = arith.constant 2 : i32
        %add3A_314 = arith.addi %add3A_59, %add3A_313 : i32
        %mul3A_315 = arith.constant 4096 : i32
        %mul3A_316 = arith.muli %add3A_314, %mul3A_315 : i32
        %add3A_317 = arith.addi %mul3A_316, %mul3A_2 : i32
        %dma_wait3A_318 = tpu.memref_slice %arg2[%add3A_317] : memref<819200xi32, #tpu.memory_space<hbm>> -> memref<128xi32, #tpu.memory_space<hbm>>
        %dma_wait3A_319 = tpu.memref_slice %arg2[%add3A_317] : memref<819200xi32, #tpu.memory_space<hbm>> -> memref<128xi32, #tpu.memory_space<hbm>>
        tpu.wait_dma2 semaphore(%arg23 : memref<!tpu.dma_semaphore, #tpu.memory_space<semaphore_mem>>) src(%dma_wait3A_319 : memref<128xi32, #tpu.memory_space<hbm>>) dst(%arg13 : memref<128xi32, #tpu.memory_space<vmem>>)
        %add3A_320 = arith.constant 2 : i32
        %add3A_321 = arith.addi %add3A_59, %add3A_320 : i32
        %dma_start3A_322 = arith.constant 0 : i32
        %dma_start3A_323 = arith.constant 0 : i32
        %dma_start3A_324 = tpu.memref_slice %arg3[%dma_start3A_322, %dma_start3A_323] : memref<1000001x64xf32, #tpu.memory_space<hbm>> -> memref<1000001x64xf32, #tpu.memory_space<hbm>>
        tpu.enqueue_indirect_dma source(%dma_start3A_324 : memref<1000001x64xf32, #tpu.memory_space<hbm>>) target(%arg17 : memref<128x64xf32, #tpu.memory_space<vmem>>) offsets(%arg13 : memref<128xi32, #tpu.memory_space<vmem>>) semaphore(%arg27 : memref<!tpu.dma_semaphore, #tpu.memory_space<semaphore_mem>>)
      } else {
      }
      %ge3A = arith.constant 2 : i32
      %ge3A_71 = arith.cmpi sge, %add3A_59, %ge3A : i32
      %convert_element_type3A_72 = arith.extui %ge3A_71 : i1 to i32
      %cond3A_73 = arith.constant 0 : i32
      %cond3A_74 = arith.cmpi ne, %convert_element_type3A_72, %cond3A_73 : i32
      scf.if %cond3A_74 {
        %sub3A = arith.constant 2 : i32
        %sub3A_313 = arith.subi %add3A_59, %sub3A : i32
        %dma_wait3A_314 = arith.constant 0 : i32
        %dma_wait3A_315 = tpu.memref_slice %arg7[%mul3A_2, %sub3A_313, %dma_wait3A_314] : memref<4096x200x128xf32, #tpu.memory_space<hbm>> -> memref<128x1x128xf32, #tpu.memory_space<hbm>>
        %dma_wait3A_316 = tpu.memref_squeeze %dma_wait3A_315 : memref<128x1x128xf32, #tpu.memory_space<hbm>> -> memref<128x128xf32, #tpu.memory_space<hbm>>
        %dma_wait3A_317 = arith.constant 0 : i32
        %dma_wait3A_318 = tpu.memref_slice %arg7[%mul3A_2, %sub3A_313, %dma_wait3A_317] : memref<4096x200x128xf32, #tpu.memory_space<hbm>> -> memref<128x1x128xf32, #tpu.memory_space<hbm>>
        %dma_wait3A_319 = tpu.memref_squeeze %dma_wait3A_318 : memref<128x1x128xf32, #tpu.memory_space<hbm>> -> memref<128x128xf32, #tpu.memory_space<hbm>>
        tpu.wait_dma2 semaphore(%arg29 : memref<!tpu.dma_semaphore, #tpu.memory_space<semaphore_mem>>) src(%arg19 : memref<128x128xf32, #tpu.memory_space<vmem>>) dst(%dma_wait3A_319 : memref<128x128xf32, #tpu.memory_space<hbm>>)
      } else {
      }
      %dma_wait3A_75 = arith.constant 0 : i32
      %dma_wait3A_76 = arith.constant 0 : i32
      %dma_wait3A_77 = tpu.memref_slice %arg3[%dma_wait3A_75, %dma_wait3A_76] : memref<1000001x64xf32, #tpu.memory_space<hbm>> -> memref<1000001x64xf32, #tpu.memory_space<hbm>>
      tpu.wait_indirect_dma semaphore(%arg25 : memref<!tpu.dma_semaphore, #tpu.memory_space<semaphore_mem>>) src(%dma_wait3A_77 : memref<1000001x64xf32, #tpu.memory_space<hbm>>) dst(%arg15 : memref<128x64xf32, #tpu.memory_space<vmem>>)
      %get3A = arith.constant 0 : index
      %get3A_78 = tpu.vector_load %arg9[%get3A] {strides = array<i32>} : memref<64xf32, #tpu.memory_space<vmem>>, vector<16xf32>,
      %mul3A_79 = arith.constant 64 : i32
      %mul3A_80 = arith.muli %add3A_59, %mul3A_79 : i32
      %add3A_81 = arith.constant 0 : i32
      %add3A_82 = arith.addi %mul3A_80, %add3A_81 : i32
      %get3A_83 = arith.index_cast %add3A_82 : i32 to index
      %get3A_84 = tpu.vector_load %arg8[%get3A_83] {strides = array<i32>} : memref<12800xf32, #tpu.memory_space<vmem>>, vector<16xf32>,
      %get3A_85 = arith.constant 16 : index
      %get3A_86 = tpu.vector_load %arg9[%get3A_85] {strides = array<i32>} : memref<64xf32, #tpu.memory_space<vmem>>, vector<16xf32>,
      %mul3A_87 = arith.constant 64 : i32
      %mul3A_88 = arith.muli %add3A_59, %mul3A_87 : i32
      %add3A_89 = arith.constant 16 : i32
      %add3A_90 = arith.addi %mul3A_88, %add3A_89 : i32
      %get3A_91 = arith.index_cast %add3A_90 : i32 to index
      %get3A_92 = tpu.vector_load %arg8[%get3A_91] {strides = array<i32>} : memref<12800xf32, #tpu.memory_space<vmem>>, vector<16xf32>,
      %get3A_93 = arith.constant 32 : index
      %get3A_94 = tpu.vector_load %arg9[%get3A_93] {strides = array<i32>} : memref<64xf32, #tpu.memory_space<vmem>>, vector<16xf32>,
      %mul3A_95 = arith.constant 64 : i32
      %mul3A_96 = arith.muli %add3A_59, %mul3A_95 : i32
      %add3A_97 = arith.constant 32 : i32
      %add3A_98 = arith.addi %mul3A_96, %add3A_97 : i32
      %get3A_99 = arith.index_cast %add3A_98 : i32 to index
      %get3A_100 = tpu.vector_load %arg8[%get3A_99] {strides = array<i32>} : memref<12800xf32, #tpu.memory_space<vmem>>, vector<16xf32>,
      %get3A_101 = arith.constant 48 : index
      %get3A_102 = tpu.vector_load %arg9[%get3A_101] {strides = array<i32>} : memref<64xf32, #tpu.memory_space<vmem>>, vector<16xf32>,
      %mul3A_103 = arith.constant 64 : i32
      %mul3A_104 = arith.muli %add3A_59, %mul3A_103 : i32
      %add3A_105 = arith.constant 48 : i32
      %add3A_106 = arith.addi %mul3A_104, %add3A_105 : i32
      %get3A_107 = arith.index_cast %add3A_106 : i32 to index
      %get3A_108 = tpu.vector_load %arg8[%get3A_107] {strides = array<i32>} : memref<12800xf32, #tpu.memory_space<vmem>>, vector<16xf32>,
      %parallel_loop3A = arith.constant 0 : i32
      %parallel_loop3A_109 = arith.constant 128 : i32
      %parallel_loop3A_110 = arith.constant 1 : i32
      scf.for %parallel_loop3A_313 = %parallel_loop3A to %parallel_loop3A_109 step %parallel_loop3A_110  : i32 {
        %parallel_loop3A_314 = arith.index_cast %parallel_loop3A_313 : i32 to index
        %parallel_loop3A_315 = arith.constant 0 : index
        %parallel_loop3A_316 = tpu.vector_load %arg15[%parallel_loop3A_314, %parallel_loop3A_315] {strides = array<i32>} : memref<128x64xf32, #tpu.memory_space<vmem>>, vector<16xf32>,
        %parallel_loop3A_317 = arith.index_cast %parallel_loop3A_313 : i32 to index
        %parallel_loop3A_318 = arith.constant 16 : index
        %parallel_loop3A_319 = tpu.vector_load %arg15[%parallel_loop3A_317, %parallel_loop3A_318] {strides = array<i32>} : memref<128x64xf32, #tpu.memory_space<vmem>>, vector<16xf32>,
        %parallel_loop3A_320 = arith.index_cast %parallel_loop3A_313 : i32 to index
        %parallel_loop3A_321 = arith.constant 32 : index
        %parallel_loop3A_322 = tpu.vector_load %arg15[%parallel_loop3A_320, %parallel_loop3A_321] {strides = array<i32>} : memref<128x64xf32, #tpu.memory_space<vmem>>, vector<16xf32>,
        %parallel_loop3A_323 = arith.index_cast %parallel_loop3A_313 : i32 to index
        %parallel_loop3A_324 = arith.constant 48 : index
        %parallel_loop3A_325 = tpu.vector_load %arg15[%parallel_loop3A_323, %parallel_loop3A_324] {strides = array<i32>} : memref<128x64xf32, #tpu.memory_space<vmem>>, vector<16xf32>,
        %parallel_loop3A_326 = arith.addf %parallel_loop3A_316, %parallel_loop3A_319 : vector<16xf32>
        %parallel_loop3A_327 = arith.addf %parallel_loop3A_322, %parallel_loop3A_325 : vector<16xf32>
        %parallel_loop3A_328 = arith.addf %parallel_loop3A_326, %parallel_loop3A_327 : vector<16xf32>
        %parallel_loop3A_329 = arith.mulf %parallel_loop3A_316, %parallel_loop3A_316 : vector<16xf32>
        %parallel_loop3A_330 = arith.mulf %parallel_loop3A_319, %parallel_loop3A_319 : vector<16xf32>
        %parallel_loop3A_331 = arith.addf %parallel_loop3A_329, %parallel_loop3A_330 : vector<16xf32>
        %parallel_loop3A_332 = arith.mulf %parallel_loop3A_322, %parallel_loop3A_322 : vector<16xf32>
        %parallel_loop3A_333 = arith.mulf %parallel_loop3A_325, %parallel_loop3A_325 : vector<16xf32>
        %parallel_loop3A_334 = arith.addf %parallel_loop3A_332, %parallel_loop3A_333 : vector<16xf32>
        %parallel_loop3A_335 = arith.addf %parallel_loop3A_331, %parallel_loop3A_334 : vector<16xf32>
        %parallel_loop3A_336 = arith.constant true
        %parallel_loop3A_337 = vector.broadcast %parallel_loop3A_336 : i1 to vector<16xi1>
        %parallel_loop3A_338 = tpu.scan <sum>, %parallel_loop3A_328 masked %parallel_loop3A_337 : vector<16xf32>, vector<16xi1> -> vector<16xf32>
        %parallel_loop3A_339 = vector.extract %parallel_loop3A_338[15] : f32 from vector<16xf32>
        %parallel_loop3A_340 = arith.constant 1.562500e-02 : f32
        %parallel_loop3A_341 = arith.mulf %parallel_loop3A_339, %parallel_loop3A_340 : f32
        %parallel_loop3A_342 = vector.broadcast %parallel_loop3A_341 : f32 to vector<16xf32>
        %parallel_loop3A_343 = arith.constant true
        %parallel_loop3A_344 = vector.broadcast %parallel_loop3A_343 : i1 to vector<16xi1>
        %parallel_loop3A_345 = tpu.scan <sum>, %parallel_loop3A_335 masked %parallel_loop3A_344 : vector<16xf32>, vector<16xi1> -> vector<16xf32>
        %parallel_loop3A_346 = vector.extract %parallel_loop3A_345[15] : f32 from vector<16xf32>
        %parallel_loop3A_347 = arith.constant 1.562500e-02 : f32
        %parallel_loop3A_348 = arith.mulf %parallel_loop3A_346, %parallel_loop3A_347 : f32
        %parallel_loop3A_349 = vector.broadcast %parallel_loop3A_348 : f32 to vector<16xf32>
        %parallel_loop3A_350 = arith.mulf %parallel_loop3A_342, %parallel_loop3A_342 : vector<16xf32>
        %parallel_loop3A_351 = arith.subf %parallel_loop3A_349, %parallel_loop3A_350 : vector<16xf32>
        %parallel_loop3A_352 = arith.constant 9.99999974E-6 : f32
        %parallel_loop3A_353 = vector.broadcast %parallel_loop3A_352 : f32 to vector<16xf32>
        %parallel_loop3A_354 = arith.addf %parallel_loop3A_351, %parallel_loop3A_353 : vector<16xf32>
        %parallel_loop3A_355 = vector.bitcast %parallel_loop3A_354 : vector<16xf32> to vector<16xi32>
        %parallel_loop3A_356 = arith.constant 1 : i32
        %parallel_loop3A_357 = vector.broadcast %parallel_loop3A_356 : i32 to vector<16xi32>
        %parallel_loop3A_358 = arith.shrui %parallel_loop3A_355, %parallel_loop3A_357 : vector<16xi32>
        %parallel_loop3A_359 = arith.constant 1597463007 : i32
        %parallel_loop3A_360 = vector.broadcast %parallel_loop3A_359 : i32 to vector<16xi32>
        %parallel_loop3A_361 = arith.subi %parallel_loop3A_360, %parallel_loop3A_358 : vector<16xi32>
        %parallel_loop3A_362 = vector.bitcast %parallel_loop3A_361 : vector<16xi32> to vector<16xf32>
        %parallel_loop3A_363 = arith.constant 5.000000e-01 : f32
        %parallel_loop3A_364 = vector.broadcast %parallel_loop3A_363 : f32 to vector<16xf32>
        %parallel_loop3A_365 = arith.mulf %parallel_loop3A_354, %parallel_loop3A_364 : vector<16xf32>
        %parallel_loop3A_366 = arith.mulf %parallel_loop3A_365, %parallel_loop3A_362 : vector<16xf32>
        %parallel_loop3A_367 = arith.mulf %parallel_loop3A_366, %parallel_loop3A_362 : vector<16xf32>
        %parallel_loop3A_368 = arith.constant 1.500000e+00 : f32
        %parallel_loop3A_369 = vector.broadcast %parallel_loop3A_368 : f32 to vector<16xf32>
        %parallel_loop3A_370 = arith.subf %parallel_loop3A_369, %parallel_loop3A_367 : vector<16xf32>
        %parallel_loop3A_371 = arith.mulf %parallel_loop3A_362, %parallel_loop3A_370 : vector<16xf32>
        %parallel_loop3A_372 = arith.mulf %parallel_loop3A_365, %parallel_loop3A_371 : vector<16xf32>
        %parallel_loop3A_373 = arith.mulf %parallel_loop3A_372, %parallel_loop3A_371 : vector<16xf32>
        %parallel_loop3A_374 = arith.constant 1.500000e+00 : f32
        %parallel_loop3A_375 = vector.broadcast %parallel_loop3A_374 : f32 to vector<16xf32>
        %parallel_loop3A_376 = arith.subf %parallel_loop3A_375, %parallel_loop3A_373 : vector<16xf32>
        %parallel_loop3A_377 = arith.mulf %parallel_loop3A_371, %parallel_loop3A_376 : vector<16xf32>
        %parallel_loop3A_378 = arith.subf %parallel_loop3A_316, %parallel_loop3A_342 : vector<16xf32>
        %parallel_loop3A_379 = arith.mulf %parallel_loop3A_377, %get3A_78 : vector<16xf32>
        %parallel_loop3A_380 = arith.mulf %parallel_loop3A_378, %parallel_loop3A_379 : vector<16xf32>
        %parallel_loop3A_381 = arith.addf %parallel_loop3A_380, %get3A_84 : vector<16xf32>
        %parallel_loop3A_382 = arith.index_cast %parallel_loop3A_313 : i32 to index
        %parallel_loop3A_383 = arith.constant 0 : index
        %parallel_loop3A_384 = tpu.vector_load %arg19[%parallel_loop3A_382, %parallel_loop3A_383] {strides = array<i32>} : memref<128x128xf32, #tpu.memory_space<vmem>>, vector<16xf32>,
        tpu.vector_store %arg19[%parallel_loop3A_382, %parallel_loop3A_383], %parallel_loop3A_381 {strides = array<i32>} : memref<128x128xf32, #tpu.memory_space<vmem>>, vector<16xf32>,
        %parallel_loop3A_385 = arith.subf %parallel_loop3A_319, %parallel_loop3A_342 : vector<16xf32>
        %parallel_loop3A_386 = arith.mulf %parallel_loop3A_377, %get3A_86 : vector<16xf32>
        %parallel_loop3A_387 = arith.mulf %parallel_loop3A_385, %parallel_loop3A_386 : vector<16xf32>
        %parallel_loop3A_388 = arith.addf %parallel_loop3A_387, %get3A_92 : vector<16xf32>
        %parallel_loop3A_389 = arith.index_cast %parallel_loop3A_313 : i32 to index
        %parallel_loop3A_390 = arith.constant 16 : index
        %parallel_loop3A_391 = tpu.vector_load %arg19[%parallel_loop3A_389, %parallel_loop3A_390] {strides = array<i32>} : memref<128x128xf32, #tpu.memory_space<vmem>>, vector<16xf32>,
        tpu.vector_store %arg19[%parallel_loop3A_389, %parallel_loop3A_390], %parallel_loop3A_388 {strides = array<i32>} : memref<128x128xf32, #tpu.memory_space<vmem>>, vector<16xf32>,
        %parallel_loop3A_392 = arith.subf %parallel_loop3A_322, %parallel_loop3A_342 : vector<16xf32>
        %parallel_loop3A_393 = arith.mulf %parallel_loop3A_377, %get3A_94 : vector<16xf32>
        %parallel_loop3A_394 = arith.mulf %parallel_loop3A_392, %parallel_loop3A_393 : vector<16xf32>
        %parallel_loop3A_395 = arith.addf %parallel_loop3A_394, %get3A_100 : vector<16xf32>
        %parallel_loop3A_396 = arith.index_cast %parallel_loop3A_313 : i32 to index
        %parallel_loop3A_397 = arith.constant 32 : index
        %parallel_loop3A_398 = tpu.vector_load %arg19[%parallel_loop3A_396, %parallel_loop3A_397] {strides = array<i32>} : memref<128x128xf32, #tpu.memory_space<vmem>>, vector<16xf32>,
        tpu.vector_store %arg19[%parallel_loop3A_396, %parallel_loop3A_397], %parallel_loop3A_395 {strides = array<i32>} : memref<128x128xf32, #tpu.memory_space<vmem>>, vector<16xf32>,
        %parallel_loop3A_399 = arith.subf %parallel_loop3A_325, %parallel_loop3A_342 : vector<16xf32>
        %parallel_loop3A_400 = arith.mulf %parallel_loop3A_377, %get3A_102 : vector<16xf32>
        %parallel_loop3A_401 = arith.mulf %parallel_loop3A_399, %parallel_loop3A_400 : vector<16xf32>
        %parallel_loop3A_402 = arith.addf %parallel_loop3A_401, %get3A_108 : vector<16xf32>
        %parallel_loop3A_403 = arith.index_cast %parallel_loop3A_313 : i32 to index
        %parallel_loop3A_404 = arith.constant 48 : index
        %parallel_loop3A_405 = tpu.vector_load %arg19[%parallel_loop3A_403, %parallel_loop3A_404] {strides = array<i32>} : memref<128x128xf32, #tpu.memory_space<vmem>>, vector<16xf32>,
        tpu.vector_store %arg19[%parallel_loop3A_403, %parallel_loop3A_404], %parallel_loop3A_402 {strides = array<i32>} : memref<128x128xf32, #tpu.memory_space<vmem>>, vector<16xf32>,
      } {sc.loop_unroll_factor = 4 : i64, sc.parallel_access}
      %dma_start3A_111 = arith.constant 0 : i32
      %dma_start3A_112 = tpu.memref_slice %arg7[%mul3A_2, %add3A_59, %dma_start3A_111] : memref<4096x200x128xf32, #tpu.memory_space<hbm>> -> memref<128x1x128xf32, #tpu.memory_space<hbm>>
      %dma_start3A_113 = tpu.memref_squeeze %dma_start3A_112 : memref<128x1x128xf32, #tpu.memory_space<hbm>> -> memref<128x128xf32, #tpu.memory_space<hbm>>
      %dma_start3A_114 = arith.constant 0 : i32
      %dma_start3A_115 = tpu.memref_slice %arg7[%mul3A_2, %add3A_59, %dma_start3A_114] : memref<4096x200x128xf32, #tpu.memory_space<hbm>> -> memref<128x1x128xf32, #tpu.memory_space<hbm>>
      %dma_start3A_116 = tpu.memref_squeeze %dma_start3A_115 : memref<128x1x128xf32, #tpu.memory_space<hbm>> -> memref<128x128xf32, #tpu.memory_space<hbm>>
      tpu.enqueue_dma source(%arg19 : memref<128x128xf32, #tpu.memory_space<vmem>>) target(%dma_start3A_116 : memref<128x128xf32, #tpu.memory_space<hbm>>) target_semaphore(%arg29 : memref<!tpu.dma_semaphore, #tpu.memory_space<semaphore_mem>>)
      %add3A_117 = arith.constant 1 : i32
      %add3A_118 = arith.addi %mul3A_57, %add3A_117 : i32
      %add3A_119 = arith.constant 3 : i32
      %add3A_120 = arith.addi %add3A_118, %add3A_119 : i32
      %lt3A_121 = arith.constant 200 : i32
      %lt3A_122 = arith.cmpi slt, %add3A_120, %lt3A_121 : i32
      %convert_element_type3A_123 = arith.extui %lt3A_122 : i1 to i32
      %cond3A_124 = arith.constant 0 : i32
      %cond3A_125 = arith.cmpi ne, %convert_element_type3A_123, %cond3A_124 : i32
      scf.if %cond3A_125 {
        %add3A_313 = arith.constant 3 : i32
        %add3A_314 = arith.addi %add3A_118, %add3A_313 : i32
        %mul3A_315 = arith.constant 4096 : i32
        %mul3A_316 = arith.muli %add3A_314, %mul3A_315 : i32
        %add3A_317 = arith.addi %mul3A_316, %mul3A_2 : i32
        %dma_start3A_318 = tpu.memref_slice %arg2[%add3A_317] : memref<819200xi32, #tpu.memory_space<hbm>> -> memref<128xi32, #tpu.memory_space<hbm>>
        %dma_start3A_319 = tpu.memref_slice %arg2[%add3A_317] : memref<819200xi32, #tpu.memory_space<hbm>> -> memref<128xi32, #tpu.memory_space<hbm>>
        tpu.enqueue_dma source(%dma_start3A_319 : memref<128xi32, #tpu.memory_space<hbm>>) target(%arg11 : memref<128xi32, #tpu.memory_space<vmem>>) target_semaphore(%arg21 : memref<!tpu.dma_semaphore, #tpu.memory_space<semaphore_mem>>)
      } else {
      }
      %add3A_126 = arith.constant 2 : i32
      %add3A_127 = arith.addi %add3A_118, %add3A_126 : i32
      %lt3A_128 = arith.constant 200 : i32
      %lt3A_129 = arith.cmpi slt, %add3A_127, %lt3A_128 : i32
      %convert_element_type3A_130 = arith.extui %lt3A_129 : i1 to i32
      %cond3A_131 = arith.constant 0 : i32
      %cond3A_132 = arith.cmpi ne, %convert_element_type3A_130, %cond3A_131 : i32
      scf.if %cond3A_132 {
        %add3A_313 = arith.constant 2 : i32
        %add3A_314 = arith.addi %add3A_118, %add3A_313 : i32
        %mul3A_315 = arith.constant 4096 : i32
        %mul3A_316 = arith.muli %add3A_314, %mul3A_315 : i32
        %add3A_317 = arith.addi %mul3A_316, %mul3A_2 : i32
        %dma_wait3A_318 = tpu.memref_slice %arg2[%add3A_317] : memref<819200xi32, #tpu.memory_space<hbm>> -> memref<128xi32, #tpu.memory_space<hbm>>
        %dma_wait3A_319 = tpu.memref_slice %arg2[%add3A_317] : memref<819200xi32, #tpu.memory_space<hbm>> -> memref<128xi32, #tpu.memory_space<hbm>>
        tpu.wait_dma2 semaphore(%arg24 : memref<!tpu.dma_semaphore, #tpu.memory_space<semaphore_mem>>) src(%dma_wait3A_319 : memref<128xi32, #tpu.memory_space<hbm>>) dst(%arg14 : memref<128xi32, #tpu.memory_space<vmem>>)
        %add3A_320 = arith.constant 2 : i32
        %add3A_321 = arith.addi %add3A_118, %add3A_320 : i32
        %dma_start3A_322 = arith.constant 0 : i32
        %dma_start3A_323 = arith.constant 0 : i32
        %dma_start3A_324 = tpu.memref_slice %arg3[%dma_start3A_322, %dma_start3A_323] : memref<1000001x64xf32, #tpu.memory_space<hbm>> -> memref<1000001x64xf32, #tpu.memory_space<hbm>>
        tpu.enqueue_indirect_dma source(%dma_start3A_324 : memref<1000001x64xf32, #tpu.memory_space<hbm>>) target(%arg18 : memref<128x64xf32, #tpu.memory_space<vmem>>) offsets(%arg14 : memref<128xi32, #tpu.memory_space<vmem>>) semaphore(%arg28 : memref<!tpu.dma_semaphore, #tpu.memory_space<semaphore_mem>>)
      } else {
      }
      %ge3A_133 = arith.constant 2 : i32
      %ge3A_134 = arith.cmpi sge, %add3A_118, %ge3A_133 : i32
      %convert_element_type3A_135 = arith.extui %ge3A_134 : i1 to i32
      %cond3A_136 = arith.constant 0 : i32
      %cond3A_137 = arith.cmpi ne, %convert_element_type3A_135, %cond3A_136 : i32
      scf.if %cond3A_137 {
        %sub3A = arith.constant 2 : i32
        %sub3A_313 = arith.subi %add3A_118, %sub3A : i32
        %dma_wait3A_314 = arith.constant 0 : i32
        %dma_wait3A_315 = tpu.memref_slice %arg7[%mul3A_2, %sub3A_313, %dma_wait3A_314] : memref<4096x200x128xf32, #tpu.memory_space<hbm>> -> memref<128x1x128xf32, #tpu.memory_space<hbm>>
        %dma_wait3A_316 = tpu.memref_squeeze %dma_wait3A_315 : memref<128x1x128xf32, #tpu.memory_space<hbm>> -> memref<128x128xf32, #tpu.memory_space<hbm>>
        %dma_wait3A_317 = arith.constant 0 : i32
        %dma_wait3A_318 = tpu.memref_slice %arg7[%mul3A_2, %sub3A_313, %dma_wait3A_317] : memref<4096x200x128xf32, #tpu.memory_space<hbm>> -> memref<128x1x128xf32, #tpu.memory_space<hbm>>
        %dma_wait3A_319 = tpu.memref_squeeze %dma_wait3A_318 : memref<128x1x128xf32, #tpu.memory_space<hbm>> -> memref<128x128xf32, #tpu.memory_space<hbm>>
        tpu.wait_dma2 semaphore(%arg30 : memref<!tpu.dma_semaphore, #tpu.memory_space<semaphore_mem>>) src(%arg20 : memref<128x128xf32, #tpu.memory_space<vmem>>) dst(%dma_wait3A_319 : memref<128x128xf32, #tpu.memory_space<hbm>>)
      } else {
      }
      %dma_wait3A_138 = arith.constant 0 : i32
      %dma_wait3A_139 = arith.constant 0 : i32
      %dma_wait3A_140 = tpu.memref_slice %arg3[%dma_wait3A_138, %dma_wait3A_139] : memref<1000001x64xf32, #tpu.memory_space<hbm>> -> memref<1000001x64xf32, #tpu.memory_space<hbm>>
      tpu.wait_indirect_dma semaphore(%arg26 : memref<!tpu.dma_semaphore, #tpu.memory_space<semaphore_mem>>) src(%dma_wait3A_140 : memref<1000001x64xf32, #tpu.memory_space<hbm>>) dst(%arg16 : memref<128x64xf32, #tpu.memory_space<vmem>>)
      %get3A_141 = arith.constant 0 : index
      %get3A_142 = tpu.vector_load %arg9[%get3A_141] {strides = array<i32>} : memref<64xf32, #tpu.memory_space<vmem>>, vector<16xf32>,
      %mul3A_143 = arith.constant 64 : i32
      %mul3A_144 = arith.muli %add3A_118, %mul3A_143 : i32
      %add3A_145 = arith.constant 0 : i32
      %add3A_146 = arith.addi %mul3A_144, %add3A_145 : i32
      %get3A_147 = arith.index_cast %add3A_146 : i32 to index
      %get3A_148 = tpu.vector_load %arg8[%get3A_147] {strides = array<i32>} : memref<12800xf32, #tpu.memory_space<vmem>>, vector<16xf32>,
      %get3A_149 = arith.constant 16 : index
      %get3A_150 = tpu.vector_load %arg9[%get3A_149] {strides = array<i32>} : memref<64xf32, #tpu.memory_space<vmem>>, vector<16xf32>,
      %mul3A_151 = arith.constant 64 : i32
      %mul3A_152 = arith.muli %add3A_118, %mul3A_151 : i32
      %add3A_153 = arith.constant 16 : i32
      %add3A_154 = arith.addi %mul3A_152, %add3A_153 : i32
      %get3A_155 = arith.index_cast %add3A_154 : i32 to index
      %get3A_156 = tpu.vector_load %arg8[%get3A_155] {strides = array<i32>} : memref<12800xf32, #tpu.memory_space<vmem>>, vector<16xf32>,
      %get3A_157 = arith.constant 32 : index
      %get3A_158 = tpu.vector_load %arg9[%get3A_157] {strides = array<i32>} : memref<64xf32, #tpu.memory_space<vmem>>, vector<16xf32>,
      %mul3A_159 = arith.constant 64 : i32
      %mul3A_160 = arith.muli %add3A_118, %mul3A_159 : i32
      %add3A_161 = arith.constant 32 : i32
      %add3A_162 = arith.addi %mul3A_160, %add3A_161 : i32
      %get3A_163 = arith.index_cast %add3A_162 : i32 to index
      %get3A_164 = tpu.vector_load %arg8[%get3A_163] {strides = array<i32>} : memref<12800xf32, #tpu.memory_space<vmem>>, vector<16xf32>,
      %get3A_165 = arith.constant 48 : index
      %get3A_166 = tpu.vector_load %arg9[%get3A_165] {strides = array<i32>} : memref<64xf32, #tpu.memory_space<vmem>>, vector<16xf32>,
      %mul3A_167 = arith.constant 64 : i32
      %mul3A_168 = arith.muli %add3A_118, %mul3A_167 : i32
      %add3A_169 = arith.constant 48 : i32
      %add3A_170 = arith.addi %mul3A_168, %add3A_169 : i32
      %get3A_171 = arith.index_cast %add3A_170 : i32 to index
      %get3A_172 = tpu.vector_load %arg8[%get3A_171] {strides = array<i32>} : memref<12800xf32, #tpu.memory_space<vmem>>, vector<16xf32>,
      %parallel_loop3A_173 = arith.constant 0 : i32
      %parallel_loop3A_174 = arith.constant 128 : i32
      %parallel_loop3A_175 = arith.constant 1 : i32
      scf.for %parallel_loop3A_313 = %parallel_loop3A_173 to %parallel_loop3A_174 step %parallel_loop3A_175  : i32 {
        %parallel_loop3A_314 = arith.index_cast %parallel_loop3A_313 : i32 to index
        %parallel_loop3A_315 = arith.constant 0 : index
        %parallel_loop3A_316 = tpu.vector_load %arg16[%parallel_loop3A_314, %parallel_loop3A_315] {strides = array<i32>} : memref<128x64xf32, #tpu.memory_space<vmem>>, vector<16xf32>,
        %parallel_loop3A_317 = arith.index_cast %parallel_loop3A_313 : i32 to index
        %parallel_loop3A_318 = arith.constant 16 : index
        %parallel_loop3A_319 = tpu.vector_load %arg16[%parallel_loop3A_317, %parallel_loop3A_318] {strides = array<i32>} : memref<128x64xf32, #tpu.memory_space<vmem>>, vector<16xf32>,
        %parallel_loop3A_320 = arith.index_cast %parallel_loop3A_313 : i32 to index
        %parallel_loop3A_321 = arith.constant 32 : index
        %parallel_loop3A_322 = tpu.vector_load %arg16[%parallel_loop3A_320, %parallel_loop3A_321] {strides = array<i32>} : memref<128x64xf32, #tpu.memory_space<vmem>>, vector<16xf32>,
        %parallel_loop3A_323 = arith.index_cast %parallel_loop3A_313 : i32 to index
        %parallel_loop3A_324 = arith.constant 48 : index
        %parallel_loop3A_325 = tpu.vector_load %arg16[%parallel_loop3A_323, %parallel_loop3A_324] {strides = array<i32>} : memref<128x64xf32, #tpu.memory_space<vmem>>, vector<16xf32>,
        %parallel_loop3A_326 = arith.addf %parallel_loop3A_316, %parallel_loop3A_319 : vector<16xf32>
        %parallel_loop3A_327 = arith.addf %parallel_loop3A_322, %parallel_loop3A_325 : vector<16xf32>
        %parallel_loop3A_328 = arith.addf %parallel_loop3A_326, %parallel_loop3A_327 : vector<16xf32>
        %parallel_loop3A_329 = arith.mulf %parallel_loop3A_316, %parallel_loop3A_316 : vector<16xf32>
        %parallel_loop3A_330 = arith.mulf %parallel_loop3A_319, %parallel_loop3A_319 : vector<16xf32>
        %parallel_loop3A_331 = arith.addf %parallel_loop3A_329, %parallel_loop3A_330 : vector<16xf32>
        %parallel_loop3A_332 = arith.mulf %parallel_loop3A_322, %parallel_loop3A_322 : vector<16xf32>
        %parallel_loop3A_333 = arith.mulf %parallel_loop3A_325, %parallel_loop3A_325 : vector<16xf32>
        %parallel_loop3A_334 = arith.addf %parallel_loop3A_332, %parallel_loop3A_333 : vector<16xf32>
        %parallel_loop3A_335 = arith.addf %parallel_loop3A_331, %parallel_loop3A_334 : vector<16xf32>
        %parallel_loop3A_336 = arith.constant true
        %parallel_loop3A_337 = vector.broadcast %parallel_loop3A_336 : i1 to vector<16xi1>
        %parallel_loop3A_338 = tpu.scan <sum>, %parallel_loop3A_328 masked %parallel_loop3A_337 : vector<16xf32>, vector<16xi1> -> vector<16xf32>
        %parallel_loop3A_339 = vector.extract %parallel_loop3A_338[15] : f32 from vector<16xf32>
        %parallel_loop3A_340 = arith.constant 1.562500e-02 : f32
        %parallel_loop3A_341 = arith.mulf %parallel_loop3A_339, %parallel_loop3A_340 : f32
        %parallel_loop3A_342 = vector.broadcast %parallel_loop3A_341 : f32 to vector<16xf32>
        %parallel_loop3A_343 = arith.constant true
        %parallel_loop3A_344 = vector.broadcast %parallel_loop3A_343 : i1 to vector<16xi1>
        %parallel_loop3A_345 = tpu.scan <sum>, %parallel_loop3A_335 masked %parallel_loop3A_344 : vector<16xf32>, vector<16xi1> -> vector<16xf32>
        %parallel_loop3A_346 = vector.extract %parallel_loop3A_345[15] : f32 from vector<16xf32>
        %parallel_loop3A_347 = arith.constant 1.562500e-02 : f32
        %parallel_loop3A_348 = arith.mulf %parallel_loop3A_346, %parallel_loop3A_347 : f32
        %parallel_loop3A_349 = vector.broadcast %parallel_loop3A_348 : f32 to vector<16xf32>
        %parallel_loop3A_350 = arith.mulf %parallel_loop3A_342, %parallel_loop3A_342 : vector<16xf32>
        %parallel_loop3A_351 = arith.subf %parallel_loop3A_349, %parallel_loop3A_350 : vector<16xf32>
        %parallel_loop3A_352 = arith.constant 9.99999974E-6 : f32
        %parallel_loop3A_353 = vector.broadcast %parallel_loop3A_352 : f32 to vector<16xf32>
        %parallel_loop3A_354 = arith.addf %parallel_loop3A_351, %parallel_loop3A_353 : vector<16xf32>
        %parallel_loop3A_355 = vector.bitcast %parallel_loop3A_354 : vector<16xf32> to vector<16xi32>
        %parallel_loop3A_356 = arith.constant 1 : i32
        %parallel_loop3A_357 = vector.broadcast %parallel_loop3A_356 : i32 to vector<16xi32>
        %parallel_loop3A_358 = arith.shrui %parallel_loop3A_355, %parallel_loop3A_357 : vector<16xi32>
        %parallel_loop3A_359 = arith.constant 1597463007 : i32
        %parallel_loop3A_360 = vector.broadcast %parallel_loop3A_359 : i32 to vector<16xi32>
        %parallel_loop3A_361 = arith.subi %parallel_loop3A_360, %parallel_loop3A_358 : vector<16xi32>
        %parallel_loop3A_362 = vector.bitcast %parallel_loop3A_361 : vector<16xi32> to vector<16xf32>
        %parallel_loop3A_363 = arith.constant 5.000000e-01 : f32
        %parallel_loop3A_364 = vector.broadcast %parallel_loop3A_363 : f32 to vector<16xf32>
        %parallel_loop3A_365 = arith.mulf %parallel_loop3A_354, %parallel_loop3A_364 : vector<16xf32>
        %parallel_loop3A_366 = arith.mulf %parallel_loop3A_365, %parallel_loop3A_362 : vector<16xf32>
        %parallel_loop3A_367 = arith.mulf %parallel_loop3A_366, %parallel_loop3A_362 : vector<16xf32>
        %parallel_loop3A_368 = arith.constant 1.500000e+00 : f32
        %parallel_loop3A_369 = vector.broadcast %parallel_loop3A_368 : f32 to vector<16xf32>
        %parallel_loop3A_370 = arith.subf %parallel_loop3A_369, %parallel_loop3A_367 : vector<16xf32>
        %parallel_loop3A_371 = arith.mulf %parallel_loop3A_362, %parallel_loop3A_370 : vector<16xf32>
        %parallel_loop3A_372 = arith.mulf %parallel_loop3A_365, %parallel_loop3A_371 : vector<16xf32>
        %parallel_loop3A_373 = arith.mulf %parallel_loop3A_372, %parallel_loop3A_371 : vector<16xf32>
        %parallel_loop3A_374 = arith.constant 1.500000e+00 : f32
        %parallel_loop3A_375 = vector.broadcast %parallel_loop3A_374 : f32 to vector<16xf32>
        %parallel_loop3A_376 = arith.subf %parallel_loop3A_375, %parallel_loop3A_373 : vector<16xf32>
        %parallel_loop3A_377 = arith.mulf %parallel_loop3A_371, %parallel_loop3A_376 : vector<16xf32>
        %parallel_loop3A_378 = arith.subf %parallel_loop3A_316, %parallel_loop3A_342 : vector<16xf32>
        %parallel_loop3A_379 = arith.mulf %parallel_loop3A_377, %get3A_142 : vector<16xf32>
        %parallel_loop3A_380 = arith.mulf %parallel_loop3A_378, %parallel_loop3A_379 : vector<16xf32>
        %parallel_loop3A_381 = arith.addf %parallel_loop3A_380, %get3A_148 : vector<16xf32>
        %parallel_loop3A_382 = arith.index_cast %parallel_loop3A_313 : i32 to index
        %parallel_loop3A_383 = arith.constant 0 : index
        %parallel_loop3A_384 = tpu.vector_load %arg20[%parallel_loop3A_382, %parallel_loop3A_383] {strides = array<i32>} : memref<128x128xf32, #tpu.memory_space<vmem>>, vector<16xf32>,
        tpu.vector_store %arg20[%parallel_loop3A_382, %parallel_loop3A_383], %parallel_loop3A_381 {strides = array<i32>} : memref<128x128xf32, #tpu.memory_space<vmem>>, vector<16xf32>,
        %parallel_loop3A_385 = arith.subf %parallel_loop3A_319, %parallel_loop3A_342 : vector<16xf32>
        %parallel_loop3A_386 = arith.mulf %parallel_loop3A_377, %get3A_150 : vector<16xf32>
        %parallel_loop3A_387 = arith.mulf %parallel_loop3A_385, %parallel_loop3A_386 : vector<16xf32>
        %parallel_loop3A_388 = arith.addf %parallel_loop3A_387, %get3A_156 : vector<16xf32>
        %parallel_loop3A_389 = arith.index_cast %parallel_loop3A_313 : i32 to index
        %parallel_loop3A_390 = arith.constant 16 : index
        %parallel_loop3A_391 = tpu.vector_load %arg20[%parallel_loop3A_389, %parallel_loop3A_390] {strides = array<i32>} : memref<128x128xf32, #tpu.memory_space<vmem>>, vector<16xf32>,
        tpu.vector_store %arg20[%parallel_loop3A_389, %parallel_loop3A_390], %parallel_loop3A_388 {strides = array<i32>} : memref<128x128xf32, #tpu.memory_space<vmem>>, vector<16xf32>,
        %parallel_loop3A_392 = arith.subf %parallel_loop3A_322, %parallel_loop3A_342 : vector<16xf32>
        %parallel_loop3A_393 = arith.mulf %parallel_loop3A_377, %get3A_158 : vector<16xf32>
        %parallel_loop3A_394 = arith.mulf %parallel_loop3A_392, %parallel_loop3A_393 : vector<16xf32>
        %parallel_loop3A_395 = arith.addf %parallel_loop3A_394, %get3A_164 : vector<16xf32>
        %parallel_loop3A_396 = arith.index_cast %parallel_loop3A_313 : i32 to index
        %parallel_loop3A_397 = arith.constant 32 : index
        %parallel_loop3A_398 = tpu.vector_load %arg20[%parallel_loop3A_396, %parallel_loop3A_397] {strides = array<i32>} : memref<128x128xf32, #tpu.memory_space<vmem>>, vector<16xf32>,
        tpu.vector_store %arg20[%parallel_loop3A_396, %parallel_loop3A_397], %parallel_loop3A_395 {strides = array<i32>} : memref<128x128xf32, #tpu.memory_space<vmem>>, vector<16xf32>,
        %parallel_loop3A_399 = arith.subf %parallel_loop3A_325, %parallel_loop3A_342 : vector<16xf32>
        %parallel_loop3A_400 = arith.mulf %parallel_loop3A_377, %get3A_166 : vector<16xf32>
        %parallel_loop3A_401 = arith.mulf %parallel_loop3A_399, %parallel_loop3A_400 : vector<16xf32>
        %parallel_loop3A_402 = arith.addf %parallel_loop3A_401, %get3A_172 : vector<16xf32>
        %parallel_loop3A_403 = arith.index_cast %parallel_loop3A_313 : i32 to index
        %parallel_loop3A_404 = arith.constant 48 : index
        %parallel_loop3A_405 = tpu.vector_load %arg20[%parallel_loop3A_403, %parallel_loop3A_404] {strides = array<i32>} : memref<128x128xf32, #tpu.memory_space<vmem>>, vector<16xf32>,
        tpu.vector_store %arg20[%parallel_loop3A_403, %parallel_loop3A_404], %parallel_loop3A_402 {strides = array<i32>} : memref<128x128xf32, #tpu.memory_space<vmem>>, vector<16xf32>,
      } {sc.loop_unroll_factor = 4 : i64, sc.parallel_access}
      %dma_start3A_176 = arith.constant 0 : i32
      %dma_start3A_177 = tpu.memref_slice %arg7[%mul3A_2, %add3A_118, %dma_start3A_176] : memref<4096x200x128xf32, #tpu.memory_space<hbm>> -> memref<128x1x128xf32, #tpu.memory_space<hbm>>
      %dma_start3A_178 = tpu.memref_squeeze %dma_start3A_177 : memref<128x1x128xf32, #tpu.memory_space<hbm>> -> memref<128x128xf32, #tpu.memory_space<hbm>>
      %dma_start3A_179 = arith.constant 0 : i32
      %dma_start3A_180 = tpu.memref_slice %arg7[%mul3A_2, %add3A_118, %dma_start3A_179] : memref<4096x200x128xf32, #tpu.memory_space<hbm>> -> memref<128x1x128xf32, #tpu.memory_space<hbm>>
      %dma_start3A_181 = tpu.memref_squeeze %dma_start3A_180 : memref<128x1x128xf32, #tpu.memory_space<hbm>> -> memref<128x128xf32, #tpu.memory_space<hbm>>
      tpu.enqueue_dma source(%arg20 : memref<128x128xf32, #tpu.memory_space<vmem>>) target(%dma_start3A_181 : memref<128x128xf32, #tpu.memory_space<hbm>>) target_semaphore(%arg30 : memref<!tpu.dma_semaphore, #tpu.memory_space<semaphore_mem>>)
      %add3A_182 = arith.constant 2 : i32
      %add3A_183 = arith.addi %mul3A_57, %add3A_182 : i32
      %add3A_184 = arith.constant 3 : i32
      %add3A_185 = arith.addi %add3A_183, %add3A_184 : i32
      %lt3A_186 = arith.constant 200 : i32
      %lt3A_187 = arith.cmpi slt, %add3A_185, %lt3A_186 : i32
      %convert_element_type3A_188 = arith.extui %lt3A_187 : i1 to i32
      %cond3A_189 = arith.constant 0 : i32
      %cond3A_190 = arith.cmpi ne, %convert_element_type3A_188, %cond3A_189 : i32
      scf.if %cond3A_190 {
        %add3A_313 = arith.constant 3 : i32
        %add3A_314 = arith.addi %add3A_183, %add3A_313 : i32
        %mul3A_315 = arith.constant 4096 : i32
        %mul3A_316 = arith.muli %add3A_314, %mul3A_315 : i32
        %add3A_317 = arith.addi %mul3A_316, %mul3A_2 : i32
        %dma_start3A_318 = tpu.memref_slice %arg2[%add3A_317] : memref<819200xi32, #tpu.memory_space<hbm>> -> memref<128xi32, #tpu.memory_space<hbm>>
        %dma_start3A_319 = tpu.memref_slice %arg2[%add3A_317] : memref<819200xi32, #tpu.memory_space<hbm>> -> memref<128xi32, #tpu.memory_space<hbm>>
        tpu.enqueue_dma source(%dma_start3A_319 : memref<128xi32, #tpu.memory_space<hbm>>) target(%arg12 : memref<128xi32, #tpu.memory_space<vmem>>) target_semaphore(%arg22 : memref<!tpu.dma_semaphore, #tpu.memory_space<semaphore_mem>>)
      } else {
      }
      %add3A_191 = arith.constant 2 : i32
      %add3A_192 = arith.addi %add3A_183, %add3A_191 : i32
      %lt3A_193 = arith.constant 200 : i32
      %lt3A_194 = arith.cmpi slt, %add3A_192, %lt3A_193 : i32
      %convert_element_type3A_195 = arith.extui %lt3A_194 : i1 to i32
      %cond3A_196 = arith.constant 0 : i32
      %cond3A_197 = arith.cmpi ne, %convert_element_type3A_195, %cond3A_196 : i32
      scf.if %cond3A_197 {
        %add3A_313 = arith.constant 2 : i32
        %add3A_314 = arith.addi %add3A_183, %add3A_313 : i32
        %mul3A_315 = arith.constant 4096 : i32
        %mul3A_316 = arith.muli %add3A_314, %mul3A_315 : i32
        %add3A_317 = arith.addi %mul3A_316, %mul3A_2 : i32
        %dma_wait3A_318 = tpu.memref_slice %arg2[%add3A_317] : memref<819200xi32, #tpu.memory_space<hbm>> -> memref<128xi32, #tpu.memory_space<hbm>>
        %dma_wait3A_319 = tpu.memref_slice %arg2[%add3A_317] : memref<819200xi32, #tpu.memory_space<hbm>> -> memref<128xi32, #tpu.memory_space<hbm>>
        tpu.wait_dma2 semaphore(%arg21 : memref<!tpu.dma_semaphore, #tpu.memory_space<semaphore_mem>>) src(%dma_wait3A_319 : memref<128xi32, #tpu.memory_space<hbm>>) dst(%arg11 : memref<128xi32, #tpu.memory_space<vmem>>)
        %add3A_320 = arith.constant 2 : i32
        %add3A_321 = arith.addi %add3A_183, %add3A_320 : i32
        %dma_start3A_322 = arith.constant 0 : i32
        %dma_start3A_323 = arith.constant 0 : i32
        %dma_start3A_324 = tpu.memref_slice %arg3[%dma_start3A_322, %dma_start3A_323] : memref<1000001x64xf32, #tpu.memory_space<hbm>> -> memref<1000001x64xf32, #tpu.memory_space<hbm>>
        tpu.enqueue_indirect_dma source(%dma_start3A_324 : memref<1000001x64xf32, #tpu.memory_space<hbm>>) target(%arg15 : memref<128x64xf32, #tpu.memory_space<vmem>>) offsets(%arg11 : memref<128xi32, #tpu.memory_space<vmem>>) semaphore(%arg25 : memref<!tpu.dma_semaphore, #tpu.memory_space<semaphore_mem>>)
      } else {
      }
      %ge3A_198 = arith.constant 2 : i32
      %ge3A_199 = arith.cmpi sge, %add3A_183, %ge3A_198 : i32
      %convert_element_type3A_200 = arith.extui %ge3A_199 : i1 to i32
      %cond3A_201 = arith.constant 0 : i32
      %cond3A_202 = arith.cmpi ne, %convert_element_type3A_200, %cond3A_201 : i32
      scf.if %cond3A_202 {
        %sub3A = arith.constant 2 : i32
        %sub3A_313 = arith.subi %add3A_183, %sub3A : i32
        %dma_wait3A_314 = arith.constant 0 : i32
        %dma_wait3A_315 = tpu.memref_slice %arg7[%mul3A_2, %sub3A_313, %dma_wait3A_314] : memref<4096x200x128xf32, #tpu.memory_space<hbm>> -> memref<128x1x128xf32, #tpu.memory_space<hbm>>
        %dma_wait3A_316 = tpu.memref_squeeze %dma_wait3A_315 : memref<128x1x128xf32, #tpu.memory_space<hbm>> -> memref<128x128xf32, #tpu.memory_space<hbm>>
        %dma_wait3A_317 = arith.constant 0 : i32
        %dma_wait3A_318 = tpu.memref_slice %arg7[%mul3A_2, %sub3A_313, %dma_wait3A_317] : memref<4096x200x128xf32, #tpu.memory_space<hbm>> -> memref<128x1x128xf32, #tpu.memory_space<hbm>>
        %dma_wait3A_319 = tpu.memref_squeeze %dma_wait3A_318 : memref<128x1x128xf32, #tpu.memory_space<hbm>> -> memref<128x128xf32, #tpu.memory_space<hbm>>
        tpu.wait_dma2 semaphore(%arg29 : memref<!tpu.dma_semaphore, #tpu.memory_space<semaphore_mem>>) src(%arg19 : memref<128x128xf32, #tpu.memory_space<vmem>>) dst(%dma_wait3A_319 : memref<128x128xf32, #tpu.memory_space<hbm>>)
      } else {
      }
      %dma_wait3A_203 = arith.constant 0 : i32
      %dma_wait3A_204 = arith.constant 0 : i32
      %dma_wait3A_205 = tpu.memref_slice %arg3[%dma_wait3A_203, %dma_wait3A_204] : memref<1000001x64xf32, #tpu.memory_space<hbm>> -> memref<1000001x64xf32, #tpu.memory_space<hbm>>
      tpu.wait_indirect_dma semaphore(%arg27 : memref<!tpu.dma_semaphore, #tpu.memory_space<semaphore_mem>>) src(%dma_wait3A_205 : memref<1000001x64xf32, #tpu.memory_space<hbm>>) dst(%arg17 : memref<128x64xf32, #tpu.memory_space<vmem>>)
      %get3A_206 = arith.constant 0 : index
      %get3A_207 = tpu.vector_load %arg9[%get3A_206] {strides = array<i32>} : memref<64xf32, #tpu.memory_space<vmem>>, vector<16xf32>,
      %mul3A_208 = arith.constant 64 : i32
      %mul3A_209 = arith.muli %add3A_183, %mul3A_208 : i32
      %add3A_210 = arith.constant 0 : i32
      %add3A_211 = arith.addi %mul3A_209, %add3A_210 : i32
      %get3A_212 = arith.index_cast %add3A_211 : i32 to index
      %get3A_213 = tpu.vector_load %arg8[%get3A_212] {strides = array<i32>} : memref<12800xf32, #tpu.memory_space<vmem>>, vector<16xf32>,
      %get3A_214 = arith.constant 16 : index
      %get3A_215 = tpu.vector_load %arg9[%get3A_214] {strides = array<i32>} : memref<64xf32, #tpu.memory_space<vmem>>, vector<16xf32>,
      %mul3A_216 = arith.constant 64 : i32
      %mul3A_217 = arith.muli %add3A_183, %mul3A_216 : i32
      %add3A_218 = arith.constant 16 : i32
      %add3A_219 = arith.addi %mul3A_217, %add3A_218 : i32
      %get3A_220 = arith.index_cast %add3A_219 : i32 to index
      %get3A_221 = tpu.vector_load %arg8[%get3A_220] {strides = array<i32>} : memref<12800xf32, #tpu.memory_space<vmem>>, vector<16xf32>,
      %get3A_222 = arith.constant 32 : index
      %get3A_223 = tpu.vector_load %arg9[%get3A_222] {strides = array<i32>} : memref<64xf32, #tpu.memory_space<vmem>>, vector<16xf32>,
      %mul3A_224 = arith.constant 64 : i32
      %mul3A_225 = arith.muli %add3A_183, %mul3A_224 : i32
      %add3A_226 = arith.constant 32 : i32
      %add3A_227 = arith.addi %mul3A_225, %add3A_226 : i32
      %get3A_228 = arith.index_cast %add3A_227 : i32 to index
      %get3A_229 = tpu.vector_load %arg8[%get3A_228] {strides = array<i32>} : memref<12800xf32, #tpu.memory_space<vmem>>, vector<16xf32>,
      %get3A_230 = arith.constant 48 : index
      %get3A_231 = tpu.vector_load %arg9[%get3A_230] {strides = array<i32>} : memref<64xf32, #tpu.memory_space<vmem>>, vector<16xf32>,
      %mul3A_232 = arith.constant 64 : i32
      %mul3A_233 = arith.muli %add3A_183, %mul3A_232 : i32
      %add3A_234 = arith.constant 48 : i32
      %add3A_235 = arith.addi %mul3A_233, %add3A_234 : i32
      %get3A_236 = arith.index_cast %add3A_235 : i32 to index
      %get3A_237 = tpu.vector_load %arg8[%get3A_236] {strides = array<i32>} : memref<12800xf32, #tpu.memory_space<vmem>>, vector<16xf32>,
      %parallel_loop3A_238 = arith.constant 0 : i32
      %parallel_loop3A_239 = arith.constant 128 : i32
      %parallel_loop3A_240 = arith.constant 1 : i32
      scf.for %parallel_loop3A_313 = %parallel_loop3A_238 to %parallel_loop3A_239 step %parallel_loop3A_240  : i32 {
        %parallel_loop3A_314 = arith.index_cast %parallel_loop3A_313 : i32 to index
        %parallel_loop3A_315 = arith.constant 0 : index
        %parallel_loop3A_316 = tpu.vector_load %arg17[%parallel_loop3A_314, %parallel_loop3A_315] {strides = array<i32>} : memref<128x64xf32, #tpu.memory_space<vmem>>, vector<16xf32>,
        %parallel_loop3A_317 = arith.index_cast %parallel_loop3A_313 : i32 to index
        %parallel_loop3A_318 = arith.constant 16 : index
        %parallel_loop3A_319 = tpu.vector_load %arg17[%parallel_loop3A_317, %parallel_loop3A_318] {strides = array<i32>} : memref<128x64xf32, #tpu.memory_space<vmem>>, vector<16xf32>,
        %parallel_loop3A_320 = arith.index_cast %parallel_loop3A_313 : i32 to index
        %parallel_loop3A_321 = arith.constant 32 : index
        %parallel_loop3A_322 = tpu.vector_load %arg17[%parallel_loop3A_320, %parallel_loop3A_321] {strides = array<i32>} : memref<128x64xf32, #tpu.memory_space<vmem>>, vector<16xf32>,
        %parallel_loop3A_323 = arith.index_cast %parallel_loop3A_313 : i32 to index
        %parallel_loop3A_324 = arith.constant 48 : index
        %parallel_loop3A_325 = tpu.vector_load %arg17[%parallel_loop3A_323, %parallel_loop3A_324] {strides = array<i32>} : memref<128x64xf32, #tpu.memory_space<vmem>>, vector<16xf32>,
        %parallel_loop3A_326 = arith.addf %parallel_loop3A_316, %parallel_loop3A_319 : vector<16xf32>
        %parallel_loop3A_327 = arith.addf %parallel_loop3A_322, %parallel_loop3A_325 : vector<16xf32>
        %parallel_loop3A_328 = arith.addf %parallel_loop3A_326, %parallel_loop3A_327 : vector<16xf32>
        %parallel_loop3A_329 = arith.mulf %parallel_loop3A_316, %parallel_loop3A_316 : vector<16xf32>
        %parallel_loop3A_330 = arith.mulf %parallel_loop3A_319, %parallel_loop3A_319 : vector<16xf32>
        %parallel_loop3A_331 = arith.addf %parallel_loop3A_329, %parallel_loop3A_330 : vector<16xf32>
        %parallel_loop3A_332 = arith.mulf %parallel_loop3A_322, %parallel_loop3A_322 : vector<16xf32>
        %parallel_loop3A_333 = arith.mulf %parallel_loop3A_325, %parallel_loop3A_325 : vector<16xf32>
        %parallel_loop3A_334 = arith.addf %parallel_loop3A_332, %parallel_loop3A_333 : vector<16xf32>
        %parallel_loop3A_335 = arith.addf %parallel_loop3A_331, %parallel_loop3A_334 : vector<16xf32>
        %parallel_loop3A_336 = arith.constant true
        %parallel_loop3A_337 = vector.broadcast %parallel_loop3A_336 : i1 to vector<16xi1>
        %parallel_loop3A_338 = tpu.scan <sum>, %parallel_loop3A_328 masked %parallel_loop3A_337 : vector<16xf32>, vector<16xi1> -> vector<16xf32>
        %parallel_loop3A_339 = vector.extract %parallel_loop3A_338[15] : f32 from vector<16xf32>
        %parallel_loop3A_340 = arith.constant 1.562500e-02 : f32
        %parallel_loop3A_341 = arith.mulf %parallel_loop3A_339, %parallel_loop3A_340 : f32
        %parallel_loop3A_342 = vector.broadcast %parallel_loop3A_341 : f32 to vector<16xf32>
        %parallel_loop3A_343 = arith.constant true
        %parallel_loop3A_344 = vector.broadcast %parallel_loop3A_343 : i1 to vector<16xi1>
        %parallel_loop3A_345 = tpu.scan <sum>, %parallel_loop3A_335 masked %parallel_loop3A_344 : vector<16xf32>, vector<16xi1> -> vector<16xf32>
        %parallel_loop3A_346 = vector.extract %parallel_loop3A_345[15] : f32 from vector<16xf32>
        %parallel_loop3A_347 = arith.constant 1.562500e-02 : f32
        %parallel_loop3A_348 = arith.mulf %parallel_loop3A_346, %parallel_loop3A_347 : f32
        %parallel_loop3A_349 = vector.broadcast %parallel_loop3A_348 : f32 to vector<16xf32>
        %parallel_loop3A_350 = arith.mulf %parallel_loop3A_342, %parallel_loop3A_342 : vector<16xf32>
        %parallel_loop3A_351 = arith.subf %parallel_loop3A_349, %parallel_loop3A_350 : vector<16xf32>
        %parallel_loop3A_352 = arith.constant 9.99999974E-6 : f32
        %parallel_loop3A_353 = vector.broadcast %parallel_loop3A_352 : f32 to vector<16xf32>
        %parallel_loop3A_354 = arith.addf %parallel_loop3A_351, %parallel_loop3A_353 : vector<16xf32>
        %parallel_loop3A_355 = vector.bitcast %parallel_loop3A_354 : vector<16xf32> to vector<16xi32>
        %parallel_loop3A_356 = arith.constant 1 : i32
        %parallel_loop3A_357 = vector.broadcast %parallel_loop3A_356 : i32 to vector<16xi32>
        %parallel_loop3A_358 = arith.shrui %parallel_loop3A_355, %parallel_loop3A_357 : vector<16xi32>
        %parallel_loop3A_359 = arith.constant 1597463007 : i32
        %parallel_loop3A_360 = vector.broadcast %parallel_loop3A_359 : i32 to vector<16xi32>
        %parallel_loop3A_361 = arith.subi %parallel_loop3A_360, %parallel_loop3A_358 : vector<16xi32>
        %parallel_loop3A_362 = vector.bitcast %parallel_loop3A_361 : vector<16xi32> to vector<16xf32>
        %parallel_loop3A_363 = arith.constant 5.000000e-01 : f32
        %parallel_loop3A_364 = vector.broadcast %parallel_loop3A_363 : f32 to vector<16xf32>
        %parallel_loop3A_365 = arith.mulf %parallel_loop3A_354, %parallel_loop3A_364 : vector<16xf32>
        %parallel_loop3A_366 = arith.mulf %parallel_loop3A_365, %parallel_loop3A_362 : vector<16xf32>
        %parallel_loop3A_367 = arith.mulf %parallel_loop3A_366, %parallel_loop3A_362 : vector<16xf32>
        %parallel_loop3A_368 = arith.constant 1.500000e+00 : f32
        %parallel_loop3A_369 = vector.broadcast %parallel_loop3A_368 : f32 to vector<16xf32>
        %parallel_loop3A_370 = arith.subf %parallel_loop3A_369, %parallel_loop3A_367 : vector<16xf32>
        %parallel_loop3A_371 = arith.mulf %parallel_loop3A_362, %parallel_loop3A_370 : vector<16xf32>
        %parallel_loop3A_372 = arith.mulf %parallel_loop3A_365, %parallel_loop3A_371 : vector<16xf32>
        %parallel_loop3A_373 = arith.mulf %parallel_loop3A_372, %parallel_loop3A_371 : vector<16xf32>
        %parallel_loop3A_374 = arith.constant 1.500000e+00 : f32
        %parallel_loop3A_375 = vector.broadcast %parallel_loop3A_374 : f32 to vector<16xf32>
        %parallel_loop3A_376 = arith.subf %parallel_loop3A_375, %parallel_loop3A_373 : vector<16xf32>
        %parallel_loop3A_377 = arith.mulf %parallel_loop3A_371, %parallel_loop3A_376 : vector<16xf32>
        %parallel_loop3A_378 = arith.subf %parallel_loop3A_316, %parallel_loop3A_342 : vector<16xf32>
        %parallel_loop3A_379 = arith.mulf %parallel_loop3A_377, %get3A_207 : vector<16xf32>
        %parallel_loop3A_380 = arith.mulf %parallel_loop3A_378, %parallel_loop3A_379 : vector<16xf32>
        %parallel_loop3A_381 = arith.addf %parallel_loop3A_380, %get3A_213 : vector<16xf32>
        %parallel_loop3A_382 = arith.index_cast %parallel_loop3A_313 : i32 to index
        %parallel_loop3A_383 = arith.constant 0 : index
        %parallel_loop3A_384 = tpu.vector_load %arg19[%parallel_loop3A_382, %parallel_loop3A_383] {strides = array<i32>} : memref<128x128xf32, #tpu.memory_space<vmem>>, vector<16xf32>,
        tpu.vector_store %arg19[%parallel_loop3A_382, %parallel_loop3A_383], %parallel_loop3A_381 {strides = array<i32>} : memref<128x128xf32, #tpu.memory_space<vmem>>, vector<16xf32>,
        %parallel_loop3A_385 = arith.subf %parallel_loop3A_319, %parallel_loop3A_342 : vector<16xf32>
        %parallel_loop3A_386 = arith.mulf %parallel_loop3A_377, %get3A_215 : vector<16xf32>
        %parallel_loop3A_387 = arith.mulf %parallel_loop3A_385, %parallel_loop3A_386 : vector<16xf32>
        %parallel_loop3A_388 = arith.addf %parallel_loop3A_387, %get3A_221 : vector<16xf32>
        %parallel_loop3A_389 = arith.index_cast %parallel_loop3A_313 : i32 to index
        %parallel_loop3A_390 = arith.constant 16 : index
        %parallel_loop3A_391 = tpu.vector_load %arg19[%parallel_loop3A_389, %parallel_loop3A_390] {strides = array<i32>} : memref<128x128xf32, #tpu.memory_space<vmem>>, vector<16xf32>,
        tpu.vector_store %arg19[%parallel_loop3A_389, %parallel_loop3A_390], %parallel_loop3A_388 {strides = array<i32>} : memref<128x128xf32, #tpu.memory_space<vmem>>, vector<16xf32>,
        %parallel_loop3A_392 = arith.subf %parallel_loop3A_322, %parallel_loop3A_342 : vector<16xf32>
        %parallel_loop3A_393 = arith.mulf %parallel_loop3A_377, %get3A_223 : vector<16xf32>
        %parallel_loop3A_394 = arith.mulf %parallel_loop3A_392, %parallel_loop3A_393 : vector<16xf32>
        %parallel_loop3A_395 = arith.addf %parallel_loop3A_394, %get3A_229 : vector<16xf32>
        %parallel_loop3A_396 = arith.index_cast %parallel_loop3A_313 : i32 to index
        %parallel_loop3A_397 = arith.constant 32 : index
        %parallel_loop3A_398 = tpu.vector_load %arg19[%parallel_loop3A_396, %parallel_loop3A_397] {strides = array<i32>} : memref<128x128xf32, #tpu.memory_space<vmem>>, vector<16xf32>,
        tpu.vector_store %arg19[%parallel_loop3A_396, %parallel_loop3A_397], %parallel_loop3A_395 {strides = array<i32>} : memref<128x128xf32, #tpu.memory_space<vmem>>, vector<16xf32>,
        %parallel_loop3A_399 = arith.subf %parallel_loop3A_325, %parallel_loop3A_342 : vector<16xf32>
        %parallel_loop3A_400 = arith.mulf %parallel_loop3A_377, %get3A_231 : vector<16xf32>
        %parallel_loop3A_401 = arith.mulf %parallel_loop3A_399, %parallel_loop3A_400 : vector<16xf32>
        %parallel_loop3A_402 = arith.addf %parallel_loop3A_401, %get3A_237 : vector<16xf32>
        %parallel_loop3A_403 = arith.index_cast %parallel_loop3A_313 : i32 to index
        %parallel_loop3A_404 = arith.constant 48 : index
        %parallel_loop3A_405 = tpu.vector_load %arg19[%parallel_loop3A_403, %parallel_loop3A_404] {strides = array<i32>} : memref<128x128xf32, #tpu.memory_space<vmem>>, vector<16xf32>,
        tpu.vector_store %arg19[%parallel_loop3A_403, %parallel_loop3A_404], %parallel_loop3A_402 {strides = array<i32>} : memref<128x128xf32, #tpu.memory_space<vmem>>, vector<16xf32>,
      } {sc.loop_unroll_factor = 4 : i64, sc.parallel_access}
      %dma_start3A_241 = arith.constant 0 : i32
      %dma_start3A_242 = tpu.memref_slice %arg7[%mul3A_2, %add3A_183, %dma_start3A_241] : memref<4096x200x128xf32, #tpu.memory_space<hbm>> -> memref<128x1x128xf32, #tpu.memory_space<hbm>>
      %dma_start3A_243 = tpu.memref_squeeze %dma_start3A_242 : memref<128x1x128xf32, #tpu.memory_space<hbm>> -> memref<128x128xf32, #tpu.memory_space<hbm>>
      %dma_start3A_244 = arith.constant 0 : i32
      %dma_start3A_245 = tpu.memref_slice %arg7[%mul3A_2, %add3A_183, %dma_start3A_244] : memref<4096x200x128xf32, #tpu.memory_space<hbm>> -> memref<128x1x128xf32, #tpu.memory_space<hbm>>
      %dma_start3A_246 = tpu.memref_squeeze %dma_start3A_245 : memref<128x1x128xf32, #tpu.memory_space<hbm>> -> memref<128x128xf32, #tpu.memory_space<hbm>>
      tpu.enqueue_dma source(%arg19 : memref<128x128xf32, #tpu.memory_space<vmem>>) target(%dma_start3A_246 : memref<128x128xf32, #tpu.memory_space<hbm>>) target_semaphore(%arg29 : memref<!tpu.dma_semaphore, #tpu.memory_space<semaphore_mem>>)
      %add3A_247 = arith.constant 3 : i32
      %add3A_248 = arith.addi %mul3A_57, %add3A_247 : i32
      %add3A_249 = arith.constant 3 : i32
      %add3A_250 = arith.addi %add3A_248, %add3A_249 : i32
      %lt3A_251 = arith.constant 200 : i32
      %lt3A_252 = arith.cmpi slt, %add3A_250, %lt3A_251 : i32
      %convert_element_type3A_253 = arith.extui %lt3A_252 : i1 to i32
      %cond3A_254 = arith.constant 0 : i32
      %cond3A_255 = arith.cmpi ne, %convert_element_type3A_253, %cond3A_254 : i32
      scf.if %cond3A_255 {
        %add3A_313 = arith.constant 3 : i32
        %add3A_314 = arith.addi %add3A_248, %add3A_313 : i32
        %mul3A_315 = arith.constant 4096 : i32
        %mul3A_316 = arith.muli %add3A_314, %mul3A_315 : i32
        %add3A_317 = arith.addi %mul3A_316, %mul3A_2 : i32
        %dma_start3A_318 = tpu.memref_slice %arg2[%add3A_317] : memref<819200xi32, #tpu.memory_space<hbm>> -> memref<128xi32, #tpu.memory_space<hbm>>
        %dma_start3A_319 = tpu.memref_slice %arg2[%add3A_317] : memref<819200xi32, #tpu.memory_space<hbm>> -> memref<128xi32, #tpu.memory_space<hbm>>
        tpu.enqueue_dma source(%dma_start3A_319 : memref<128xi32, #tpu.memory_space<hbm>>) target(%arg13 : memref<128xi32, #tpu.memory_space<vmem>>) target_semaphore(%arg23 : memref<!tpu.dma_semaphore, #tpu.memory_space<semaphore_mem>>)
      } else {
      }
      %add3A_256 = arith.constant 2 : i32
      %add3A_257 = arith.addi %add3A_248, %add3A_256 : i32
      %lt3A_258 = arith.constant 200 : i32
      %lt3A_259 = arith.cmpi slt, %add3A_257, %lt3A_258 : i32
      %convert_element_type3A_260 = arith.extui %lt3A_259 : i1 to i32
      %cond3A_261 = arith.constant 0 : i32
      %cond3A_262 = arith.cmpi ne, %convert_element_type3A_260, %cond3A_261 : i32
      scf.if %cond3A_262 {
        %add3A_313 = arith.constant 2 : i32
        %add3A_314 = arith.addi %add3A_248, %add3A_313 : i32
        %mul3A_315 = arith.constant 4096 : i32
        %mul3A_316 = arith.muli %add3A_314, %mul3A_315 : i32
        %add3A_317 = arith.addi %mul3A_316, %mul3A_2 : i32
        %dma_wait3A_318 = tpu.memref_slice %arg2[%add3A_317] : memref<819200xi32, #tpu.memory_space<hbm>> -> memref<128xi32, #tpu.memory_space<hbm>>
        %dma_wait3A_319 = tpu.memref_slice %arg2[%add3A_317] : memref<819200xi32, #tpu.memory_space<hbm>> -> memref<128xi32, #tpu.memory_space<hbm>>
        tpu.wait_dma2 semaphore(%arg22 : memref<!tpu.dma_semaphore, #tpu.memory_space<semaphore_mem>>) src(%dma_wait3A_319 : memref<128xi32, #tpu.memory_space<hbm>>) dst(%arg12 : memref<128xi32, #tpu.memory_space<vmem>>)
        %add3A_320 = arith.constant 2 : i32
        %add3A_321 = arith.addi %add3A_248, %add3A_320 : i32
        %dma_start3A_322 = arith.constant 0 : i32
        %dma_start3A_323 = arith.constant 0 : i32
        %dma_start3A_324 = tpu.memref_slice %arg3[%dma_start3A_322, %dma_start3A_323] : memref<1000001x64xf32, #tpu.memory_space<hbm>> -> memref<1000001x64xf32, #tpu.memory_space<hbm>>
        tpu.enqueue_indirect_dma source(%dma_start3A_324 : memref<1000001x64xf32, #tpu.memory_space<hbm>>) target(%arg16 : memref<128x64xf32, #tpu.memory_space<vmem>>) offsets(%arg12 : memref<128xi32, #tpu.memory_space<vmem>>) semaphore(%arg26 : memref<!tpu.dma_semaphore, #tpu.memory_space<semaphore_mem>>)
      } else {
      }
      %ge3A_263 = arith.constant 2 : i32
      %ge3A_264 = arith.cmpi sge, %add3A_248, %ge3A_263 : i32
      %convert_element_type3A_265 = arith.extui %ge3A_264 : i1 to i32
      %cond3A_266 = arith.constant 0 : i32
      %cond3A_267 = arith.cmpi ne, %convert_element_type3A_265, %cond3A_266 : i32
      scf.if %cond3A_267 {
        %sub3A = arith.constant 2 : i32
        %sub3A_313 = arith.subi %add3A_248, %sub3A : i32
        %dma_wait3A_314 = arith.constant 0 : i32
        %dma_wait3A_315 = tpu.memref_slice %arg7[%mul3A_2, %sub3A_313, %dma_wait3A_314] : memref<4096x200x128xf32, #tpu.memory_space<hbm>> -> memref<128x1x128xf32, #tpu.memory_space<hbm>>
        %dma_wait3A_316 = tpu.memref_squeeze %dma_wait3A_315 : memref<128x1x128xf32, #tpu.memory_space<hbm>> -> memref<128x128xf32, #tpu.memory_space<hbm>>
        %dma_wait3A_317 = arith.constant 0 : i32
        %dma_wait3A_318 = tpu.memref_slice %arg7[%mul3A_2, %sub3A_313, %dma_wait3A_317] : memref<4096x200x128xf32, #tpu.memory_space<hbm>> -> memref<128x1x128xf32, #tpu.memory_space<hbm>>
        %dma_wait3A_319 = tpu.memref_squeeze %dma_wait3A_318 : memref<128x1x128xf32, #tpu.memory_space<hbm>> -> memref<128x128xf32, #tpu.memory_space<hbm>>
        tpu.wait_dma2 semaphore(%arg30 : memref<!tpu.dma_semaphore, #tpu.memory_space<semaphore_mem>>) src(%arg20 : memref<128x128xf32, #tpu.memory_space<vmem>>) dst(%dma_wait3A_319 : memref<128x128xf32, #tpu.memory_space<hbm>>)
      } else {
      }
      %dma_wait3A_268 = arith.constant 0 : i32
      %dma_wait3A_269 = arith.constant 0 : i32
      %dma_wait3A_270 = tpu.memref_slice %arg3[%dma_wait3A_268, %dma_wait3A_269] : memref<1000001x64xf32, #tpu.memory_space<hbm>> -> memref<1000001x64xf32, #tpu.memory_space<hbm>>
      tpu.wait_indirect_dma semaphore(%arg28 : memref<!tpu.dma_semaphore, #tpu.memory_space<semaphore_mem>>) src(%dma_wait3A_270 : memref<1000001x64xf32, #tpu.memory_space<hbm>>) dst(%arg18 : memref<128x64xf32, #tpu.memory_space<vmem>>)
      %get3A_271 = arith.constant 0 : index
      %get3A_272 = tpu.vector_load %arg9[%get3A_271] {strides = array<i32>} : memref<64xf32, #tpu.memory_space<vmem>>, vector<16xf32>,
      %mul3A_273 = arith.constant 64 : i32
      %mul3A_274 = arith.muli %add3A_248, %mul3A_273 : i32
      %add3A_275 = arith.constant 0 : i32
      %add3A_276 = arith.addi %mul3A_274, %add3A_275 : i32
      %get3A_277 = arith.index_cast %add3A_276 : i32 to index
      %get3A_278 = tpu.vector_load %arg8[%get3A_277] {strides = array<i32>} : memref<12800xf32, #tpu.memory_space<vmem>>, vector<16xf32>,
      %get3A_279 = arith.constant 16 : index
      %get3A_280 = tpu.vector_load %arg9[%get3A_279] {strides = array<i32>} : memref<64xf32, #tpu.memory_space<vmem>>, vector<16xf32>,
      %mul3A_281 = arith.constant 64 : i32
      %mul3A_282 = arith.muli %add3A_248, %mul3A_281 : i32
      %add3A_283 = arith.constant 16 : i32
      %add3A_284 = arith.addi %mul3A_282, %add3A_283 : i32
      %get3A_285 = arith.index_cast %add3A_284 : i32 to index
      %get3A_286 = tpu.vector_load %arg8[%get3A_285] {strides = array<i32>} : memref<12800xf32, #tpu.memory_space<vmem>>, vector<16xf32>,
      %get3A_287 = arith.constant 32 : index
      %get3A_288 = tpu.vector_load %arg9[%get3A_287] {strides = array<i32>} : memref<64xf32, #tpu.memory_space<vmem>>, vector<16xf32>,
      %mul3A_289 = arith.constant 64 : i32
      %mul3A_290 = arith.muli %add3A_248, %mul3A_289 : i32
      %add3A_291 = arith.constant 32 : i32
      %add3A_292 = arith.addi %mul3A_290, %add3A_291 : i32
      %get3A_293 = arith.index_cast %add3A_292 : i32 to index
      %get3A_294 = tpu.vector_load %arg8[%get3A_293] {strides = array<i32>} : memref<12800xf32, #tpu.memory_space<vmem>>, vector<16xf32>,
      %get3A_295 = arith.constant 48 : index
      %get3A_296 = tpu.vector_load %arg9[%get3A_295] {strides = array<i32>} : memref<64xf32, #tpu.memory_space<vmem>>, vector<16xf32>,
      %mul3A_297 = arith.constant 64 : i32
      %mul3A_298 = arith.muli %add3A_248, %mul3A_297 : i32
      %add3A_299 = arith.constant 48 : i32
      %add3A_300 = arith.addi %mul3A_298, %add3A_299 : i32
      %get3A_301 = arith.index_cast %add3A_300 : i32 to index
      %get3A_302 = tpu.vector_load %arg8[%get3A_301] {strides = array<i32>} : memref<12800xf32, #tpu.memory_space<vmem>>, vector<16xf32>,
      %parallel_loop3A_303 = arith.constant 0 : i32
      %parallel_loop3A_304 = arith.constant 128 : i32
      %parallel_loop3A_305 = arith.constant 1 : i32
      scf.for %parallel_loop3A_313 = %parallel_loop3A_303 to %parallel_loop3A_304 step %parallel_loop3A_305  : i32 {
        %parallel_loop3A_314 = arith.index_cast %parallel_loop3A_313 : i32 to index
        %parallel_loop3A_315 = arith.constant 0 : index
        %parallel_loop3A_316 = tpu.vector_load %arg18[%parallel_loop3A_314, %parallel_loop3A_315] {strides = array<i32>} : memref<128x64xf32, #tpu.memory_space<vmem>>, vector<16xf32>,
        %parallel_loop3A_317 = arith.index_cast %parallel_loop3A_313 : i32 to index
        %parallel_loop3A_318 = arith.constant 16 : index
        %parallel_loop3A_319 = tpu.vector_load %arg18[%parallel_loop3A_317, %parallel_loop3A_318] {strides = array<i32>} : memref<128x64xf32, #tpu.memory_space<vmem>>, vector<16xf32>,
        %parallel_loop3A_320 = arith.index_cast %parallel_loop3A_313 : i32 to index
        %parallel_loop3A_321 = arith.constant 32 : index
        %parallel_loop3A_322 = tpu.vector_load %arg18[%parallel_loop3A_320, %parallel_loop3A_321] {strides = array<i32>} : memref<128x64xf32, #tpu.memory_space<vmem>>, vector<16xf32>,
        %parallel_loop3A_323 = arith.index_cast %parallel_loop3A_313 : i32 to index
        %parallel_loop3A_324 = arith.constant 48 : index
        %parallel_loop3A_325 = tpu.vector_load %arg18[%parallel_loop3A_323, %parallel_loop3A_324] {strides = array<i32>} : memref<128x64xf32, #tpu.memory_space<vmem>>, vector<16xf32>,
        %parallel_loop3A_326 = arith.addf %parallel_loop3A_316, %parallel_loop3A_319 : vector<16xf32>
        %parallel_loop3A_327 = arith.addf %parallel_loop3A_322, %parallel_loop3A_325 : vector<16xf32>
        %parallel_loop3A_328 = arith.addf %parallel_loop3A_326, %parallel_loop3A_327 : vector<16xf32>
        %parallel_loop3A_329 = arith.mulf %parallel_loop3A_316, %parallel_loop3A_316 : vector<16xf32>
        %parallel_loop3A_330 = arith.mulf %parallel_loop3A_319, %parallel_loop3A_319 : vector<16xf32>
        %parallel_loop3A_331 = arith.addf %parallel_loop3A_329, %parallel_loop3A_330 : vector<16xf32>
        %parallel_loop3A_332 = arith.mulf %parallel_loop3A_322, %parallel_loop3A_322 : vector<16xf32>
        %parallel_loop3A_333 = arith.mulf %parallel_loop3A_325, %parallel_loop3A_325 : vector<16xf32>
        %parallel_loop3A_334 = arith.addf %parallel_loop3A_332, %parallel_loop3A_333 : vector<16xf32>
        %parallel_loop3A_335 = arith.addf %parallel_loop3A_331, %parallel_loop3A_334 : vector<16xf32>
        %parallel_loop3A_336 = arith.constant true
        %parallel_loop3A_337 = vector.broadcast %parallel_loop3A_336 : i1 to vector<16xi1>
        %parallel_loop3A_338 = tpu.scan <sum>, %parallel_loop3A_328 masked %parallel_loop3A_337 : vector<16xf32>, vector<16xi1> -> vector<16xf32>
        %parallel_loop3A_339 = vector.extract %parallel_loop3A_338[15] : f32 from vector<16xf32>
        %parallel_loop3A_340 = arith.constant 1.562500e-02 : f32
        %parallel_loop3A_341 = arith.mulf %parallel_loop3A_339, %parallel_loop3A_340 : f32
        %parallel_loop3A_342 = vector.broadcast %parallel_loop3A_341 : f32 to vector<16xf32>
        %parallel_loop3A_343 = arith.constant true
        %parallel_loop3A_344 = vector.broadcast %parallel_loop3A_343 : i1 to vector<16xi1>
        %parallel_loop3A_345 = tpu.scan <sum>, %parallel_loop3A_335 masked %parallel_loop3A_344 : vector<16xf32>, vector<16xi1> -> vector<16xf32>
        %parallel_loop3A_346 = vector.extract %parallel_loop3A_345[15] : f32 from vector<16xf32>
        %parallel_loop3A_347 = arith.constant 1.562500e-02 : f32
        %parallel_loop3A_348 = arith.mulf %parallel_loop3A_346, %parallel_loop3A_347 : f32
        %parallel_loop3A_349 = vector.broadcast %parallel_loop3A_348 : f32 to vector<16xf32>
        %parallel_loop3A_350 = arith.mulf %parallel_loop3A_342, %parallel_loop3A_342 : vector<16xf32>
        %parallel_loop3A_351 = arith.subf %parallel_loop3A_349, %parallel_loop3A_350 : vector<16xf32>
        %parallel_loop3A_352 = arith.constant 9.99999974E-6 : f32
        %parallel_loop3A_353 = vector.broadcast %parallel_loop3A_352 : f32 to vector<16xf32>
        %parallel_loop3A_354 = arith.addf %parallel_loop3A_351, %parallel_loop3A_353 : vector<16xf32>
        %parallel_loop3A_355 = vector.bitcast %parallel_loop3A_354 : vector<16xf32> to vector<16xi32>
        %parallel_loop3A_356 = arith.constant 1 : i32
        %parallel_loop3A_357 = vector.broadcast %parallel_loop3A_356 : i32 to vector<16xi32>
        %parallel_loop3A_358 = arith.shrui %parallel_loop3A_355, %parallel_loop3A_357 : vector<16xi32>
        %parallel_loop3A_359 = arith.constant 1597463007 : i32
        %parallel_loop3A_360 = vector.broadcast %parallel_loop3A_359 : i32 to vector<16xi32>
        %parallel_loop3A_361 = arith.subi %parallel_loop3A_360, %parallel_loop3A_358 : vector<16xi32>
        %parallel_loop3A_362 = vector.bitcast %parallel_loop3A_361 : vector<16xi32> to vector<16xf32>
        %parallel_loop3A_363 = arith.constant 5.000000e-01 : f32
        %parallel_loop3A_364 = vector.broadcast %parallel_loop3A_363 : f32 to vector<16xf32>
        %parallel_loop3A_365 = arith.mulf %parallel_loop3A_354, %parallel_loop3A_364 : vector<16xf32>
        %parallel_loop3A_366 = arith.mulf %parallel_loop3A_365, %parallel_loop3A_362 : vector<16xf32>
        %parallel_loop3A_367 = arith.mulf %parallel_loop3A_366, %parallel_loop3A_362 : vector<16xf32>
        %parallel_loop3A_368 = arith.constant 1.500000e+00 : f32
        %parallel_loop3A_369 = vector.broadcast %parallel_loop3A_368 : f32 to vector<16xf32>
        %parallel_loop3A_370 = arith.subf %parallel_loop3A_369, %parallel_loop3A_367 : vector<16xf32>
        %parallel_loop3A_371 = arith.mulf %parallel_loop3A_362, %parallel_loop3A_370 : vector<16xf32>
        %parallel_loop3A_372 = arith.mulf %parallel_loop3A_365, %parallel_loop3A_371 : vector<16xf32>
        %parallel_loop3A_373 = arith.mulf %parallel_loop3A_372, %parallel_loop3A_371 : vector<16xf32>
        %parallel_loop3A_374 = arith.constant 1.500000e+00 : f32
        %parallel_loop3A_375 = vector.broadcast %parallel_loop3A_374 : f32 to vector<16xf32>
        %parallel_loop3A_376 = arith.subf %parallel_loop3A_375, %parallel_loop3A_373 : vector<16xf32>
        %parallel_loop3A_377 = arith.mulf %parallel_loop3A_371, %parallel_loop3A_376 : vector<16xf32>
        %parallel_loop3A_378 = arith.subf %parallel_loop3A_316, %parallel_loop3A_342 : vector<16xf32>
        %parallel_loop3A_379 = arith.mulf %parallel_loop3A_377, %get3A_272 : vector<16xf32>
        %parallel_loop3A_380 = arith.mulf %parallel_loop3A_378, %parallel_loop3A_379 : vector<16xf32>
        %parallel_loop3A_381 = arith.addf %parallel_loop3A_380, %get3A_278 : vector<16xf32>
        %parallel_loop3A_382 = arith.index_cast %parallel_loop3A_313 : i32 to index
        %parallel_loop3A_383 = arith.constant 0 : index
        %parallel_loop3A_384 = tpu.vector_load %arg20[%parallel_loop3A_382, %parallel_loop3A_383] {strides = array<i32>} : memref<128x128xf32, #tpu.memory_space<vmem>>, vector<16xf32>,
        tpu.vector_store %arg20[%parallel_loop3A_382, %parallel_loop3A_383], %parallel_loop3A_381 {strides = array<i32>} : memref<128x128xf32, #tpu.memory_space<vmem>>, vector<16xf32>,
        %parallel_loop3A_385 = arith.subf %parallel_loop3A_319, %parallel_loop3A_342 : vector<16xf32>
        %parallel_loop3A_386 = arith.mulf %parallel_loop3A_377, %get3A_280 : vector<16xf32>
        %parallel_loop3A_387 = arith.mulf %parallel_loop3A_385, %parallel_loop3A_386 : vector<16xf32>
        %parallel_loop3A_388 = arith.addf %parallel_loop3A_387, %get3A_286 : vector<16xf32>
        %parallel_loop3A_389 = arith.index_cast %parallel_loop3A_313 : i32 to index
        %parallel_loop3A_390 = arith.constant 16 : index
        %parallel_loop3A_391 = tpu.vector_load %arg20[%parallel_loop3A_389, %parallel_loop3A_390] {strides = array<i32>} : memref<128x128xf32, #tpu.memory_space<vmem>>, vector<16xf32>,
        tpu.vector_store %arg20[%parallel_loop3A_389, %parallel_loop3A_390], %parallel_loop3A_388 {strides = array<i32>} : memref<128x128xf32, #tpu.memory_space<vmem>>, vector<16xf32>,
        %parallel_loop3A_392 = arith.subf %parallel_loop3A_322, %parallel_loop3A_342 : vector<16xf32>
        %parallel_loop3A_393 = arith.mulf %parallel_loop3A_377, %get3A_288 : vector<16xf32>
        %parallel_loop3A_394 = arith.mulf %parallel_loop3A_392, %parallel_loop3A_393 : vector<16xf32>
        %parallel_loop3A_395 = arith.addf %parallel_loop3A_394, %get3A_294 : vector<16xf32>
        %parallel_loop3A_396 = arith.index_cast %parallel_loop3A_313 : i32 to index
        %parallel_loop3A_397 = arith.constant 32 : index
        %parallel_loop3A_398 = tpu.vector_load %arg20[%parallel_loop3A_396, %parallel_loop3A_397] {strides = array<i32>} : memref<128x128xf32, #tpu.memory_space<vmem>>, vector<16xf32>,
        tpu.vector_store %arg20[%parallel_loop3A_396, %parallel_loop3A_397], %parallel_loop3A_395 {strides = array<i32>} : memref<128x128xf32, #tpu.memory_space<vmem>>, vector<16xf32>,
        %parallel_loop3A_399 = arith.subf %parallel_loop3A_325, %parallel_loop3A_342 : vector<16xf32>
        %parallel_loop3A_400 = arith.mulf %parallel_loop3A_377, %get3A_296 : vector<16xf32>
        %parallel_loop3A_401 = arith.mulf %parallel_loop3A_399, %parallel_loop3A_400 : vector<16xf32>
        %parallel_loop3A_402 = arith.addf %parallel_loop3A_401, %get3A_302 : vector<16xf32>
        %parallel_loop3A_403 = arith.index_cast %parallel_loop3A_313 : i32 to index
        %parallel_loop3A_404 = arith.constant 48 : index
        %parallel_loop3A_405 = tpu.vector_load %arg20[%parallel_loop3A_403, %parallel_loop3A_404] {strides = array<i32>} : memref<128x128xf32, #tpu.memory_space<vmem>>, vector<16xf32>,
        tpu.vector_store %arg20[%parallel_loop3A_403, %parallel_loop3A_404], %parallel_loop3A_402 {strides = array<i32>} : memref<128x128xf32, #tpu.memory_space<vmem>>, vector<16xf32>,
      } {sc.loop_unroll_factor = 4 : i64, sc.parallel_access}
      %dma_start3A_306 = arith.constant 0 : i32
      %dma_start3A_307 = tpu.memref_slice %arg7[%mul3A_2, %add3A_248, %dma_start3A_306] : memref<4096x200x128xf32, #tpu.memory_space<hbm>> -> memref<128x1x128xf32, #tpu.memory_space<hbm>>
      %dma_start3A_308 = tpu.memref_squeeze %dma_start3A_307 : memref<128x1x128xf32, #tpu.memory_space<hbm>> -> memref<128x128xf32, #tpu.memory_space<hbm>>
      %dma_start3A_309 = arith.constant 0 : i32
      %dma_start3A_310 = tpu.memref_slice %arg7[%mul3A_2, %add3A_248, %dma_start3A_309] : memref<4096x200x128xf32, #tpu.memory_space<hbm>> -> memref<128x1x128xf32, #tpu.memory_space<hbm>>
      %dma_start3A_311 = tpu.memref_squeeze %dma_start3A_310 : memref<128x1x128xf32, #tpu.memory_space<hbm>> -> memref<128x128xf32, #tpu.memory_space<hbm>>
      tpu.enqueue_dma source(%arg20 : memref<128x128xf32, #tpu.memory_space<vmem>>) target(%dma_start3A_311 : memref<128x128xf32, #tpu.memory_space<hbm>>) target_semaphore(%arg30 : memref<!tpu.dma_semaphore, #tpu.memory_space<semaphore_mem>>)
      %scan3A_312 = arith.constant 0 : i32
      scf.yield %scan3A_312 : i32
    }
    %scan3A_39 = arith.constant 50 : i32
    %dma_wait3A_40 = arith.constant 198 : i32
    %dma_wait3A_41 = arith.constant 0 : i32
    %dma_wait3A_42 = tpu.memref_slice %arg7[%mul3A_2, %dma_wait3A_40, %dma_wait3A_41] : memref<4096x200x128xf32, #tpu.memory_space<hbm>> -> memref<128x1x128xf32, #tpu.memory_space<hbm>>
    %dma_wait3A_43 = tpu.memref_squeeze %dma_wait3A_42 : memref<128x1x128xf32, #tpu.memory_space<hbm>> -> memref<128x128xf32, #tpu.memory_space<hbm>>
    %dma_wait3A_44 = arith.constant 0 : i32
    %dma_wait3A_45 = tpu.memref_slice %arg7[%mul3A_2, %dma_wait3A_40, %dma_wait3A_44] : memref<4096x200x128xf32, #tpu.memory_space<hbm>> -> memref<128x1x128xf32, #tpu.memory_space<hbm>>
    %dma_wait3A_46 = tpu.memref_squeeze %dma_wait3A_45 : memref<128x1x128xf32, #tpu.memory_space<hbm>> -> memref<128x128xf32, #tpu.memory_space<hbm>>
    tpu.wait_dma2 semaphore(%arg29 : memref<!tpu.dma_semaphore, #tpu.memory_space<semaphore_mem>>) src(%arg19 : memref<128x128xf32, #tpu.memory_space<vmem>>) dst(%dma_wait3A_46 : memref<128x128xf32, #tpu.memory_space<hbm>>)
    %dma_wait3A_47 = arith.constant 199 : i32
    %dma_wait3A_48 = arith.constant 0 : i32
    %dma_wait3A_49 = tpu.memref_slice %arg7[%mul3A_2, %dma_wait3A_47, %dma_wait3A_48] : memref<4096x200x128xf32, #tpu.memory_space<hbm>> -> memref<128x1x128xf32, #tpu.memory_space<hbm>>
    %dma_wait3A_50 = tpu.memref_squeeze %dma_wait3A_49 : memref<128x1x128xf32, #tpu.memory_space<hbm>> -> memref<128x128xf32, #tpu.memory_space<hbm>>
    %dma_wait3A_51 = arith.constant 0 : i32
    %dma_wait3A_52 = tpu.memref_slice %arg7[%mul3A_2, %dma_wait3A_47, %dma_wait3A_51] : memref<4096x200x128xf32, #tpu.memory_space<hbm>> -> memref<128x1x128xf32, #tpu.memory_space<hbm>>
    %dma_wait3A_53 = tpu.memref_squeeze %dma_wait3A_52 : memref<128x1x128xf32, #tpu.memory_space<hbm>> -> memref<128x128xf32, #tpu.memory_space<hbm>>
    tpu.wait_dma2 semaphore(%arg30 : memref<!tpu.dma_semaphore, #tpu.memory_space<semaphore_mem>>) src(%arg20 : memref<128x128xf32, #tpu.memory_space<vmem>>) dst(%dma_wait3A_53 : memref<128x128xf32, #tpu.memory_space<hbm>>)
    return
  }
}

</mosaic_0001>

<sc_bundles>
// kernel: _sc_embed_ln.3.cloned.1.call-start
scs
__scs_entry_jumppad:
0x0: {  	(pc) =	sbr.rel $0x88, $3  }
0x1: {  	(tag) =	ssettag $0x0;
	lr =	simm.s32 $0x1  }
0x2: {  	[smem:$0x3F9C] =	sst lr;
	_ =	strace $0xD0000000  }
0x3: {  	_ = 	snop  }
0x4: {  	_ = 	snop  }
0x5: {  	_ = 	snop  }
0x6: {  	_ = 	snop  }
0x7: {  	_ = 	snop  }
__scs_overlays_trampoline_lowered:
0x8: {  	[smem:$0x3FAB] =	sst s0  }
0x9: {  	[smem:$0x3FAC] =	sst s1  }
0xa: {  	[smem:$0x3FAD] =	sst s2  }
0xb: {  	[smem:$0x3FAE] =	sst s3  }
0xc: {  	[smem:$0x3FAF] =	sst s4  }
0xd: {  	[smem:$0x3FB0] =	sst s5  }
0xe: {  	[smem:$0x3FB1] =	sst s6  }
0xf: {  	[smem:$0x3FB2] =	sst s7  }
0x10: {  	[smem:$0x3FB3] =	sst s8  }
0x11: {  	[smem:$0x3FB4] =	sst s9;
	s0 =	simm.s32 @!p0 $0x0  }
0x12: {  	s1 =	sld [smem:$0x3F9A];
	s0 =	simm.s32 @p0 $0x1  }
0x13: {  	[smem:$0x3FB5] =	sst s0;
	s0 =	simm.s32 @!p1 $0x0  }
0x14: {  	s2 =	sld [smem:$0x3F99];
	s0 =	simm.s32 @p1 $0x1  }
0x15: {  	[smem:$0x3FB6] =	sst s0;
	s0 =	simm.s32 @!p2 $0x0  }
0x16: {  	s3 =	sld [smem:$0x3FDB];
	s0 =	simm.s32 @p2 $0x1  }
0x17: {  	s4 =	simm.s32 $0x1BF5;
	[smem:$0x3FB8] =	sst s0  }
0x18: {  	s0 =	sld [smem:$0x3F9B];
	_ =	swait.ge [sflag:s4], $0x0  }
0x19: {  	s7 =	sld [smem:$0x3F9C]  }
0x1a: {  	s8 =	sadd.s32 $0xFFFFE003, lr  }
0x1b: {  	s9 =	sadd.s32 $0xFFFFFEF7, lr;
	s5 =	simm.s32 $0xFFFFFFFF;
	p2 =	slt.u32 s8, $0xFFFFF086  }
0x1c: {  	p1 =	slt.u32 s9, $0xF7A;
	s5 =	simm.s32 @!p2 $0x0  }
0x1d: {  	s5 =	simm.s32 @p1 $0x1;
	p0 =	seq.s32 s7, s2  }
0x1e: {  	s7 =	smul.u32 @!p0 $0xF7A, s2;
	p2 =	seq.s32 @!p0 s5, $0x0  }
0x1f: {  	s9 =	smul.u32 $0xF7A, s1;
	s8 =	simm.s32 @!p0 $0x1BF5;
	p2 =	por !p2, p0  }
0x20: {  	[sflag:s8] =	ssyncset.s32 @!p0 $0xFFFFF086;
	s6 =	sadd.s32 @!p0 s3, s7;
	s7 =	simm.s32 @!p0 $0x108  }
0x21: {  	s3 =	sadd.s32 s3, s9;
	s6 =	sadd.s32 @!p0 $0x88, s6;
	s7 =	simm.s32 @p2 $0x1082  }
0x22: {  	[simem:s7], [sflag:s8] =	dma.local @!p0 [hbm:s6], $0xF7A  }
0x23: {  	s9 =	sor.u32 $0xD0000000, s2;
	s6 =	simm.s32 $0x108;
	_ =	swait.ge @!p0 [sflag:s8], $0x0  }
0x24: {  	s3 =	sadd.s32 $0x88, s3;
	s6 =	simm.s32 @!p1 $0x1082;
	[sflag:s4] =	ssyncset.s32 $0xFFFFF086  }
0x25: {  	[simem:s6], [sflag:s4] =	dma.local [hbm:s3], $0xF7A  }
0x26: {  	[smem:$0x3F9C] =	sst s1;
	(tag) =	ssettag s2;
	_ =	strace s9  }
0x27: {  	s1 =	sld [smem:$0x3FAC]  }
0x28: {  	s2 =	sld [smem:$0x3FAD]  }
0x29: {  	s4 =	sld [smem:$0x3FAF]  }
0x2a: {  	p0 =	seq.s32 s5, $0x0;
	s5 =	sld [smem:$0x3FB0]  }
0x2b: {  	s6 =	sld [smem:$0x3FB1]  }
0x2c: {  	s7 =	sld [smem:$0x3FB2]  }
0x2d: {  	s3 =	simm.s32 $0x108;
	s8 =	sld [smem:$0x3FB3]  }
0x2e: {  	s3 =	simm.s32 @!p0 $0x1082;
	s9 =	sld [smem:$0x3FB4]  }
0x2f: {  	lr =	sadd.s32 s0, s3;
	s0 =	sld [smem:$0x3FAB]  }
0x30: {  	s3 =	sld [smem:$0x3FAE]  }
0x31: {  	[smem:$0x3FB7] =	sst s10  }
0x32: {  	s10 =	sld [smem:$0x3FB5];
	_ =	sdelay $0x3  }
0x33: {  	p0 =	seq.s32 s10, $0x1;
	s10 =	sld [smem:$0x3FB7];
	_ =	sdelay $0x3  }
0x34: {  	[smem:$0x3FB7] =	sst s10  }
0x35: {  	s10 =	sld [smem:$0x3FB6];
	_ =	sdelay $0x3  }
0x36: {  	p1 =	seq.s32 s10, $0x1;
	s10 =	sld [smem:$0x3FB7];
	_ =	sdelay $0x3  }
0x37: {  	[smem:$0x3FB7] =	sst s10  }
0x38: {  	s10 =	sld [smem:$0x3FB8]  }
0x39: {  	_ = 	snop;
	(pc) =	sbr.ind lr, $3  }
0x3a: {  	_ = 	snop  }
0x3b: {  	_ = 	snop  }
0x3c: {  	p2 =	seq.s32 s10, $0x1;
	s10 =	sld [smem:$0x3FB7]  }
0x3d: {  	_ =	shalt  }
0x3e: {  	_ =	shalt  }
0x3f: {  	_ =	shalt  }
0x40: {  	_ =	shalt  }
0x41: {  	_ =	shalt  }
0x42: {  	_ =	shalt  }
0x43: {  	_ =	shalt  }
0x44: {  	_ =	shalt  }
0x45: {  	_ =	shalt  }
0x46: {  	_ =	shalt  }
0x47: {  	_ =	shalt  }
0x48: {  	_ =	shalt  }
0x49: {  	_ =	shalt  }
0x4a: {  	_ =	shalt  }
0x4b: {  	_ =	shalt  }
0x4c: {  	_ =	shalt  }
0x4d: {  	_ =	shalt  }
0x4e: {  	_ =	shalt  }
0x4f: {  	_ =	shalt  }
0x50: {  	_ =	shalt  }
0x51: {  	_ =	shalt  }
0x52: {  	_ =	shalt  }
0x53: {  	_ =	shalt  }
0x54: {  	_ =	shalt  }
0x55: {  	_ =	shalt  }
0x56: {  	_ =	shalt  }
0x57: {  	_ =	shalt  }
0x58: {  	_ =	shalt  }
0x59: {  	_ =	shalt  }
0x5a: {  	_ =	shalt  }
0x5b: {  	_ =	shalt  }
0x5c: {  	_ =	shalt  }
0x5d: {  	_ =	shalt  }
0x5e: {  	_ =	shalt  }
0x5f: {  	_ =	shalt  }
0x60: {  	_ =	shalt  }
0x61: {  	_ =	shalt  }
0x62: {  	_ =	shalt  }
0x63: {  	_ =	shalt  }
0x64: {  	_ =	shalt  }
0x65: {  	_ =	shalt  }
0x66: {  	_ =	shalt  }
0x67: {  	_ =	shalt  }
0x68: {  	_ =	shalt  }
0x69: {  	_ =	shalt  }
0x6a: {  	_ =	shalt  }
0x6b: {  	_ =	shalt  }
0x6c: {  	_ =	shalt  }
0x6d: {  	_ =	shalt  }
0x6e: {  	_ =	shalt  }
0x6f: {  	_ =	shalt  }
0x70: {  	_ =	shalt  }
0x71: {  	_ =	shalt  }
0x72: {  	_ =	shalt  }
0x73: {  	_ =	shalt  }
0x74: {  	_ =	shalt  }
0x75: {  	_ =	shalt  }
0x76: {  	_ =	shalt  }
0x77: {  	_ =	shalt  }
0x78: {  	_ =	shalt  }
0x79: {  	_ =	shalt  }
0x7a: {  	_ =	shalt  }
0x7b: {  	_ =	shalt  }
0x7c: {  	_ =	shalt  }
0x7d: {  	_ =	shalt  }
0x7e: {  	_ =	shalt  }
0x7f: {  	_ =	shalt  }
0x80: {  	_ =	shalt  }
0x81: {  	_ =	shalt  }
0x82: {  	_ =	shalt  }
0x83: {  	_ =	shalt  }
0x84: {  	_ =	shalt  }
0x85: {  	_ =	shalt  }
0x86: {  	_ =	shalt  }
0x87: {  	_ =	shalt  }
.Lfunc_end0:
.L_simem_size_0:
called_computation_lowered:
.L_overlay_start_0:
0x88: {  	s2 =	sld [smem:$0x3FD9]  }
0x89: {  	s3 =	sld [smem:$0x3FFE];
	_ =	sdelay $0x1  }
0x8a: {  	s1 =	srdreg.scid  }
0x8b: {  	s0 =	sand.u32 $0x1, s1  }
0x8c: {  	s17 =	sshll.u32 s0, $0xA;
	s2 =	sadd.s32 s3, s2  }
0x8d: {  	s2 =	sadd.s32 s2, s17  }
0x8e: {  	[smem:$0x3FC3] =	sst s2  }
0x8f: {  	_ = 	snop  }
0x90: {  	s2 =	sld [smem:$0x3FC9]  }
0x91: {  	s18 =	sld [smem:$0x3FC7]  }
0x92: {  	s4 =	sld [smem:$0x3FC6]  }
0x93: {  	s5 =	sld [smem:$0x3FC5]  }
0x94: {  	s6 =	sld [smem:$0x3FD0];
	(tm) =	ssettm $0x1  }
0x95: {  	s7 =	sld [smem:$0x3FFB];
	_ =	sdelay $0x3  }
0x96: {  	_ =	strace s7  }
0x97: {  	s7 =	sld [smem:$0x3FFC];
	_ =	sdelay $0x3  }
0x98: {  	_ =	strace s7  }
0x99: {  	s7 =	sld [smem:$0x3FFD];
	_ =	sdelay $0x3  }
0x9a: {  	_ =	strace s7  }
0x9b: {  	_ =	strace $0x8FFFFFFF  }
0x9c: {  	s19 =	sld [smem:$0x3FDB];
	_ =	sdelay $0x1  }
0x9d: {  	s8 =	simm.s32 $_scs_section_size  }
0x9e: {  	s9 =	simm.s32 $_size__tile_overlayer_lowered;
	s10 =	simm.s32 $_tile_overlayer_lowered  }
0x9f: {  	s22 =	simm.s32 $0x1BFF;
	s21 =	sshll.u32 s10, $0x1;
	s7 =	sadd.s32 s8, s19  }
0xa0: {  	s11 =	simm.s32 $0x0;
	s20 =	sshll.u32 s9, $0x1;
	s9 =	sadd.s32 s21, s7  }
0xa1: {  	[timem:s11], [sflag:s22] =	dma.local [hbm:s9], s20  }
0xa2: {  	_ =	swait.ge [sflag:s22], s20  }
0xa3: {  	s8 =	ssub.s32 $0x0, s20;
	[sflag:s22] =	ssyncset.done $0x0  }
0xa4: {  	[sflag:s22] =	ssyncadd.s32 s8;
	_ =	sdelay $0x1  }
0xa5: {  	s23 =	simm.s32 $0x1B8B  }
0xa6: {  	_ =	swait.ge [sflag:s23], $0x1  }
0xa7: {  	[sflag:s23] =	ssyncset.done $0x0  }
0xa8: {  	s25 =	simm.s32 $0x1B8E;
	s24 =	sld [smem:$0x3FFE];
	[sflag:s23] =	ssyncadd.s32 $0xFFFFFFFF  }
0xa9: {  	s26 =	simm.s32 $execute0_lowered;
	[smem:$0x3FD2] =	sst s25  }
0xaa: {  	s9 =	sshll.u32 s26, $0x1;
	_ =	strace $0x80000046;
	[dreg:$0x1] =	wrdreg $0xFFFFFFFF  }
0xab: {  	s28 =	simm.s32 $_size_execute0_lowered;
	s7 =	sadd.s32 s7, s9;
	[dreg:$0x0] =	wrdreg $0x0  }
0xac: {  	s9 =	sshll.u32 s28, $0x1;
	[dreg:$0x2] =	wrdreg s7  }
0xad: {  	[dreg:$0x3] =	wrdreg s9  }
0xae: {  	[dreg:$0x4] =	wrdreg $0xC0  }
0xaf: {  	_ =	task [dreg:s11], $0x5FFFF  }
0xb0: {  	[dreg:$0x1] =	wrdreg $0xFFFFFFFF  }
0xb1: {  	[dreg:$0x0] =	wrdreg $0x60  }
0xb2: {  	[dreg:$0x2] =	wrdreg s2  }
0xb3: {  	[dreg:$0x3] =	wrdreg s24  }
0xb4: {  	[dreg:$0x4] =	wrdreg s18  }
0xb5: {  	[dreg:$0x5] =	wrdreg s4  }
0xb6: {  	[dreg:$0x6] =	wrdreg s5  }
0xb7: {  	[dreg:$0x7] =	wrdreg s6  }
0xb8: {  	[dreg:$0x8] =	wrdreg $0x9  }
0xb9: {  	_ =	task.clear_ibuf [dreg:s11], $0x9FFFF;
	_ =	strace $0x90000046  }
0xba: {  	s29 =	simm.s32 $0x9;
	_ =	strace $0x80000048  }
0xbb: {  	_ =	swait.ge [sflag:s29], $0x1  }
0xbc: {  	[sflag:s29] =	ssyncadd.s32 $0xFFFFFFFF  }
0xbd: {  	_ =	strace $0x90000048  }
0xbe: {  	_ =	sfence  }
0xbf: {  	s30 =	sld [smem:$0x0];
	_ =	sdelay $0x2  }
0xc0: {  	s31 =	sshll.u32 s1, $0xD;
	s1 =	sshrl.u32 s1, $0x2  }
0xc1: {  	s3 =	sand.u32 $0x4000, s31;
	s1 =	sadd.s32 s1, s30  }
0xc2: {  	s0 =	sor.u32 s3, s0;
	s1 =	sshll.u32 s1, $0x11  }
0xc3: {  	s0 =	sor.u32 s1, s0  }
0xc4: {  	s0 =	sadd.s32 $0x8F2B, s0  }
0xc5: {  	[sflag:s0] =	ssyncadd.remote.s32 $0x1  }
0xc6: {  	_ =	sfence.sel $0xFFFF  }
0xc7: {  	[dreg:$0x0] =	wrdreg $0xFFFFFFFF;
	(pc) =	sbr.abs _section_cstart, $3  }
0xc8: {  	[dreg:$0x1] =	wrdreg $0xFFFFFFFF  }
0xc9: {  	_ =	task.clear_ibuf [dreg:s11], $0x2FFFF;
	_ =	strace $0x9FFFFFFF  }
0xca: {  	(tm) =	ssettm $0x7FFFFFFF  }
0xcb: {  	_ =	shalt  }
tec
execute0_lowered:
.L_overlay_start_1:
0x0: {  	(tag) =	ssettag $0x1  }
0x1: {  	s0 =	rddreg [dreg:$0x0]  }
0x2: {  	s1 =	rddreg [dreg:$0x1]  }
0x3: {  	s6 =	rddreg [dreg:$0x5];
	s2 =	srdreg.scid  }
0x4: {  	s3 =	stileid.u32;
	s5 =	simm.s32 $0x0;
	s31 =	simm.s32 $0x3  }
0x5: {  	s29 =	simm.s32 $0x9;
	s11 =	simm.s32 $0x8;
	s7 =	simm.s32 $0x0  }
0x6: {  	s2 =	sand.u32 $0x1, s2;
	s3 =	sshll.u32 s3, $0x8;
	[smem:$0x7FF] =	sst s5  }
0x7: {  	s9 =	sadd.s32 $0xF42A00, s1;
	s5 =	simm.s32 $0x4;
	s4 =	sshll.u32 s2, $0x7  }
0x8: {  	s2 =	ssub.s32 $0x2, s2;
	_ =	strace $0x80000047;
	s20 =	sor.u32 s4, s3  }
0x9: {  	s21 =	sshrl.u32 s2, $0x1;
	s3 =	simm.s32 $0xB480;
	s4 =	sshrl.u32 s20, $0x3  }
0xa: {  	s22 =	ssub.s32 s2, s21;
	s25 =	sor.u32 $0x4000, s20;
	s26 =	sor.u32 $0x5000, s20  }
0xb: {  	s28 =	sor.u32 $0x6000, s20;
	s30 =	smov.u32 s20;
	[dreg:$0xa] =	wrdreg s25  }
0xc: {  	s16 =	smul.u32 $0x6400, s20;
	s20 =	simm.s32 $0x6;
	[dreg:$0xb] =	wrdreg s26  }
0xd: {  	s21 =	simm.s32 $0x7;
	s23 =	sadd.s32 s0, s4;
	[dreg:$0xc] =	wrdreg s28  }
0xe: {  	s1 =	smax.u32 s22, $0x1;
	s25 =	simm.s32 $0x80;
	[dreg:$0x7] =	wrdreg s23  }
0xf: {  	s4 =	simm.s32 $0x5;
	s24 =	sadd.s32 $0x200, s23;
	[dreg:$0xd] =	wrdreg s1  }
0x10: {  	s26 =	simm.s32 $0xF480;
	s2 =	sadd.s32 $0x400, s23;
	[dreg:$0x8] =	wrdreg s24  }
0x11: {  	s22 =	simm.s32 $0xA;
	[dreg:$0x9] =	wrdreg s2;
	s2 =	simm.s32 $0x6400  }
.LBB2_1:
0x12: {  	[dreg:$0xe] =	wrdreg s7  }
0x13: {  	s1 =	rddreg [dreg:$0x2];
	s19 =	simm.s32 $0x0;
	s8 =	simm.s32 $0xB  }
0x14: {  	[tilespmem:s19], [sflag:$0xB] =	stream.linear.gather [hbm4b:s1+s19], $0x3200, $0x38;
	[tilespmem:$0x13480] =	vst v63  }
0x15: {  	_ =	swait.ge [sflag:s8], $0x3200  }
0x16: {  	[sflag:s8] =	ssyncset.done $0x0  }
0x17: {  	[sflag:s8] =	ssyncadd.s32 $0xFFFFCE00  }
0x18: {  	s10 =	simm.s32 $0x3200;
	s23 =	rddreg [dreg:$0x3]  }
0x19: {  	[tilespmem:s10], [sflag:$0xB] =	stream.linear.gather [hbm4b:s23+s19], $0x40, $0x38;
	[tilespmem:$0x13480] =	vst v63  }
0x1a: {  	_ =	swait.ge [sflag:s8], $0x40  }
0x1b: {  	[sflag:s8] =	ssyncset.done $0x0  }
0x1c: {  	[sflag:s8] =	ssyncadd.s32 $0xFFFFFFC0  }
0x1d: {  	s28 =	simm.s32 $0x3240;
	s24 =	rddreg [dreg:$0x4]  }
0x1e: {  	[tilespmem:s28], [sflag:$0xB] =	stream.linear.gather [hbm4b:s24+s19], $0x40, $0x38;
	[tilespmem:$0x13480] =	vst v63  }
0x1f: {  	_ =	swait.ge [sflag:s8], $0x40  }
0x20: {  	[sflag:s8] =	ssyncset.done $0x0  }
0x21: {  	s1 =	simm.s32 $0x0;
	[sflag:s8] =	ssyncadd.s32 $0xFFFFFFC0  }
0x22: {  	s7 =	simm.s32 $0x100;
	v0 =	vld [tilespmem:s1+$0x0]  }
.LBB2_2:
0x23: {  	p0 =	sne.s32 s7, $0xC700;
	v1 =	vld [tilespmem:$0x3240];
	_ =	sdelay $0x4  }
0x24: {  	v0 =	vadd.f32 v1, v0;
	_ =	sdelay $0x1  }
0x25: {  	[tilespmem:s1+$0x0] =	vst v0;
	v0 =	vld [tilespmem:s1+$0x10]  }
0x26: {  	v1 =	vld [tilespmem:$0x3250];
	_ =	sdelay $0x4  }
0x27: {  	v0 =	vadd.f32 v1, v0;
	_ =	sdelay $0x1  }
0x28: {  	[tilespmem:s1+$0x10] =	vst v0;
	v0 =	vld [tilespmem:s1+$0x20]  }
0x29: {  	v1 =	vld [tilespmem:$0x3260];
	_ =	sdelay $0x4  }
0x2a: {  	v0 =	vadd.f32 v1, v0;
	_ =	sdelay $0x1  }
0x2b: {  	[tilespmem:s1+$0x20] =	vst v0;
	v0 =	vld [tilespmem:s1+$0x30]  }
0x2c: {  	v1 =	vld [tilespmem:$0x3270];
	_ =	sdelay $0x2  }
.Ltmp0:
0x2d: {  	(pc) =	sbr.rel @p0 .LBB2_2-.Ltmp0, $4  }
0x2e: {  	_ = 	snop  }
0x2f: {  	v1 =	vadd.f32 v1, v0  }
0x30: {  	s10 =	sshra.s32 s7, $0x2  }
0x31: {  	s7 =	sadd.s32 $0x100, s7;
	v0 =	vld [tilespmem:s10+$0x0];
	[tilespmem:s1+$0x30] =	vst v1;
	s1 =	smov.u32 s10  }
0x32: {  	v1 =	vld [tilespmem:$0x3240];
	_ =	sdelay $0x4  }
0x33: {  	v0 =	vadd.f32 v1, v0;
	_ =	sdelay $0x1  }
0x34: {  	v58 =	vld [tilespmem:s1+$0x10];
	[tilespmem:s1+$0x0] =	vst v0  }
0x35: {  	v59 =	vld [tilespmem:$0x3250];
	_ =	sdelay $0x4  }
0x36: {  	v0 =	vadd.f32 v59, v58;
	_ =	sdelay $0x1  }
0x37: {  	v60 =	vld [tilespmem:s1+$0x20];
	[tilespmem:s1+$0x10] =	vst v0  }
0x38: {  	v61 =	vld [tilespmem:$0x3260];
	_ =	sdelay $0x4  }
0x39: {  	v0 =	vadd.f32 v61, v60;
	_ =	sdelay $0x1  }
0x3a: {  	v62 =	vld [tilespmem:s1+$0x30];
	[tilespmem:s1+$0x20] =	vst v0  }
0x3b: {  	v63 =	vld [tilespmem:$0x3270];
	_ =	sdelay $0x4  }
0x3c: {  	v0 =	vadd.f32 v63, v62;
	_ =	sdelay $0x1  }
0x3d: {  	s17 =	simm.s32 $0x0;
	s14 =	rddreg [dreg:$0x7];
	s7 =	simm.s32 $0x3280;
	[tilespmem:s1+$0x30] =	vst v0  }
0x3e: {  	[tilespmem:s7], [sflag:$0x1] =	stream.linear.gather [hbm4b:s14+s17], $0x80, $0x38;
	[tilespmem:$0x13480] =	vst v63  }
0x3f: {  	s15 =	rddreg [dreg:$0x8];
	s8 =	simm.s32 $0x3300  }
0x40: {  	[tilespmem:s8], [sflag:$0x2] =	stream.linear.gather [hbm4b:s15+s17], $0x80, $0x38;
	[tilespmem:$0x13480] =	vst v63  }
0x41: {  	s18 =	rddreg [dreg:$0x9];
	s10 =	simm.s32 $0x3380;
	s19 =	simm.s32 $0x1  }
0x42: {  	[tilespmem:s10], [sflag:$0x3] =	stream.linear.gather [hbm4b:s18+s17], $0x80, $0x38;
	[tilespmem:$0x13480] =	vst v63  }
0x43: {  	_ =	swait.ge [sflag:s19], $0x80  }
0x44: {  	[sflag:s19] =	ssyncset.done $0x0  }
0x45: {  	s23 =	simm.s32 $0x3480;
	s24 =	simm.s32 $0x2;
	[sflag:s19] =	ssyncadd.s32 $0xFFFFFF80  }
0x46: {  	[tilespmem:s23], [sflag:$0x5] =	stream.indirect.gather [hbm4b:s9+s25], $0x40, s7, s25, $0xb8;
	[tilespmem:$0x13480] =	vst v63  }
0x47: {  	_ =	swait.ge [sflag:s24], $0x80  }
0x48: {  	[sflag:s24] =	ssyncset.done $0x0  }
0x49: {  	s28 =	simm.s32 $0x5480;
	[sflag:s24] =	ssyncadd.s32 $0xFFFFFF80  }
0x4a: {  	[tilespmem:s28], [sflag:$0x6] =	stream.indirect.gather [hbm4b:s9+s25], $0x40, s8, s25, $0xb8;
	[tilespmem:$0x13480] =	vst v63  }
.LBB2_4:
0x4b: {  	s10 =	sshllo.u32 s17, $0x2  }
0x4c: {  	s1 =	sshll.u32 s10, $0xC  }
0x4d: {  	s1 =	sor.u32 s30, s1  }
0x4e: {  	s1 =	sshrl.u32 s1, $0x3  }
0x4f: {  	s7 =	simm.s32 $0x0;
	s8 =	simm.s32 $0x3400;
	s1 =	sadd.s32 s0, s1  }
0x50: {  	[tilespmem:s8], [sflag:$0x4] =	stream.linear.gather [hbm4b:s1+s7], $0x80, $0x38;
	[tilespmem:$0x13480] =	vst v63  }
0x51: {  	_ =	swait.ge [sflag:s31], $0x80  }
0x52: {  	s15 =	simm.s32 $0x3380;
	p1 =	seq.s32 s17, $0x0;
	[sflag:s31] =	ssyncset.done $0x0  }
0x53: {  	s18 =	simm.s32 $0x7480;
	s1 =	simm.s32 @!p1 $0x9;
	[sflag:s31] =	ssyncadd.s32 $0xFFFFFF80  }
0x54: {  	[tilespmem:s18], [sflag:$0x7] =	stream.indirect.gather [hbm4b:s9+s25], $0x40, s15, s25, $0xb8;
	[tilespmem:$0x13480] =	vst v63  }
0x55: {  	_ =	swait.ge @!p1 [sflag:s1], $0x4000  }
0x56: {  	[sflag:s1] =	ssyncset.done @!p1 $0x0  }
0x57: {  	[sflag:s1] =	ssyncadd.s32 @!p1 $0xFFFFC000  }
0x58: {  	_ =	swait.ge [sflag:s4], $0x2000  }
0x59: {  	[sflag:s4] =	ssyncset.done $0x0  }
0x5a: {  	s19 =	simm.s32 $0x3500;
	[sflag:s4] =	ssyncadd.s32 $0xFFFFE000  }
0x5b: {  	v8 =	vld [tilespmem:s19+$0x40]  }
0x5c: {  	v17 =	vld [tilespmem:s19+$0x50]  }
0x5d: {  	v10 =	vld [tilespmem:s19+$0x60]  }
0x5e: {  	v4 =	vld [tilespmem:s19+$0x70];
	_ =	sdelay $0x3  }
0x5f: {  	v0 =	vmul.f32 v8, v8;
	v1 =	vmul.f32 v17, v17  }
0x60: {  	v2 =	vmul.f32 v10, v10;
	v3 =	vmul.f32 v4, v4  }
0x61: {  	v5 =	vadd.f32 v17, v8;
	v6 =	vadd.f32 v4, v10  }
0x62: {  	v0 =	vadd.f32 v1, v0;
	v1 =	vadd.f32 v3, v2  }
0x63: {  	v2 =	vadd.f32 v6, v5  }
0x64: {  	v7 =	vld [tilespmem:s19+$0xFFFFFFB0];
	v0 =	vadd.f32 v1, v0  }
0x65: {  	v11 =	vld [tilespmem:s19+$0xFFFFFFC0];
	(xrf2) =	vadd.scan.msk.f32 $0xffff, v2  }
0x66: {  	v12 =	vld [tilespmem:s19+$0xFFFFFFD0];
	(xrf2) =	vadd.scan.msk.f32 $0xffff, v0  }
0x67: {  	v13 =	vld [tilespmem:s19+$0xFFFFFFE0]  }
0x68: {  	v14 =	vld [tilespmem:s19+$0xFFFFFFF0]  }
0x69: {  	v15 =	vld [tilespmem:s19+$0xFFFFFF80]  }
0x6a: {  	v6 =	vld [tilespmem:s19+$0xFFFFFFA0]  }
0x6b: {  	v5 =	vld [tilespmem:s19+$0xFFFFFF90]  }
0x6c: {  	v18 =	vld [tilespmem:s19+$0x0]  }
0x6d: {  	v20 =	vld [tilespmem:s19+$0x20]  }
0x6e: {  	v9 =	vld [tilespmem:s19+$0x30]  }
0x6f: {  	v19 =	vld [tilespmem:s19+$0x10];
	v1 =	vadd.f32 v7, v6;
	v0, _, _ =	vpop (xrf2)  }
0x70: {  	v2 =	vadd.f32 v5, v15;
	(v2sf) =	vpush v0, $0xF;
	v0, _, _ =	vpop (xrf2)  }
0x71: {  	v3 =	vadd.f32 v14, v13;
	(v2sf) =	vpush v0, $0xF  }
0x72: {  	v1 =	vadd.f32 v1, v2;
	v0 =	vadd.f32 v12, v11  }
0x73: {  	v16 =	vadd.f32 v9, v20  }
0x74: {  	v2 =	vadd.f32 v19, v18;
	(xrf2) =	vadd.scan.msk.f32 $0xffff, v1;
	v0 =	vadd.f32 v3, v0  }
0x75: {  	v22 =	vmul.f32 v15, v15;
	v21 =	vmul.f32 v5, v5  }
0x76: {  	v2 =	vadd.f32 v16, v2;
	v1 =	vmul.f32 v6, v6;
	v3 =	vmul.f32 v7, v7;
	(xrf2) =	vadd.scan.msk.f32 $0xffff, v0;
	_ =	sdelay $0x1  }
0x77: {  	v21 =	vadd.f32 v21, v22;
	v0 =	vadd.f32 v3, v1;
	(xrf2) =	vadd.scan.msk.f32 $0xffff, v2  }
0x78: {  	v23 =	vmul.f32 v14, v14;
	v16 =	vmul.f32 v13, v13  }
0x79: {  	v1 =	vmul.f32 v11, v11;
	v3 =	vmul.f32 v12, v12;
	v0 =	vadd.f32 v0, v21;
	_ =	sdelay $0x1  }
0x7a: {  	v2 =	vadd.f32 v23, v16;
	v1 =	vadd.f32 v3, v1;
	_ =	sdelay $0x1  }
0x7b: {  	v1 =	vadd.f32 v2, v1;
	(xrf2) =	vadd.scan.msk.f32 $0xffff, v0;
	v2 =	vmul.f32 v19, v19;
	v0, _, _ =	vpop (xrf2)  }
0x7c: {  	v3 =	vmul.f32 v9, v9;
	s23 =	spop (v2sf);
	(v2sf) =	vpush v0, $0xF  }
0x7d: {  	(xrf2) =	vadd.scan.msk.f32 $0xffff, v1;
	v1 =	vmul.f32 v18, v18;
	v0 =	vmul.f32 v20, v20;
	s1 =	smul.f32 $1.562500000e-02, s23;
	v16, _, _ =	vpop (xrf2);
	s24 =	spop (v2sf)  }
0x7e: {  	(v2sf) =	vpush v16, $0xF;
	s7 =	smul.f32 $1.562500000e-02, s24  }
0x7f: {  	v1 =	vadd.f32 v2, v1;
	v0 =	vadd.f32 v3, v0;
	v2, _, _ =	vpop (xrf2);
	s12 =	smul.f32 s1, s1  }
0x80: {  	(v2sf) =	vpush v2, $0xF  }
0x81: {  	v0 =	vadd.f32 v0, v1;
	s7 =	ssub.f32 s7, s12;
	_ =	sdelay $0x1  }
0x82: {  	(xrf2) =	vadd.scan.msk.f32 $0xffff, v0;
	v1 =	vmov s7  }
0x83: {  	v1 =	vadd.f32 $9.999999740e-06, v1;
	_ =	sdelay $0x1  }
0x84: {  	s8 =	simm.s32 $0x3600;
	v0, _, _ =	vpop (xrf2);
	v1 =	vbroadcast v1, $0x0  }
0x85: {  	v31 =	vld [tilespmem:s8+$0xFFFFFFC0];
	(v2sf) =	vpush v0, $0xF;
	v0, _, _ =	vpop (xrf2)  }
0x86: {  	v32 =	vld [tilespmem:s8+$0xFFFFFFD0];
	(v2sf) =	vpush v0, $0xF;
	v0 =	vshrl.u32 v1, $0x1;
	v16 =	vmul.f32 $5.000000000e-01, v1  }
0x87: {  	v21 =	vsub.s32 $0x5F3759DF, v0  }
0x88: {  	v1 =	vmul.f32 v21, v16  }
0x89: {  	s7 =	spop (v2sf)  }
0x8a: {  	v3 =	vmul.f32 v21, v1;
	s12 =	smul.f32 $1.562500000e-02, s7  }
0x8b: {  	v60 =	vld [tilespmem:s8+$0x40];
	v43 =	vadd.f32 v32, v31;
	v22, _, _ =	vpop (xrf2);
	s13 =	spop (v2sf)  }
0x8c: {  	v58 =	vld [tilespmem:s8+$0x50];
	(v2sf) =	vpush v22, $0xF;
	v23 =	vsub.f32 $1.500000000e+00, v3;
	v22 =	vmov s12;
	s13 =	smul.f32 $1.562500000e-02, s13  }
0x8d: {  	v3 =	vld [tilespmem:s8+$0x60];
	s14 =	spop (v2sf);
	v34 =	vsub.f32 v15, v22;
	v27 =	vsub.f32 v5, v22  }
0x8e: {  	v5 =	vld [tilespmem:s8+$0x70];
	v29 =	vsub.f32 v6, v22;
	s14 =	smul.f32 $1.562500000e-02, s14;
	v21 =	vmul.f32 v21, v23;
	v6 =	vmov s13  }
0x8f: {  	v25 =	vsub.f32 v7, v22;
	v30 =	vsub.f32 v11, v6  }
0x90: {  	v26 =	vld [tilespmem:s8+$0xFFFFFF90];
	v15 =	vsub.f32 v12, v6;
	v36 =	vmov s14;
	v7 =	vmul.f32 v21, v16  }
0x91: {  	v33 =	vld [tilespmem:s8+$0xFFFFFFB0];
	v14 =	vsub.f32 v14, v6;
	v11 =	vsub.f32 v18, v36;
	v18 =	vmul.f32 v58, v58  }
0x92: {  	v24 =	vld [tilespmem:s8+$0xFFFFFFF0];
	v16 =	vsub.f32 v13, v6;
	v28 =	vmul.f32 v3, v3;
	v6 =	vmul.f32 v7, v21  }
0x93: {  	v0 =	vld [tilespmem:$0x3230];
	v22 =	vadd.f32 v58, v60;
	v7 =	vmul.f32 v60, v60;
	v35 =	vmul.f32 v5, v5  }
0x94: {  	v12 =	vsub.f32 v19, v36;
	v19 =	vld [tilespmem:s8+$0xFFFFFFE0];
	v37 =	vadd.f32 v5, v3  }
0x95: {  	v41 =	vmul.f32 v26, v26;
	v23 =	vld [tilespmem:s8+$0xFFFFFFA0];
	v7 =	vadd.f32 v18, v7;
	v18 =	vadd.f32 v35, v28  }
0x96: {  	v45 =	vmul.f32 v31, v31;
	v1 =	vld [tilespmem:$0x3200];
	s12 =	smul.f32 s12, s12;
	v13 =	vsub.f32 v20, v36;
	s15 =	spop (v2sf);
	v61 =	vadd.f32 v37, v22  }
0x97: {  	v38 =	vmov s1;
	v20 =	vld [tilespmem:s8+$0x0];
	s15 =	smul.f32 $1.562500000e-02, s15;
	v6 =	vsub.f32 $1.500000000e+00, v6;
	v7 =	vadd.f32 v18, v7  }
0x98: {  	v46 =	vmul.f32 v32, v32;
	v47 =	vmul.f32 v24, v24;
	v4 =	vsub.f32 v4, v38;
	s13 =	smul.f32 s13, s13;
	v35 =	vld [tilespmem:s8+$0xFFFFFF80];
	(xrf2) =	vadd.scan.msk.f32 $0xffff, v61  }
0x99: {  	v17 =	vsub.f32 v17, v38;
	s18 =	spop (v2sf);
	v22 =	vld [tilespmem:s8+$0x20];
	s12 =	ssub.f32 s15, s12;
	v44 =	vadd.f32 v24, v19;
	v37 =	vmul.f32 v6, v21;
	(xrf2) =	vadd.scan.msk.f32 $0xffff, v7  }
0x9a: {  	v40 =	vadd.f32 v33, v23;
	v42 =	vmul.f32 v23, v23;
	s18 =	smul.f32 $1.562500000e-02, s18;
	v62 =	vmul.f32 v19, v19  }
0x9b: {  	v21 =	vld [tilespmem:s8+$0x10];
	v28 =	vmov s12;
	v43 =	vadd.f32 v44, v43;
	v39 =	vmul.f32 v37, v0  }
0x9c: {  	v49 =	vmul.f32 v20, v20;
	s19 =	ssub.f32 s18, s13;
	v44 =	vadd.f32 v46, v45;
	v6 =	vadd.f32 $9.999999740e-06, v28;
	v28 =	vld [tilespmem:s8+$0x30]  }
0x9d: {  	s23 =	smul.f32 s14, s14;
	v7 =	vmul.f32 v33, v33;
	v39 =	vmul.f32 v39, v4;
	s24 =	spop (v2sf);
	v4 =	vadd.f32 v26, v35  }
0x9e: {  	v18 =	vmov s19;
	v45 =	vmul.f32 v37, v1;
	v52 =	vmul.f32 v22, v22;
	s7 =	smul.f32 $1.562500000e-02, s24  }
0x9f: {  	v18 =	vadd.f32 $9.999999740e-06, v18;
	v6 =	vbroadcast v6, $0x0;
	v40 =	vadd.f32 v40, v4  }
0xa0: {  	v54 =	vmul.f32 v35, v35;
	v7 =	vadd.f32 v7, v42;
	v48 =	vadd.f32 v21, v20;
	s1 =	ssub.f32 s7, s23  }
0xa1: {  	v50 =	vmul.f32 v21, v21;
	v57 =	vshrl.u32 v6, $0x1;
	v51 =	vadd.f32 v28, v22;
	(xrf2) =	vadd.scan.msk.f32 $0xffff, v40  }
0xa2: {  	v41 =	vadd.f32 v41, v54;
	v46 =	vsub.s32 $0x5F3759DF, v57;
	v63 =	vmov s1;
	v56, _, _ =	vpop (xrf2)  }
0xa3: {  	v55 =	vadd.f32 v51, v48;
	v48 =	vmul.f32 $5.000000000e-01, v6;
	(v2sf) =	vpush v56, $0xF;
	v6, _, _ =	vpop (xrf2)  }
0xa4: {  	(xrf2) =	vadd.scan.msk.f32 $0xffff, v43;
	(v2sf) =	vpush v6, $0xF;
	v6 =	vbroadcast v18, $0x0;
	v18 =	vadd.f32 $9.999999740e-06, v63  }
0xa5: {  	v42 =	vadd.f32 v47, v62;
	v53 =	vmul.f32 v28, v28;
	v47 =	vmul.f32 v46, v48  }
0xa6: {  	v59 =	vadd.f32 v50, v49;
	v41 =	vadd.f32 v7, v41;
	(xrf2) =	vadd.scan.msk.f32 $0xffff, v55;
	v18 =	vbroadcast v18, $0x0  }
0xa7: {  	v62 =	vmul.f32 v46, v47;
	v61 =	vshrl.u32 v6, $0x1;
	v50 =	vmul.f32 $5.000000000e-01, v6  }
0xa8: {  	v47 =	vsub.s32 $0x5F3759DF, v61;
	v63 =	vshrl.u32 v18, $0x1;
	v54 =	vmul.f32 $5.000000000e-01, v18  }
0xa9: {  	v2 =	vld [tilespmem:$0x3210];
	(xrf2) =	vadd.scan.msk.f32 $0xffff, v41;
	v40 =	vsub.f32 $1.500000000e+00, v62;
	v49 =	vmul.f32 v47, v50;
	v51 =	vsub.s32 $0x5F3759DF, v63  }
0xaa: {  	v57 =	vadd.f32 v42, v44;
	v52 =	vadd.f32 v53, v52;
	v56 =	vmul.f32 v51, v54  }
0xab: {  	s7 =	sshll.u32 s17, $0x8;
	v18 =	vsub.f32 v9, v36;
	v40 =	vmul.f32 v46, v40;
	v61, _, _ =	vpop (xrf2);
	v9 =	vmul.f32 v47, v49  }
0xac: {  	v4 =	vld [tilespmem:$0x3220];
	s1 =	sand.u32 $0x3FFFFF00, s7;
	v62 =	vsub.f32 v8, v38;
	(v2sf) =	vpush v61, $0xF;
	v36 =	vmul.f32 v51, v56  }
0xad: {  	v8 =	vld [tilespmem:s1+$0x30];
	v38 =	vsub.f32 v10, v38;
	v48 =	vmul.f32 v40, v48;
	v9 =	vsub.f32 $1.500000000e+00, v9  }
0xae: {  	v10 =	vld [tilespmem:s1+$0x10];
	v43 =	vmul.f32 v45, v62;
	v63 =	vmul.f32 v37, v2;
	v49, _, _ =	vpop (xrf2);
	v36 =	vsub.f32 $1.500000000e+00, v36  }
0xaf: {  	v41 =	vmul.f32 v48, v40;
	(v2sf) =	vpush v49, $0xF;
	v47 =	vmul.f32 v47, v9  }
0xb0: {  	v59 =	vadd.f32 v52, v59;
	(xrf2) =	vadd.scan.msk.f32 $0xffff, v57;
	v17 =	vmul.f32 v63, v17;
	v52, _, _ =	vpop (xrf2);
	v36 =	vmul.f32 v51, v36  }
0xb1: {  	v9 =	vld [tilespmem:s1+$0x0];
	v41 =	vsub.f32 $1.500000000e+00, v41;
	(v2sf) =	vpush v52, $0xF;
	v50 =	vmul.f32 v47, v50  }
0xb2: {  	v37 =	vmul.f32 v37, v4;
	v45 =	vadd.f32 v39, v8;
	(xrf2) =	vadd.scan.msk.f32 $0xffff, v59;
	s8 =	spop (v2sf);
	v53 =	vmul.f32 v36, v54  }
0xb3: {  	v63 =	vadd.f32 v17, v10;
	v17 =	vld [tilespmem:s1+$0x20];
	v55, _, _ =	vpop (xrf2);
	v42 =	vmul.f32 v50, v47;
	s23 =	smul.f32 $1.562500000e-02, s8;
	v54 =	vmul.f32 v41, v40;
	s12 =	spop (v2sf)  }
0xb4: {  	v48 =	vmul.f32 v37, v38;
	(v2sf) =	vpush v55, $0xF;
	s7 =	smul.f32 $1.562500000e-02, s12;
	v57 =	vmul.f32 v53, v36  }
0xb5: {  	v56 =	vsub.f32 $1.500000000e+00, v42;
	s13 =	smul.f32 s23, s23;
	v59 =	vmul.f32 v54, v1;
	v42 =	vmul.f32 v54, v2  }
0xb6: {  	v43 =	vadd.f32 v43, v9;
	v61 =	vmul.f32 v54, v4;
	v51 =	vmul.f32 v54, v0  }
0xb7: {  	v39 =	vmul.f32 v56, v47;
	v40 =	vsub.f32 $1.500000000e+00, v57;
	s7 =	ssub.f32 s7, s13;
	v34 =	vmul.f32 v59, v34  }
0xb8: {  	v42 =	vmul.f32 v42, v27;
	v47 =	vmul.f32 v61, v29;
	v61 =	vadd.f32 v48, v17  }
0xb9: {  	v48 =	vmul.f32 v51, v25;
	v53 =	vmul.f32 v39, v1;
	v55 =	vmov s7  }
0xba: {  	[tilespmem:$0x1FFC0] =	vst v1;
	v62, _, _ =	vpop (xrf2);
	v40 =	vmul.f32 v40, v36;
	v41 =	vmul.f32 v39, v2;
	v56 =	vadd.f32 $9.999999740e-06, v55  }
0xbb: {  	[tilespmem:$0x1FFD0] =	vst v2;
	(v2sf) =	vpush v62, $0xF;
	v38 =	vmul.f32 v39, v4;
	v37 =	vmul.f32 v39, v0;
	s14 =	spop (v2sf)  }
0xbc: {  	[tilespmem:$0x1FFF0] =	vst v0;
	v57, _, _ =	vpop (xrf2);
	v34 =	vadd.f32 v34, v9;
	v39 =	vmul.f32 v40, v1;
	s1 =	smul.f32 $1.562500000e-02, s14;
	v59 =	vbroadcast v56, $0x0  }
0xbd: {  	s28 =	simm.s32 $0xB580;
	[tilespmem:$0x1FFE0] =	vst v4;
	(v2sf) =	vpush v57, $0xF;
	v46 =	vmul.f32 v40, v2;
	v36 =	vmul.f32 v40, v4  }
0xbe: {  	[tilespmem:s28+$0xB0] =	vst v45;
	v62 =	vmov s1;
	s15 =	spop (v2sf);
	v27 =	vshrl.u32 v59, $0x1;
	v49 =	vmul.f32 $5.000000000e-01, v59  }
0xbf: {  	[tilespmem:s28+$0x90] =	vst v63;
	v40 =	vmul.f32 v40, v0;
	v29 =	vsub.f32 v35, v62;
	s7 =	smul.f32 $1.562500000e-02, s15;
	v50 =	vsub.s32 $0x5F3759DF, v27  }
0xc0: {  	s18 =	sshll.u32 s17, $0x2;
	[tilespmem:s28+$0x80] =	vst v43;
	s13 =	smul.f32 s1, s1;
	v26 =	vsub.f32 v26, v62;
	s19 =	spop (v2sf);
	v35 =	vmul.f32 v53, v30;
	v63 =	vmul.f32 v50, v49  }
0xc1: {  	s24 =	sor.u32 $0x2, s18;
	s12 =	simm.s32 $0xB580;
	[tilespmem:s28+$0xA0] =	vst v61;
	v27 =	vsub.f32 v23, v62;
	v23 =	vsub.f32 v33, v62;
	s14 =	smul.f32 $1.562500000e-02, s19;
	v43 =	vmov s7  }
0xc2: {  	[tilespmem:s28+$0xFFFFFF00] =	vst v34;
	s1 =	simm.s32 $0x4;
	s19 =	simm.s32 $0x3700;
	s7 =	smul.f32 s7, s7;
	v25 =	vsub.f32 v31, v43;
	v30 =	vsub.f32 v32, v43;
	v31 =	vmul.f32 v50, v63  }
.LBB2_5:
0xc3: {  	v19 =	vsub.f32 v19, v43;
	v41 =	vmul.f32 v41, v15  }
0xc4: {  	v45 =	vld [tilespmem:s19+$0x40];
	v24 =	vsub.f32 v24, v43;
	v38 =	vmul.f32 v38, v16;
	v37 =	vmul.f32 v37, v14  }
0xc5: {  	v44 =	vld [tilespmem:s19+$0x50];
	v34 =	vadd.f32 v47, v17;
	v32 =	vmov s14;
	v31 =	vsub.f32 $1.500000000e+00, v31  }
0xc6: {  	v43 =	vld [tilespmem:s19+$0x60];
	v36 =	vmul.f32 v36, v13;
	v40 =	vmul.f32 v40, v18;
	v20 =	vsub.f32 v20, v32  }
0xc7: {  	v51 =	vld [tilespmem:s19+$0x70];
	v16 =	vmovc v19;
	v19 =	vsub.f32 v22, v32;
	v22 =	vsub.f32 v28, v32;
	v28 =	vmul.f32 v50, v31  }
0xc8: {  	v33 =	vld [tilespmem:s19+$0xFFFFFFC0];
	v15 =	vmovc v30;
	v14 =	vmov v24;
	v24 =	vadd.f32 v42, v10;
	v42 =	vmul.f32 v39, v11;
	s15 =	spop (v2sf)  }
0xc9: {  	v30 =	vld [tilespmem:s19+$0xFFFFFF90];
	v21 =	vsub.f32 v21, v32;
	v39 =	vmul.f32 v46, v12;
	v11 =	vmovc v20;
	v20 =	vmul.f32 v28, v49;
	s15 =	smul.f32 $1.562500000e-02, s15  }
0xca: {  	v32 =	vld [tilespmem:s19+$0xFFFFFFB0];
	v41 =	vadd.f32 v41, v10;
	v38 =	vadd.f32 v38, v17;
	v50 =	vmov s23  }
0xcb: {  	v31 =	vld [tilespmem:s19+$0xFFFFFFA0];
	[tilespmem:s28+$0xFFFFFF10] =	vst v24;
	v24 =	vadd.f32 v48, v8;
	v55 =	vsub.f32 v5, v50;
	v20 =	vmul.f32 v20, v28;
	s13 =	ssub.f32 s15, s13  }
0xcc: {  	v4 =	vld [tilespmem:$0x1FFF0];
	v18 =	vmovc v22;
	v22 =	vadd.f32 v44, v45;
	v61 =	vadd.f32 v51, v43;
	v62 =	vmul.f32 v45, v45  }
0xcd: {  	[tilespmem:s28+$0xFFFFFF20] =	vst v34;
	v34 =	vld [tilespmem:s19+$0xFFFFFFD0];
	v12 =	vmovc v21;
	v63 =	vmul.f32 v44, v44;
	v57 =	vsub.f32 $1.500000000e+00, v20;
	v21 =	vmov s13  }
0xce: {  	v13 =	vmovc v19;
	v19 =	vld [tilespmem:s19+$0xFFFFFFE0];
	v59 =	vmul.f32 v43, v43;
	v52 =	vmul.f32 v51, v51;
	v46 =	vadd.f32 $9.999999740e-06, v21  }
0xcf: {  	v20 =	vld [tilespmem:s19+$0x0];
	v49 =	vmul.f32 v57, v28;
	v21 =	vadd.f32 v35, v9;
	v35 =	vadd.f32 v61, v22  }
0xd0: {  	v47 =	vadd.f32 v63, v62;
	v28 =	vld [tilespmem:s19+$0x30];
	v61 =	vadd.f32 v52, v59  }
0xd1: {  	v6 =	vmovc v3;
	[tilespmem:s28+$0xFFFFFF30] =	vst v24;
	v62 =	vmul.f32 v32, v32;
	s8 =	spop (v2sf);
	v56 =	vmul.f32 v49, v4;
	v22 =	vld [tilespmem:s19+$0x20];
	(xrf2) =	vadd.scan.msk.f32 $0xffff, v35  }
0xd2: {  	v3 =	vmovc v58;
	v54 =	vadd.f32 v32, v31;
	v57 =	vmul.f32 v31, v31;
	s15 =	smul.f32 $1.562500000e-02, s8;
	v47 =	vadd.f32 v61, v47;
	v35 =	vld [tilespmem:s19+$0xFFFFFF80]  }
0xd3: {  	v48 =	vadd.f32 v34, v33;
	v58 =	vmul.f32 v34, v34;
	v55 =	vmul.f32 v56, v55;
	[tilespmem:s28+$0xFFFFFF80] =	vst v21;
	v21 =	vld [tilespmem:s19+$0x10]  }
0xd4: {  	v56 =	vadd.f32 v62, v57;
	v57 =	vmul.f32 v33, v33;
	s7 =	ssub.f32 s15, s7;
	v52 =	vmul.f32 v30, v30;
	v24 =	vld [tilespmem:s19+$0xFFFFFFF0];
	(xrf2) =	vadd.scan.msk.f32 $0xffff, v47  }
0xd5: {  	v1 =	vmul.f32 v28, v28;
	v55 =	vadd.f32 v55, v8;
	v61 =	vmul.f32 v20, v20  }
0xd6: {  	v53 =	vmov s7;
	s28 =	sadd.s32 $0x200, s28;
	v46 =	vbroadcast v46, $0x0;
	v0 =	vmul.f32 v22, v22  }
0xd7: {  	[tilespmem:s28+$0xB0] =	vst v55;
	v47 =	vmul.f32 v19, v19;
	v63 =	vadd.f32 v28, v22;
	v55 =	vadd.f32 v30, v35  }
0xd8: {  	s14 =	smul.f32 s14, s14;
	v5 =	vmovc v60;
	s8 =	spop (v2sf);
	v60 =	vadd.f32 v21, v20;
	v2 =	vmul.f32 v35, v35;
	v0 =	vadd.f32 v1, v0  }
0xd9: {  	v7 =	vmovc v51;
	s13 =	smul.f32 $1.562500000e-02, s8;
	v62 =	vmul.f32 v21, v21;
	v51 =	vadd.f32 v24, v19;
	v54 =	vadd.f32 v54, v55  }
0xda: {  	v1 =	vshrl.u32 v46, $0x1;
	v2 =	vadd.f32 v52, v2;
	v52 =	vadd.f32 v63, v60  }
0xdb: {  	s13 =	ssub.f32 s13, s14;
	v59 =	vmul.f32 v24, v24;
	v48 =	vadd.f32 v51, v48;
	v51 =	vadd.f32 v58, v57;
	v58, _, _ =	vpop (xrf2);
	(xrf2) =	vadd.scan.msk.f32 $0xffff, v54  }
0xdc: {  	v46 =	vmul.f32 $5.000000000e-01, v46;
	v55 =	vadd.f32 v62, v61;
	v61 =	vld [tilespmem:$0x1FFC0];
	v63 =	vadd.f32 $9.999999740e-06, v53  }
0xdd: {  	v47 =	vadd.f32 v59, v47;
	v57 =	vmov s13;
	v2 =	vadd.f32 v56, v2  }
0xde: {  	v1 =	vsub.s32 $0x5F3759DF, v1;
	v57 =	vadd.f32 $9.999999740e-06, v57;
	(v2sf) =	vpush v58, $0xF;
	v56, _, _ =	vpop (xrf2)  }
0xdf: {  	v54 =	vsub.f32 v5, v50;
	v5 =	vmovc v7;
	v7 =	vld [tilespmem:$0x1FFD0];
	v58 =	vmul.f32 v1, v46;
	(xrf2) =	vadd.scan.msk.f32 $0xffff, v48;
	(v2sf) =	vpush v56, $0xF  }
0xe0: {  	v47 =	vadd.f32 v47, v51;
	v51 =	vbroadcast v57, $0x0;
	v48 =	vbroadcast v63, $0x0  }
0xe1: {  	v0 =	vadd.f32 v0, v55;
	v59 =	vmul.f32 v49, v61;
	(xrf2) =	vadd.scan.msk.f32 $0xffff, v52;
	v52 =	vmul.f32 v1, v58  }
0xe2: {  	v63 =	vshrl.u32 v51, $0x1;
	v62 =	vshrl.u32 v48, $0x1;
	v48 =	vmul.f32 $5.000000000e-01, v48  }
0xe3: {  	v60 =	vmovc v45;
	v51 =	vmul.f32 $5.000000000e-01, v51;
	v45 =	vsub.s32 $0x5F3759DF, v62;
	v52 =	vsub.f32 $1.500000000e+00, v52  }
0xe4: {  	v56 =	vsub.s32 $0x5F3759DF, v63;
	v55 =	vmul.f32 v49, v7;
	v53 =	vmul.f32 v45, v48  }
0xe5: {  	v57 =	vsub.f32 v3, v50;
	v63 =	vmul.f32 v56, v51;
	v1 =	vmul.f32 v1, v52;
	v3, _, _ =	vpop (xrf2)  }
0xe6: {  	(xrf2) =	vadd.scan.msk.f32 $0xffff, v2;
	v52 =	vmul.f32 v59, v54;
	v2 =	vmul.f32 v45, v53;
	(v2sf) =	vpush v3, $0xF  }
0xe7: {  	v37 =	vadd.f32 v37, v8;
	v62 =	vld [tilespmem:$0x1FFE0];
	v58 =	vmovc v44;
	v44 =	vmul.f32 v56, v63;
	v54 =	vmul.f32 v1, v46  }
0xe8: {  	v36 =	vadd.f32 v36, v17;
	v2 =	vsub.f32 $1.500000000e+00, v2  }
0xe9: {  	v46 =	vmul.f32 v55, v57;
	v44 =	vsub.f32 $1.500000000e+00, v44;
	v57 =	vmul.f32 v54, v1;
	v55, _, _ =	vpop (xrf2)  }
0xea: {  	v42 =	vadd.f32 v42, v9;
	[tilespmem:s12+$0xFFFFFF90] =	vst v41;
	v2 =	vmul.f32 v45, v2;
	(v2sf) =	vpush v55, $0xF  }
0xeb: {  	v50 =	vsub.f32 v6, v50;
	(xrf2) =	vadd.scan.msk.f32 $0xffff, v47;
	v59 =	vmul.f32 v56, v44;
	v63, _, _ =	vpop (xrf2);
	v41 =	vsub.f32 $1.500000000e+00, v57  }
0xec: {  	v49 =	vmul.f32 v49, v62;
	(xrf2) =	vadd.scan.msk.f32 $0xffff, v0;
	v0 =	vmul.f32 v2, v48;
	(v2sf) =	vpush v63, $0xF  }
0xed: {  	v44 =	vadd.f32 v39, v10;
	v47 =	vmul.f32 v59, v51;
	v1 =	vmul.f32 v41, v1;
	s14 =	spop (v2sf)  }
0xee: {  	v45 =	vmul.f32 v49, v50;
	v50 =	vadd.f32 v52, v9;
	v0 =	vmul.f32 v0, v2;
	s23 =	smul.f32 $1.562500000e-02, s14;
	s15 =	spop (v2sf)  }
0xef: {  	v55 =	vadd.f32 v46, v10;
	v39 =	vmul.f32 v47, v59;
	v51 =	vmul.f32 v1, v61;
	s7 =	smul.f32 $1.562500000e-02, s15  }
0xf0: {  	v52 =	vmul.f32 v1, v7;
	v53 =	vmul.f32 v1, v62;
	v0 =	vsub.f32 $1.500000000e+00, v0;
	s8 =	smul.f32 s23, s23  }
0xf1: {  	v48 =	vadd.f32 v40, v8;
	v1 =	vmul.f32 v1, v4;
	v29 =	vmul.f32 v51, v29  }
0xf2: {  	[tilespmem:s12+$0x0] =	vst v42;
	v49, _, _ =	vpop (xrf2);
	v42 =	vmul.f32 v52, v26;
	v0 =	vmul.f32 v0, v2;
	v2 =	vsub.f32 $1.500000000e+00, v39;
	s7 =	ssub.f32 s7, s8  }
0xf3: {  	[tilespmem:s12+$0x30] =	vst v48;
	(v2sf) =	vpush v49, $0xF;
	v47 =	vmul.f32 v53, v27;
	v48 =	vmul.f32 v1, v23  }
0xf4: {  	v56 =	vmul.f32 v0, v61;
	v2 =	vmul.f32 v2, v59;
	v6 =	vmov s7  }
0xf5: {  	[tilespmem:s12+$0xFFFFFFA0] =	vst v38;
	v54, _, _ =	vpop (xrf2);
	v41 =	vmul.f32 v0, v7;
	v38 =	vmul.f32 v0, v62;
	v57 =	vadd.f32 $9.999999740e-06, v6;
	s13 =	spop (v2sf)  }
0xf6: {  	[tilespmem:s12+$0xFFFFFFB0] =	vst v37;
	(v2sf) =	vpush v54, $0xF;
	v37 =	vmul.f32 v0, v4;
	v39 =	vmul.f32 v2, v61;
	s7 =	smul.f32 $1.562500000e-02, s13  }
0xf7: {  	s1 =	sadd.s32 $0x4, s1;
	[tilespmem:s12+$0x20] =	vst v36;
	v29 =	vadd.f32 v29, v9;
	v46 =	vmul.f32 v2, v7;
	v0 =	vbroadcast v57, $0x0  }
0xf8: {  	p0 =	slt.u32 s1, $0x7C;
	[tilespmem:s12+$0x10] =	vst v44;
	v36 =	vmul.f32 v2, v62;
	v40 =	vmul.f32 v2, v4;
	v2 =	vadd.f32 v45, v17;
	s13 =	smul.f32 s7, s7  }
.Ltmp1:
0xf9: {  	[tilespmem:s28+$0x80] =	vst v50;
	v59, _, _ =	vpop (xrf2);
	v27 =	vshrl.u32 v0, $0x1;
	v49 =	vmul.f32 $5.000000000e-01, v0;
	s14 =	spop (v2sf);
	v63 =	vmov s7;
	(pc) =	sbr.rel @p0 .LBB2_5-.Ltmp1, $4  }
0xfa: {  	[tilespmem:s28+$0xFFFFFF00] =	vst v29;
	(v2sf) =	vpush v59, $0xF;
	s7 =	smul.f32 $1.562500000e-02, s14;
	v50 =	vsub.s32 $0x5F3759DF, v27;
	v29 =	vsub.f32 v35, v63  }
0xfb: {  	[tilespmem:s28+$0xA0] =	vst v2;
	s15 =	spop (v2sf);
	v26 =	vsub.f32 v30, v63;
	v0 =	vsub.f32 v32, v63;
	v2 =	vmul.f32 v50, v49  }
0xfc: {  	v3 =	vmovc v43;
	[tilespmem:s28+$0x90] =	vst v55;
	v27 =	vsub.f32 v31, v63;
	v35 =	vmul.f32 v56, v25;
	s14 =	smul.f32 $1.562500000e-02, s15;
	v43 =	vmov s7  }
0xfd: {  	s19 =	sadd.s32 $0x100, s19;
	s12 =	smov.u32 s28;
	s7 =	smul.f32 s7, s7;
	v25 =	vsub.f32 v33, v43;
	v30 =	vsub.f32 v34, v43;
	v31 =	vmul.f32 v50, v2;
	v23 =	vmovc v0  }
0xfe: {  	_ =	sdelay $0x3  }
0xff: {  	s1 =	spop (v2sf)  }
0x100: {  	v1 =	vmul.f32 v41, v15;
	v2 =	vmov s14;
	v0 =	vsub.f32 $1.500000000e+00, v31;
	s1 =	smul.f32 $1.562500000e-02, s1  }
0x101: {  	v11 =	vmul.f32 v39, v11;
	v31 =	vsub.f32 v19, v43;
	v19 =	vsub.f32 v24, v43  }
0x102: {  	v24 =	vmul.f32 v38, v16;
	v16 =	vsub.f32 v20, v2;
	v0 =	vmul.f32 v50, v0;
	s1 =	ssub.f32 s1, s13  }
0x103: {  	v20 =	vsub.f32 v21, v2;
	v21 =	vmul.f32 v37, v14;
	v14 =	vsub.f32 v22, v2  }
0x104: {  	v15 =	vsub.f32 v28, v2;
	v32 =	vmul.f32 v0, v49;
	s19 =	spop (v2sf);
	v2 =	vmov s1  }
0x105: {  	v12 =	vmul.f32 v46, v12;
	v13 =	vmul.f32 v36, v13;
	s13 =	smul.f32 $1.562500000e-02, s19;
	v2 =	vadd.f32 $9.999999740e-06, v2  }
0x106: {  	s8 =	smul.f32 s14, s14;
	v59 =	vadd.f32 v47, v17;
	v18 =	vmul.f32 v40, v18;
	v22 =	vmul.f32 v32, v0  }
0x107: {  	v48 =	vadd.f32 v48, v8;
	v35 =	vadd.f32 v35, v9;
	s15 =	ssub.f32 s13, s7;
	s19 =	spop (v2sf);
	v2 =	vbroadcast v2, $0x0  }
0x108: {  	v61 =	vmov s23;
	v28 =	vadd.f32 v42, v10;
	v22 =	vsub.f32 $1.500000000e+00, v22;
	s7 =	smul.f32 $1.562500000e-02, s19  }
0x109: {  	v44 =	vld [tilespmem:$0x1FFF0];
	v33 =	vmov s15;
	v34 =	vshrl.u32 v2, $0x1;
	v2 =	vmul.f32 $5.000000000e-01, v2  }
0x10a: {  	v0 =	vmul.f32 v22, v0;
	v22 =	vadd.f32 $9.999999740e-06, v33;
	s8 =	ssub.f32 s7, s8;
	v34 =	vsub.s32 $0x5F3759DF, v34  }
0x10b: {  	v4 =	vld [tilespmem:$0x1FFC0];
	v5 =	vsub.f32 v5, v61;
	v54 =	vsub.f32 v58, v61;
	v63 =	vmul.f32 v34, v2  }
0x10c: {  	v3 =	vsub.f32 v3, v61;
	v22 =	vbroadcast v22, $0x0;
	v62 =	vmov s8  }
0x10d: {  	v6 =	vld [tilespmem:$0x1FFD0];
	[tilespmem:s28+$0xFFFFFF20] =	vst v59;
	v1 =	vadd.f32 v1, v10;
	v36 =	vadd.f32 $9.999999740e-06, v62;
	v37 =	vmul.f32 v34, v63  }
0x10e: {  	[tilespmem:s28+$0xFFFFFF10] =	vst v28;
	v46 =	vmul.f32 v0, v44;
	v47 =	vshrl.u32 v22, $0x1;
	v22 =	vmul.f32 $5.000000000e-01, v22  }
0x10f: {  	v7 =	vld [tilespmem:$0x1FFE0];
	v39 =	vsub.s32 $0x5F3759DF, v47;
	v36 =	vbroadcast v36, $0x0;
	v37 =	vsub.f32 $1.500000000e+00, v37  }
0x110: {  	v28 =	vsub.f32 v60, v61;
	v52 =	vmul.f32 v0, v4;
	v49 =	vmul.f32 v39, v22  }
0x111: {  	v50 =	vshrl.u32 v36, $0x1;
	v36 =	vmul.f32 $5.000000000e-01, v36;
	v34 =	vmul.f32 v34, v37  }
0x112: {  	[tilespmem:s28+$0xFFFFFF80] =	vst v35;
	v53 =	vmul.f32 v0, v6;
	v38 =	vmul.f32 v39, v49;
	v41 =	vsub.s32 $0x5F3759DF, v50  }
0x113: {  	[tilespmem:s12+$0xFFFFFF90] =	vst v1;
	v1 =	vadd.f32 v21, v8;
	v51 =	vmul.f32 v41, v36;
	v2 =	vmul.f32 v34, v2  }
0x114: {  	v0 =	vmul.f32 v0, v7;
	v5 =	vmul.f32 v46, v5;
	v38 =	vsub.f32 $1.500000000e+00, v38  }
0x115: {  	[tilespmem:s12+$0xFFFFFFB0] =	vst v1;
	v1 =	vadd.f32 v12, v10;
	v42 =	vmul.f32 v41, v51;
	v2 =	vmul.f32 v2, v34  }
0x116: {  	v28 =	vmul.f32 v52, v28;
	v5 =	vadd.f32 v5, v8;
	v38 =	vmul.f32 v39, v38  }
0x117: {  	s13 =	sadd.s32 $0x200, s28;
	v32 =	vmul.f32 v53, v54;
	v55 =	vsub.f32 $1.500000000e+00, v42;
	v2 =	vsub.f32 $1.500000000e+00, v2  }
0x118: {  	v0 =	vmul.f32 v0, v3;
	[tilespmem:s13+$0xB0] =	vst v5;
	v5 =	vadd.f32 v24, v17;
	v22 =	vmul.f32 v38, v22  }
0x119: {  	[tilespmem:s12+$0x10] =	vst v1;
	v1 =	vadd.f32 v18, v8;
	v24 =	vmul.f32 v41, v55;
	v2 =	vmul.f32 v2, v34  }
0x11a: {  	v3 =	vadd.f32 v13, v17;
	[tilespmem:s12+$0xFFFFFFA0] =	vst v5;
	v5 =	vadd.f32 v11, v9;
	v21 =	vmul.f32 v22, v38  }
0x11b: {  	[tilespmem:s28+$0xFFFFFF30] =	vst v48;
	v0 =	vadd.f32 v0, v17;
	v11 =	vmul.f32 v24, v36;
	v12 =	vmul.f32 v2, v4  }
0x11c: {  	[tilespmem:s12+$0x0] =	vst v5;
	v5 =	vsub.f32 $1.500000000e+00, v21;
	v13 =	vmul.f32 v2, v6;
	v18 =	vmul.f32 v2, v7  }
0x11d: {  	[tilespmem:s12+$0x30] =	vst v1;
	v1 =	vmul.f32 v2, v44;
	v2 =	vadd.f32 v32, v10;
	v11 =	vmul.f32 v11, v24  }
0x11e: {  	[tilespmem:s12+$0x20] =	vst v3;
	v21 =	vadd.f32 v28, v9;
	v3 =	vmul.f32 v5, v38;
	v5 =	vmul.f32 v12, v29  }
0x11f: {  	v13 =	vmul.f32 v13, v26;
	[tilespmem:s13+$0x90] =	vst v2;
	v2 =	vmul.f32 v18, v27;
	v11 =	vsub.f32 $1.500000000e+00, v11  }
0x120: {  	[tilespmem:s13+$0xA0] =	vst v0;
	v1 =	vmul.f32 v1, v23;
	v12 =	vmul.f32 v3, v4;
	v5 =	vadd.f32 v5, v9  }
0x121: {  	[tilespmem:s13+$0x80] =	vst v21;
	v18 =	vmul.f32 v3, v6;
	v2 =	vadd.f32 v2, v17;
	v11 =	vmul.f32 v11, v24  }
0x122: {  	v0 =	vmul.f32 v12, v25;
	[tilespmem:s13+$0xFFFFFF00] =	vst v5;
	v5 =	vadd.f32 v13, v10;
	v13 =	vmul.f32 v3, v7  }
0x123: {  	v1 =	vadd.f32 v1, v8;
	v12 =	vmul.f32 v18, v30;
	v3 =	vmul.f32 v3, v44;
	[tilespmem:s13+$0xFFFFFF20] =	vst v2  }
0x124: {  	v4 =	vmul.f32 v11, v4;
	v0 =	vadd.f32 v0, v9;
	[tilespmem:s13+$0xFFFFFF10] =	vst v5;
	v5 =	vmul.f32 v13, v31  }
0x125: {  	[tilespmem:s13+$0xFFFFFF30] =	vst v1;
	v2 =	vmul.f32 v11, v6;
	v1 =	vadd.f32 v12, v10;
	v3 =	vmul.f32 v3, v19  }
0x126: {  	v6 =	vmul.f32 v11, v7;
	v4 =	vmul.f32 v4, v16;
	[tilespmem:s13+$0xFFFFFF80] =	vst v0;
	v0 =	vadd.f32 v5, v17  }
0x127: {  	v2 =	vmul.f32 v2, v20;
	[tilespmem:s13+$0xFFFFFF90] =	vst v1;
	v5 =	vmul.f32 v11, v44;
	v1 =	vadd.f32 v3, v8  }
0x128: {  	v3 =	vmul.f32 v6, v14;
	[tilespmem:s13+$0xFFFFFFA0] =	vst v0;
	v0 =	vadd.f32 v4, v9  }
0x129: {  	v4 =	vmul.f32 v5, v15;
	[tilespmem:s13+$0xFFFFFFB0] =	vst v1;
	v1 =	vadd.f32 v2, v10  }
0x12a: {  	s14 =	sshll.u32 s17, $0x9;
	[tilespmem:s13+$0x0] =	vst v0;
	v0 =	vadd.f32 v3, v17  }
0x12b: {  	s7 =	sadd.s32 s16, s14;
	[tilespmem:s13+$0x10] =	vst v1;
	v1 =	vadd.f32 v4, v8  }
0x12c: {  	s7 =	sshrl.u32 s7, $0x3;
	[tilespmem:s13+$0x20] =	vst v0  }
0x12d: {  	p0 =	seq.s32 s17, $0x31;
	s15 =	sadd.s32 s6, s7;
	[tilespmem:s13+$0x30] =	vst v1  }
0x12e: {  	[hbm4b:s15+s25] =	stream.strided.scatter [tilespmem:s3], [sflag:$0x9], $0x4000, s2, s25, $0x38;
	[tilespmem:$0x13480] =	vst v63  }
0x12f: {  	s28 =	sshll.u32 @!p0 s17, $0xE;
	s1 =	rddreg [dreg:$0xa]  }
0x130: {  	s1 =	sadd.s32 @!p0 s1, s28  }
0x131: {  	s1 =	sshrl.u32 @!p0 s1, $0x3  }
0x132: {  	s7 =	simm.s32 @!p0 $0x0;
	s12 =	simm.s32 @!p0 $0x3280;
	s1 =	sadd.s32 @!p0 s0, s1  }
0x133: {  	[tilespmem:s12], [sflag:$0x1] =	stream.linear.gather @!p0 [hbm4b:s1+s7], $0x80, $0x38;
	[tilespmem:$0x13480] =	vst v63  }
0x134: {  	_ =	swait.ge [sflag:s5], $0x80  }
0x135: {  	s23 =	simm.s32 $0x9480;
	[sflag:s5] =	ssyncset.done $0x0  }
0x136: {  	s19 =	simm.s32 $0x3400;
	s1 =	simm.s32 @!p1 $0xA;
	[sflag:s5] =	ssyncadd.s32 $0xFFFFFF80  }
0x137: {  	[tilespmem:s23], [sflag:$0x8] =	stream.indirect.gather [hbm4b:s9+s25], $0x40, s19, s25, $0xb8;
	[tilespmem:$0x13480] =	vst v63  }
0x138: {  	_ =	swait.ge @!p1 [sflag:s1], $0x4000  }
0x139: {  	[sflag:s1] =	ssyncset.done @!p1 $0x0  }
0x13a: {  	[sflag:s1] =	ssyncadd.s32 @!p1 $0xFFFFC000  }
0x13b: {  	_ =	swait.ge [sflag:s20], $0x2000  }
0x13c: {  	[sflag:s20] =	ssyncset.done $0x0  }
0x13d: {  	s7 =	simm.s32 $0x5500;
	[sflag:s20] =	ssyncadd.s32 $0xFFFFE000  }
0x13e: {  	v8 =	vld [tilespmem:s7+$0x40]  }
0x13f: {  	v17 =	vld [tilespmem:s7+$0x50]  }
0x140: {  	v11 =	vld [tilespmem:s7+$0x60]  }
0x141: {  	v4 =	vld [tilespmem:s7+$0x70];
	_ =	sdelay $0x3  }
0x142: {  	v0 =	vmul.f32 v8, v8;
	v1 =	vmul.f32 v17, v17  }
0x143: {  	v2 =	vmul.f32 v11, v11;
	v3 =	vmul.f32 v4, v4  }
0x144: {  	v5 =	vadd.f32 v17, v8;
	v6 =	vadd.f32 v4, v11  }
0x145: {  	v0 =	vadd.f32 v1, v0;
	v1 =	vadd.f32 v3, v2  }
0x146: {  	v2 =	vadd.f32 v6, v5  }
0x147: {  	v7 =	vld [tilespmem:s7+$0xFFFFFFB0];
	v0 =	vadd.f32 v1, v0  }
0x148: {  	v10 =	vld [tilespmem:s7+$0xFFFFFFC0];
	(xrf2) =	vadd.scan.msk.f32 $0xffff, v2  }
0x149: {  	v12 =	vld [tilespmem:s7+$0xFFFFFFD0];
	(xrf2) =	vadd.scan.msk.f32 $0xffff, v0  }
0x14a: {  	v13 =	vld [tilespmem:s7+$0xFFFFFFE0]  }
0x14b: {  	v14 =	vld [tilespmem:s7+$0xFFFFFFF0]  }
0x14c: {  	v15 =	vld [tilespmem:s7+$0xFFFFFF80]  }
0x14d: {  	v6 =	vld [tilespmem:s7+$0xFFFFFFA0]  }
0x14e: {  	v5 =	vld [tilespmem:s7+$0xFFFFFF90]  }
0x14f: {  	v18 =	vld [tilespmem:s7+$0x0]  }
0x150: {  	v20 =	vld [tilespmem:s7+$0x20]  }
0x151: {  	v9 =	vld [tilespmem:s7+$0x30]  }
0x152: {  	v19 =	vld [tilespmem:s7+$0x10];
	v1 =	vadd.f32 v7, v6;
	v0, _, _ =	vpop (xrf2)  }
0x153: {  	v2 =	vadd.f32 v5, v15;
	(v2sf) =	vpush v0, $0xF;
	v0, _, _ =	vpop (xrf2)  }
0x154: {  	v3 =	vadd.f32 v14, v13;
	(v2sf) =	vpush v0, $0xF  }
0x155: {  	v1 =	vadd.f32 v1, v2;
	v0 =	vadd.f32 v12, v10  }
0x156: {  	v16 =	vadd.f32 v9, v20  }
0x157: {  	v2 =	vadd.f32 v19, v18;
	(xrf2) =	vadd.scan.msk.f32 $0xffff, v1;
	v0 =	vadd.f32 v3, v0  }
0x158: {  	v22 =	vmul.f32 v15, v15;
	v21 =	vmul.f32 v5, v5  }
0x159: {  	v2 =	vadd.f32 v16, v2;
	v1 =	vmul.f32 v6, v6;
	v3 =	vmul.f32 v7, v7;
	(xrf2) =	vadd.scan.msk.f32 $0xffff, v0;
	_ =	sdelay $0x1  }
0x15a: {  	v21 =	vadd.f32 v21, v22;
	v0 =	vadd.f32 v3, v1;
	(xrf2) =	vadd.scan.msk.f32 $0xffff, v2  }
0x15b: {  	v23 =	vmul.f32 v14, v14;
	v16 =	vmul.f32 v13, v13  }
0x15c: {  	v1 =	vmul.f32 v10, v10;
	v3 =	vmul.f32 v12, v12;
	v0 =	vadd.f32 v0, v21;
	_ =	sdelay $0x1  }
0x15d: {  	v2 =	vadd.f32 v23, v16;
	v1 =	vadd.f32 v3, v1;
	_ =	sdelay $0x1  }
0x15e: {  	v1 =	vadd.f32 v2, v1;
	(xrf2) =	vadd.scan.msk.f32 $0xffff, v0;
	v2 =	vmul.f32 v19, v19;
	v0, _, _ =	vpop (xrf2)  }
0x15f: {  	v3 =	vmul.f32 v9, v9;
	(v2sf) =	vpush v0, $0xF;
	s8 =	spop (v2sf)  }
0x160: {  	(xrf2) =	vadd.scan.msk.f32 $0xffff, v1;
	v1 =	vmul.f32 v18, v18;
	v0 =	vmul.f32 v20, v20;
	s1 =	smul.f32 $1.562500000e-02, s8;
	v16, _, _ =	vpop (xrf2);
	s12 =	spop (v2sf)  }
0x161: {  	(v2sf) =	vpush v16, $0xF;
	s7 =	smul.f32 $1.562500000e-02, s12  }
0x162: {  	v1 =	vadd.f32 v2, v1;
	v0 =	vadd.f32 v3, v0;
	v2, _, _ =	vpop (xrf2);
	s13 =	smul.f32 s1, s1  }
0x163: {  	(v2sf) =	vpush v2, $0xF  }
0x164: {  	v0 =	vadd.f32 v0, v1;
	s7 =	ssub.f32 s7, s13;
	_ =	sdelay $0x1  }
0x165: {  	(xrf2) =	vadd.scan.msk.f32 $0xffff, v0;
	v1 =	vmov s7  }
0x166: {  	v1 =	vadd.f32 $9.999999740e-06, v1;
	_ =	sdelay $0x1  }
0x167: {  	v0, _, _ =	vpop (xrf2);
	v1 =	vbroadcast v1, $0x0  }
0x168: {  	(v2sf) =	vpush v0, $0xF;
	v0, _, _ =	vpop (xrf2)  }
0x169: {  	(v2sf) =	vpush v0, $0xF;
	v0 =	vshrl.u32 v1, $0x1;
	v16 =	vmul.f32 $5.000000000e-01, v1  }
0x16a: {  	v21 =	vsub.s32 $0x5F3759DF, v0  }
0x16b: {  	s7 =	simm.s32 $0x5600;
	v1 =	vmul.f32 v21, v16  }
0x16c: {  	v60 =	vld [tilespmem:s7+$0x40];
	s14 =	spop (v2sf)  }
0x16d: {  	v38 =	vmov s1;
	v58 =	vld [tilespmem:s7+$0x50];
	s12 =	smul.f32 $1.562500000e-02, s14;
	v3 =	vmul.f32 v21, v1  }
0x16e: {  	v4 =	vsub.f32 v4, v38;
	v17 =	vsub.f32 v17, v38;
	v22, _, _ =	vpop (xrf2);
	s15 =	spop (v2sf)  }
0x16f: {  	(v2sf) =	vpush v22, $0xF;
	v22 =	vmov s12;
	v23 =	vsub.f32 $1.500000000e+00, v3;
	s13 =	smul.f32 $1.562500000e-02, s15;
	v3 =	vld [tilespmem:s7+$0x60]  }
0x170: {  	v34 =	vsub.f32 v15, v22;
	v27 =	vsub.f32 v5, v22;
	s19 =	spop (v2sf);
	v5 =	vld [tilespmem:s7+$0x70]  }
0x171: {  	v26 =	vld [tilespmem:s7+$0xFFFFFF90];
	v29 =	vsub.f32 v6, v22;
	v24 =	vsub.f32 v7, v22;
	s14 =	smul.f32 $1.562500000e-02, s19;
	v6 =	vmov s13  }
0x172: {  	v31 =	vld [tilespmem:s7+$0xFFFFFFC0];
	v21 =	vmul.f32 v21, v23;
	v23 =	vadd.f32 v58, v60;
	v30 =	vsub.f32 v10, v6  }
0x173: {  	v32 =	vld [tilespmem:s7+$0xFFFFFFD0];
	v15 =	vsub.f32 v12, v6;
	v14 =	vsub.f32 v14, v6;
	v36 =	vmov s14  }
0x174: {  	v35 =	vld [tilespmem:s7+$0xFFFFFF80];
	v7 =	vmul.f32 v21, v16;
	v10 =	vsub.f32 v18, v36;
	v18 =	vmul.f32 v58, v58  }
0x175: {  	v33 =	vld [tilespmem:s7+$0xFFFFFFB0];
	v28 =	vmul.f32 v3, v3;
	v56 =	vmul.f32 v5, v5;
	v57 =	vadd.f32 v5, v3  }
0x176: {  	v25 =	vld [tilespmem:s7+$0xFFFFFFF0];
	v16 =	vsub.f32 v13, v6;
	v6 =	vmul.f32 v7, v21;
	v7 =	vmul.f32 v60, v60  }
0x177: {  	v22 =	vld [tilespmem:s7+$0xFFFFFFA0];
	v12 =	vsub.f32 v19, v36;
	v59 =	vadd.f32 v57, v23  }
0x178: {  	s12 =	smul.f32 s12, s12;
	v19 =	vld [tilespmem:s7+$0xFFFFFFE0];
	v7 =	vadd.f32 v18, v7;
	v18 =	vadd.f32 v56, v28  }
0x179: {  	v0 =	vld [tilespmem:$0x3230];
	v41 =	vmul.f32 v26, v26;
	v43 =	vadd.f32 v32, v31;
	v54 =	vmul.f32 v35, v35;
	s13 =	smul.f32 s13, s13;
	s15 =	spop (v2sf)  }
0x17a: {  	s15 =	smul.f32 $1.562500000e-02, s15;
	s19 =	spop (v2sf);
	v6 =	vsub.f32 $1.500000000e+00, v6;
	(xrf2) =	vadd.scan.msk.f32 $0xffff, v59;
	v7 =	vadd.f32 v18, v7  }
0x17b: {  	v45 =	vmul.f32 v31, v31;
	v46 =	vmul.f32 v32, v32;
	v41 =	vadd.f32 v41, v54;
	s23 =	smul.f32 $1.562500000e-02, s19  }
0x17c: {  	v13 =	vsub.f32 v20, v36;
	v20 =	vld [tilespmem:s7+$0x0];
	v40 =	vadd.f32 v33, v22;
	s12 =	ssub.f32 s15, s12;
	v37 =	vmul.f32 v6, v21;
	(xrf2) =	vadd.scan.msk.f32 $0xffff, v7  }
0x17d: {  	v62 =	vmul.f32 v22, v22;
	v23 =	vld [tilespmem:s7+$0x20];
	v57 =	vmul.f32 v25, v25;
	s8 =	ssub.f32 s23, s13;
	v44 =	vadd.f32 v25, v19  }
0x17e: {  	v28 =	vmov s12;
	v63 =	vmul.f32 v19, v19;
	v21 =	vld [tilespmem:s7+$0x10];
	v61 =	vmul.f32 v37, v0  }
0x17f: {  	v6 =	vadd.f32 $9.999999740e-06, v28;
	v18 =	vmov s8;
	v28 =	vld [tilespmem:s7+$0x30];
	v43 =	vadd.f32 v44, v43  }
0x180: {  	v44 =	vadd.f32 v46, v45;
	v39 =	vmul.f32 v61, v4;
	v4 =	vadd.f32 v26, v35  }
0x181: {  	s13 =	smul.f32 s14, s14;
	v42 =	vadd.f32 v57, v63;
	v7 =	vmul.f32 v33, v33;
	v6 =	vbroadcast v6, $0x0;
	s14 =	spop (v2sf)  }
0x182: {  	v18 =	vadd.f32 $9.999999740e-06, v18;
	s7 =	smul.f32 $1.562500000e-02, s14;
	v40 =	vadd.f32 v40, v4  }
0x183: {  	v7 =	vadd.f32 v7, v62;
	v61 =	vmul.f32 v20, v20;
	v57 =	vshrl.u32 v6, $0x1  }
0x184: {  	v48 =	vmul.f32 $5.000000000e-01, v6;
	v59 =	vadd.f32 v21, v20;
	v51 =	vadd.f32 v28, v23;
	s1 =	ssub.f32 s7, s13;
	(xrf2) =	vadd.scan.msk.f32 $0xffff, v40;
	v56, _, _ =	vpop (xrf2)  }
0x185: {  	v62 =	vmul.f32 v21, v21;
	v46 =	vsub.s32 $0x5F3759DF, v57;
	(v2sf) =	vpush v56, $0xF  }
0x186: {  	v47 =	vmul.f32 v46, v48;
	v55 =	vadd.f32 v51, v59;
	v63 =	vmov s1;
	v6, _, _ =	vpop (xrf2)  }
0x187: {  	(xrf2) =	vadd.scan.msk.f32 $0xffff, v43;
	(v2sf) =	vpush v6, $0xF;
	v6 =	vbroadcast v18, $0x0;
	v18 =	vadd.f32 $9.999999740e-06, v63  }
0x188: {  	v52 =	vmul.f32 v23, v23;
	v59 =	vadd.f32 v62, v61;
	v62 =	vmul.f32 v46, v47  }
0x189: {  	v53 =	vmul.f32 v28, v28;
	v41 =	vadd.f32 v7, v41;
	(xrf2) =	vadd.scan.msk.f32 $0xffff, v55;
	v18 =	vbroadcast v18, $0x0  }
0x18a: {  	v40 =	vsub.f32 $1.500000000e+00, v62;
	v61 =	vshrl.u32 v6, $0x1;
	v50 =	vmul.f32 $5.000000000e-01, v6  }
0x18b: {  	v1 =	vld [tilespmem:$0x3200];
	v47 =	vsub.s32 $0x5F3759DF, v61;
	v63 =	vshrl.u32 v18, $0x1;
	v54 =	vmul.f32 $5.000000000e-01, v18  }
0x18c: {  	v52 =	vadd.f32 v53, v52;
	(xrf2) =	vadd.scan.msk.f32 $0xffff, v41;
	v49 =	vmul.f32 v47, v50;
	v51 =	vsub.s32 $0x5F3759DF, v63  }
0x18d: {  	s18 =	sor.u32 $0x1, s18;
	v2 =	vld [tilespmem:$0x3210];
	v57 =	vadd.f32 v42, v44;
	v40 =	vmul.f32 v46, v40;
	v56 =	vmul.f32 v51, v54  }
0x18e: {  	s15 =	sshll.u32 s18, $0x6;
	v59 =	vadd.f32 v52, v59;
	v18 =	vsub.f32 v9, v36;
	v61, _, _ =	vpop (xrf2);
	v9 =	vmul.f32 v47, v49  }
0x18f: {  	v4 =	vld [tilespmem:$0x3220];
	s1 =	sand.u32 $0x3FFFFFC0, s15;
	v48 =	vmul.f32 v40, v48;
	(v2sf) =	vpush v61, $0xF;
	v36 =	vmul.f32 v51, v56  }
0x190: {  	v45 =	vmul.f32 v37, v1;
	v62 =	vsub.f32 v8, v38;
	v8 =	vld [tilespmem:s1+$0x30];
	v9 =	vsub.f32 $1.500000000e+00, v9  }
0x191: {  	v38 =	vsub.f32 v11, v38;
	v11 =	vld [tilespmem:s1+$0x10];
	v41 =	vmul.f32 v48, v40;
	v49, _, _ =	vpop (xrf2);
	v36 =	vsub.f32 $1.500000000e+00, v36  }
0x192: {  	v63 =	vmul.f32 v37, v2;
	(v2sf) =	vpush v49, $0xF;
	v47 =	vmul.f32 v47, v9  }
0x193: {  	v43 =	vmul.f32 v45, v62;
	(xrf2) =	vadd.scan.msk.f32 $0xffff, v57;
	v41 =	vsub.f32 $1.500000000e+00, v41;
	v52, _, _ =	vpop (xrf2);
	v36 =	vmul.f32 v51, v36  }
0x194: {  	v17 =	vmul.f32 v63, v17;
	v9 =	vld [tilespmem:s1+$0x0];
	(v2sf) =	vpush v52, $0xF;
	v50 =	vmul.f32 v47, v50;
	s19 =	spop (v2sf)  }
0x195: {  	v45 =	vadd.f32 v39, v8;
	v37 =	vmul.f32 v37, v4;
	(xrf2) =	vadd.scan.msk.f32 $0xffff, v59;
	s7 =	smul.f32 $1.562500000e-02, s19;
	v53 =	vmul.f32 v36, v54  }
0x196: {  	v63 =	vadd.f32 v17, v11;
	v17 =	vld [tilespmem:s1+$0x20];
	v55, _, _ =	vpop (xrf2);
	v42 =	vmul.f32 v50, v47;
	v54 =	vmul.f32 v41, v40  }
0x197: {  	v48 =	vmul.f32 v37, v38;
	(v2sf) =	vpush v55, $0xF;
	s23 =	spop (v2sf);
	s8 =	smul.f32 s7, s7;
	v57 =	vmul.f32 v53, v36  }
0x198: {  	s12 =	smul.f32 $1.562500000e-02, s23;
	v56 =	vsub.f32 $1.500000000e+00, v42;
	v59 =	vmul.f32 v54, v1;
	v42 =	vmul.f32 v54, v2  }
0x199: {  	v43 =	vadd.f32 v43, v9;
	v61 =	vmul.f32 v54, v4;
	v51 =	vmul.f32 v54, v0  }
0x19a: {  	v39 =	vmul.f32 v56, v47;
	v40 =	vsub.f32 $1.500000000e+00, v57;
	s12 =	ssub.f32 s12, s8;
	v34 =	vmul.f32 v59, v34  }
0x19b: {  	v42 =	vmul.f32 v42, v27;
	v47 =	vmul.f32 v61, v29;
	v61 =	vadd.f32 v48, v17  }
0x19c: {  	v48 =	vmul.f32 v51, v24;
	v53 =	vmul.f32 v39, v1;
	v55 =	vmov s12  }
0x19d: {  	[tilespmem:$0x1FF80] =	vst v1;
	v62, _, _ =	vpop (xrf2);
	v40 =	vmul.f32 v40, v36;
	v41 =	vmul.f32 v39, v2;
	v56 =	vadd.f32 $9.999999740e-06, v55  }
0x19e: {  	[tilespmem:$0x1FF90] =	vst v2;
	(v2sf) =	vpush v62, $0xF;
	v38 =	vmul.f32 v39, v4;
	v37 =	vmul.f32 v39, v0;
	s14 =	spop (v2sf)  }
0x19f: {  	[tilespmem:$0x1FFB0] =	vst v0;
	v57, _, _ =	vpop (xrf2);
	v34 =	vadd.f32 v34, v9;
	v39 =	vmul.f32 v40, v1;
	s15 =	smul.f32 $1.562500000e-02, s14;
	v59 =	vbroadcast v56, $0x0  }
0x1a0: {  	[tilespmem:$0x1FFA0] =	vst v4;
	s1 =	simm.s32 $0xF580;
	(v2sf) =	vpush v57, $0xF;
	v46 =	vmul.f32 v40, v2;
	v36 =	vmul.f32 v40, v4  }
0x1a1: {  	[tilespmem:s1+$0xB0] =	vst v45;
	v62 =	vmov s15;
	s19 =	spop (v2sf);
	v27 =	vshrl.u32 v59, $0x1;
	v49 =	vmul.f32 $5.000000000e-01, v59  }
0x1a2: {  	[tilespmem:s1+$0x90] =	vst v63;
	v40 =	vmul.f32 v40, v0;
	v29 =	vsub.f32 v35, v62;
	s13 =	smul.f32 $1.562500000e-02, s19;
	v50 =	vsub.s32 $0x5F3759DF, v27  }
0x1a3: {  	[tilespmem:s1+$0x80] =	vst v43;
	s14 =	smul.f32 s15, s15;
	v26 =	vsub.f32 v26, v62;
	s23 =	spop (v2sf);
	v35 =	vmul.f32 v53, v30;
	v63 =	vmul.f32 v50, v49  }
0x1a4: {  	[tilespmem:s1+$0xA0] =	vst v61;
	s12 =	simm.s32 $0xF580;
	v27 =	vsub.f32 v22, v62;
	v22 =	vsub.f32 v33, v62;
	s15 =	smul.f32 $1.562500000e-02, s23;
	v43 =	vmov s13  }
0x1a5: {  	[tilespmem:s1+$0xFFFFFF00] =	vst v34;
	s19 =	simm.s32 $0x4;
	s23 =	simm.s32 $0x5700;
	s13 =	smul.f32 s13, s13;
	v24 =	vsub.f32 v31, v43;
	v30 =	vsub.f32 v32, v43;
	v31 =	vmul.f32 v50, v63  }
.LBB2_7:
0x1a6: {  	v19 =	vsub.f32 v19, v43;
	v41 =	vmul.f32 v41, v15  }
0x1a7: {  	v45 =	vld [tilespmem:s23+$0x40];
	v25 =	vsub.f32 v25, v43;
	v38 =	vmul.f32 v38, v16;
	v37 =	vmul.f32 v37, v14  }
0x1a8: {  	v44 =	vld [tilespmem:s23+$0x50];
	v34 =	vadd.f32 v47, v17;
	v32 =	vmov s15;
	v31 =	vsub.f32 $1.500000000e+00, v31  }
0x1a9: {  	v43 =	vld [tilespmem:s23+$0x60];
	v36 =	vmul.f32 v36, v13;
	v40 =	vmul.f32 v40, v18;
	v20 =	vsub.f32 v20, v32  }
0x1aa: {  	v51 =	vld [tilespmem:s23+$0x70];
	v16 =	vmovc v19;
	v19 =	vsub.f32 v23, v32;
	v23 =	vsub.f32 v28, v32;
	v28 =	vmul.f32 v50, v31  }
0x1ab: {  	v33 =	vld [tilespmem:s23+$0xFFFFFFC0];
	v15 =	vmovc v30;
	v14 =	vmov v25;
	v25 =	vadd.f32 v42, v11;
	v42 =	vmul.f32 v39, v10;
	s8 =	spop (v2sf)  }
0x1ac: {  	v30 =	vld [tilespmem:s23+$0xFFFFFF90];
	v21 =	vsub.f32 v21, v32;
	v39 =	vmul.f32 v46, v12;
	v10 =	vmovc v20;
	v20 =	vmul.f32 v28, v49;
	s8 =	smul.f32 $1.562500000e-02, s8  }
0x1ad: {  	v32 =	vld [tilespmem:s23+$0xFFFFFFB0];
	v41 =	vadd.f32 v41, v11;
	v38 =	vadd.f32 v38, v17;
	v50 =	vmov s7  }
0x1ae: {  	v31 =	vld [tilespmem:s23+$0xFFFFFFA0];
	[tilespmem:s1+$0xFFFFFF10] =	vst v25;
	v25 =	vadd.f32 v48, v8;
	v55 =	vsub.f32 v5, v50;
	v20 =	vmul.f32 v20, v28;
	s8 =	ssub.f32 s8, s14  }
0x1af: {  	v4 =	vld [tilespmem:$0x1FFB0];
	v18 =	vmovc v23;
	v23 =	vadd.f32 v44, v45;
	v61 =	vadd.f32 v51, v43;
	v62 =	vmul.f32 v45, v45  }
0x1b0: {  	[tilespmem:s1+$0xFFFFFF20] =	vst v34;
	v34 =	vld [tilespmem:s23+$0xFFFFFFD0];
	v12 =	vmovc v21;
	v63 =	vmul.f32 v44, v44;
	v57 =	vsub.f32 $1.500000000e+00, v20;
	v21 =	vmov s8  }
0x1b1: {  	v13 =	vmovc v19;
	v19 =	vld [tilespmem:s23+$0xFFFFFFE0];
	v59 =	vmul.f32 v43, v43;
	v52 =	vmul.f32 v51, v51;
	v46 =	vadd.f32 $9.999999740e-06, v21  }
0x1b2: {  	v20 =	vld [tilespmem:s23+$0x0];
	v49 =	vmul.f32 v57, v28;
	v21 =	vadd.f32 v35, v9;
	v35 =	vadd.f32 v61, v23  }
0x1b3: {  	v47 =	vadd.f32 v63, v62;
	v28 =	vld [tilespmem:s23+$0x30];
	v61 =	vadd.f32 v52, v59  }
0x1b4: {  	v6 =	vmovc v3;
	[tilespmem:s1+$0xFFFFFF30] =	vst v25;
	v62 =	vmul.f32 v32, v32;
	s14 =	spop (v2sf);
	v56 =	vmul.f32 v49, v4;
	v23 =	vld [tilespmem:s23+$0x20];
	(xrf2) =	vadd.scan.msk.f32 $0xffff, v35  }
0x1b5: {  	v3 =	vmovc v58;
	v54 =	vadd.f32 v32, v31;
	v57 =	vmul.f32 v31, v31;
	s14 =	smul.f32 $1.562500000e-02, s14;
	v47 =	vadd.f32 v61, v47;
	v35 =	vld [tilespmem:s23+$0xFFFFFF80]  }
0x1b6: {  	v48 =	vadd.f32 v34, v33;
	v58 =	vmul.f32 v34, v34;
	v55 =	vmul.f32 v56, v55;
	[tilespmem:s1+$0xFFFFFF80] =	vst v21;
	v21 =	vld [tilespmem:s23+$0x10]  }
0x1b7: {  	v56 =	vadd.f32 v62, v57;
	v57 =	vmul.f32 v33, v33;
	s8 =	ssub.f32 s14, s13;
	v52 =	vmul.f32 v30, v30;
	v25 =	vld [tilespmem:s23+$0xFFFFFFF0];
	(xrf2) =	vadd.scan.msk.f32 $0xffff, v47  }
0x1b8: {  	v1 =	vmul.f32 v28, v28;
	v55 =	vadd.f32 v55, v8;
	v61 =	vmul.f32 v20, v20  }
0x1b9: {  	v53 =	vmov s8;
	s1 =	sadd.s32 $0x200, s1;
	v46 =	vbroadcast v46, $0x0;
	v0 =	vmul.f32 v23, v23  }
0x1ba: {  	[tilespmem:s1+$0xB0] =	vst v55;
	v47 =	vmul.f32 v19, v19;
	v63 =	vadd.f32 v28, v23;
	v55 =	vadd.f32 v30, v35  }
0x1bb: {  	s15 =	smul.f32 s15, s15;
	v5 =	vmovc v60;
	s14 =	spop (v2sf);
	v60 =	vadd.f32 v21, v20;
	v2 =	vmul.f32 v35, v35;
	v0 =	vadd.f32 v1, v0  }
0x1bc: {  	v7 =	vmovc v51;
	s13 =	smul.f32 $1.562500000e-02, s14;
	v62 =	vmul.f32 v21, v21;
	v51 =	vadd.f32 v25, v19;
	v54 =	vadd.f32 v54, v55  }
0x1bd: {  	v1 =	vshrl.u32 v46, $0x1;
	v2 =	vadd.f32 v52, v2;
	v52 =	vadd.f32 v63, v60  }
0x1be: {  	s15 =	ssub.f32 s13, s15;
	v59 =	vmul.f32 v25, v25;
	v48 =	vadd.f32 v51, v48;
	v51 =	vadd.f32 v58, v57;
	v58, _, _ =	vpop (xrf2);
	(xrf2) =	vadd.scan.msk.f32 $0xffff, v54  }
0x1bf: {  	v46 =	vmul.f32 $5.000000000e-01, v46;
	v55 =	vadd.f32 v62, v61;
	v61 =	vld [tilespmem:$0x1FF80];
	v63 =	vadd.f32 $9.999999740e-06, v53  }
0x1c0: {  	v47 =	vadd.f32 v59, v47;
	v57 =	vmov s15;
	v2 =	vadd.f32 v56, v2  }
0x1c1: {  	v1 =	vsub.s32 $0x5F3759DF, v1;
	v57 =	vadd.f32 $9.999999740e-06, v57;
	(v2sf) =	vpush v58, $0xF;
	v56, _, _ =	vpop (xrf2)  }
0x1c2: {  	v54 =	vsub.f32 v5, v50;
	v5 =	vmovc v7;
	v7 =	vld [tilespmem:$0x1FF90];
	v58 =	vmul.f32 v1, v46;
	(xrf2) =	vadd.scan.msk.f32 $0xffff, v48;
	(v2sf) =	vpush v56, $0xF  }
0x1c3: {  	v47 =	vadd.f32 v47, v51;
	v51 =	vbroadcast v57, $0x0;
	v48 =	vbroadcast v63, $0x0  }
0x1c4: {  	v0 =	vadd.f32 v0, v55;
	v59 =	vmul.f32 v49, v61;
	(xrf2) =	vadd.scan.msk.f32 $0xffff, v52;
	v52 =	vmul.f32 v1, v58  }
0x1c5: {  	v63 =	vshrl.u32 v51, $0x1;
	v62 =	vshrl.u32 v48, $0x1;
	v48 =	vmul.f32 $5.000000000e-01, v48  }
0x1c6: {  	v60 =	vmovc v45;
	v51 =	vmul.f32 $5.000000000e-01, v51;
	v45 =	vsub.s32 $0x5F3759DF, v62;
	v52 =	vsub.f32 $1.500000000e+00, v52  }
0x1c7: {  	v56 =	vsub.s32 $0x5F3759DF, v63;
	v55 =	vmul.f32 v49, v7;
	v53 =	vmul.f32 v45, v48  }
0x1c8: {  	v57 =	vsub.f32 v3, v50;
	v63 =	vmul.f32 v56, v51;
	v1 =	vmul.f32 v1, v52;
	v3, _, _ =	vpop (xrf2)  }
0x1c9: {  	(xrf2) =	vadd.scan.msk.f32 $0xffff, v2;
	v52 =	vmul.f32 v59, v54;
	v2 =	vmul.f32 v45, v53;
	(v2sf) =	vpush v3, $0xF  }
0x1ca: {  	v37 =	vadd.f32 v37, v8;
	v62 =	vld [tilespmem:$0x1FFA0];
	v58 =	vmovc v44;
	v44 =	vmul.f32 v56, v63;
	v54 =	vmul.f32 v1, v46  }
0x1cb: {  	v36 =	vadd.f32 v36, v17;
	v2 =	vsub.f32 $1.500000000e+00, v2  }
0x1cc: {  	v46 =	vmul.f32 v55, v57;
	v44 =	vsub.f32 $1.500000000e+00, v44;
	v57 =	vmul.f32 v54, v1;
	v55, _, _ =	vpop (xrf2)  }
0x1cd: {  	v42 =	vadd.f32 v42, v9;
	[tilespmem:s12+$0xFFFFFF90] =	vst v41;
	v2 =	vmul.f32 v45, v2;
	(v2sf) =	vpush v55, $0xF  }
0x1ce: {  	v50 =	vsub.f32 v6, v50;
	(xrf2) =	vadd.scan.msk.f32 $0xffff, v47;
	v59 =	vmul.f32 v56, v44;
	v63, _, _ =	vpop (xrf2);
	v41 =	vsub.f32 $1.500000000e+00, v57  }
0x1cf: {  	v49 =	vmul.f32 v49, v62;
	(xrf2) =	vadd.scan.msk.f32 $0xffff, v0;
	v0 =	vmul.f32 v2, v48;
	(v2sf) =	vpush v63, $0xF  }
0x1d0: {  	v44 =	vadd.f32 v39, v11;
	v47 =	vmul.f32 v59, v51;
	v1 =	vmul.f32 v41, v1;
	s8 =	spop (v2sf)  }
0x1d1: {  	v45 =	vmul.f32 v49, v50;
	v50 =	vadd.f32 v52, v9;
	v0 =	vmul.f32 v0, v2;
	s7 =	smul.f32 $1.562500000e-02, s8;
	s13 =	spop (v2sf)  }
0x1d2: {  	v55 =	vadd.f32 v46, v11;
	v39 =	vmul.f32 v47, v59;
	v51 =	vmul.f32 v1, v61;
	s8 =	smul.f32 $1.562500000e-02, s13  }
0x1d3: {  	v52 =	vmul.f32 v1, v7;
	v53 =	vmul.f32 v1, v62;
	v0 =	vsub.f32 $1.500000000e+00, v0;
	s14 =	smul.f32 s7, s7  }
0x1d4: {  	v48 =	vadd.f32 v40, v8;
	v1 =	vmul.f32 v1, v4;
	v29 =	vmul.f32 v51, v29  }
0x1d5: {  	[tilespmem:s12+$0x0] =	vst v42;
	v49, _, _ =	vpop (xrf2);
	v42 =	vmul.f32 v52, v26;
	v0 =	vmul.f32 v0, v2;
	v2 =	vsub.f32 $1.500000000e+00, v39;
	s8 =	ssub.f32 s8, s14  }
0x1d6: {  	[tilespmem:s12+$0x30] =	vst v48;
	(v2sf) =	vpush v49, $0xF;
	v47 =	vmul.f32 v53, v27;
	v48 =	vmul.f32 v1, v22  }
0x1d7: {  	v56 =	vmul.f32 v0, v61;
	v2 =	vmul.f32 v2, v59;
	v6 =	vmov s8  }
0x1d8: {  	[tilespmem:s12+$0xFFFFFFA0] =	vst v38;
	v54, _, _ =	vpop (xrf2);
	v41 =	vmul.f32 v0, v7;
	v38 =	vmul.f32 v0, v62;
	v57 =	vadd.f32 $9.999999740e-06, v6;
	s15 =	spop (v2sf)  }
0x1d9: {  	[tilespmem:s12+$0xFFFFFFB0] =	vst v37;
	(v2sf) =	vpush v54, $0xF;
	v37 =	vmul.f32 v0, v4;
	v39 =	vmul.f32 v2, v61;
	s8 =	smul.f32 $1.562500000e-02, s15  }
0x1da: {  	s19 =	sadd.s32 $0x4, s19;
	[tilespmem:s12+$0x20] =	vst v36;
	v29 =	vadd.f32 v29, v9;
	v46 =	vmul.f32 v2, v7;
	v0 =	vbroadcast v57, $0x0  }
0x1db: {  	p1 =	slt.u32 s19, $0x7C;
	[tilespmem:s12+$0x10] =	vst v44;
	v36 =	vmul.f32 v2, v62;
	v40 =	vmul.f32 v2, v4;
	v2 =	vadd.f32 v45, v17;
	s14 =	smul.f32 s8, s8  }
.Ltmp2:
0x1dc: {  	[tilespmem:s1+$0x80] =	vst v50;
	v59, _, _ =	vpop (xrf2);
	v27 =	vshrl.u32 v0, $0x1;
	v49 =	vmul.f32 $5.000000000e-01, v0;
	s13 =	spop (v2sf);
	v63 =	vmov s8;
	(pc) =	sbr.rel @p1 .LBB2_7-.Ltmp2, $4  }
0x1dd: {  	[tilespmem:s1+$0xFFFFFF00] =	vst v29;
	(v2sf) =	vpush v59, $0xF;
	s8 =	smul.f32 $1.562500000e-02, s13;
	v50 =	vsub.s32 $0x5F3759DF, v27;
	v29 =	vsub.f32 v35, v63  }
0x1de: {  	[tilespmem:s1+$0xA0] =	vst v2;
	s15 =	spop (v2sf);
	v26 =	vsub.f32 v30, v63;
	v0 =	vsub.f32 v32, v63;
	v2 =	vmul.f32 v50, v49  }
0x1df: {  	v3 =	vmovc v43;
	[tilespmem:s1+$0x90] =	vst v55;
	v27 =	vsub.f32 v31, v63;
	v35 =	vmul.f32 v56, v24;
	s15 =	smul.f32 $1.562500000e-02, s15;
	v43 =	vmov s8  }
0x1e0: {  	s23 =	sadd.s32 $0x100, s23;
	s12 =	smov.u32 s1;
	s13 =	smul.f32 s8, s8;
	v24 =	vsub.f32 v33, v43;
	v30 =	vsub.f32 v34, v43;
	v31 =	vmul.f32 v50, v2;
	v22 =	vmovc v0  }
0x1e1: {  	_ =	sdelay $0x3  }
0x1e2: {  	s8 =	spop (v2sf)  }
0x1e3: {  	v1 =	vmul.f32 v41, v15;
	v2 =	vmov s15;
	v0 =	vsub.f32 $1.500000000e+00, v31;
	s8 =	smul.f32 $1.562500000e-02, s8  }
0x1e4: {  	v10 =	vmul.f32 v39, v10;
	v31 =	vsub.f32 v19, v43;
	v19 =	vsub.f32 v25, v43  }
0x1e5: {  	v25 =	vmul.f32 v38, v16;
	v16 =	vsub.f32 v20, v2;
	v0 =	vmul.f32 v50, v0;
	s8 =	ssub.f32 s8, s14  }
0x1e6: {  	v20 =	vsub.f32 v21, v2;
	v21 =	vmul.f32 v37, v14;
	v14 =	vsub.f32 v23, v2  }
0x1e7: {  	v15 =	vsub.f32 v28, v2;
	v32 =	vmul.f32 v0, v49;
	s23 =	spop (v2sf);
	v2 =	vmov s8  }
0x1e8: {  	v12 =	vmul.f32 v46, v12;
	v13 =	vmul.f32 v36, v13;
	s14 =	smul.f32 $1.562500000e-02, s23;
	v2 =	vadd.f32 $9.999999740e-06, v2  }
0x1e9: {  	s15 =	smul.f32 s15, s15;
	v59 =	vadd.f32 v47, v17;
	v18 =	vmul.f32 v40, v18;
	v23 =	vmul.f32 v32, v0  }
0x1ea: {  	v48 =	vadd.f32 v48, v8;
	v35 =	vadd.f32 v35, v9;
	s19 =	ssub.f32 s14, s13;
	s23 =	spop (v2sf);
	v2 =	vbroadcast v2, $0x0  }
0x1eb: {  	v61 =	vmov s7;
	v28 =	vadd.f32 v42, v11;
	v23 =	vsub.f32 $1.500000000e+00, v23;
	s13 =	smul.f32 $1.562500000e-02, s23  }
0x1ec: {  	v44 =	vld [tilespmem:$0x1FFB0];
	v33 =	vmov s19;
	v34 =	vshrl.u32 v2, $0x1;
	v2 =	vmul.f32 $5.000000000e-01, v2  }
0x1ed: {  	v0 =	vmul.f32 v23, v0;
	v23 =	vadd.f32 $9.999999740e-06, v33;
	s14 =	ssub.f32 s13, s15;
	v34 =	vsub.s32 $0x5F3759DF, v34  }
0x1ee: {  	v4 =	vld [tilespmem:$0x1FF80];
	v5 =	vsub.f32 v5, v61;
	v54 =	vsub.f32 v58, v61;
	v63 =	vmul.f32 v34, v2  }
0x1ef: {  	v3 =	vsub.f32 v3, v61;
	v23 =	vbroadcast v23, $0x0;
	v62 =	vmov s14  }
0x1f0: {  	v6 =	vld [tilespmem:$0x1FF90];
	[tilespmem:s1+$0xFFFFFF20] =	vst v59;
	v1 =	vadd.f32 v1, v11;
	v36 =	vadd.f32 $9.999999740e-06, v62;
	v37 =	vmul.f32 v34, v63  }
0x1f1: {  	[tilespmem:s1+$0xFFFFFF10] =	vst v28;
	v46 =	vmul.f32 v0, v44;
	v47 =	vshrl.u32 v23, $0x1;
	v23 =	vmul.f32 $5.000000000e-01, v23  }
0x1f2: {  	v7 =	vld [tilespmem:$0x1FFA0];
	v39 =	vsub.s32 $0x5F3759DF, v47;
	v36 =	vbroadcast v36, $0x0;
	v37 =	vsub.f32 $1.500000000e+00, v37  }
0x1f3: {  	v28 =	vsub.f32 v60, v61;
	v52 =	vmul.f32 v0, v4;
	v49 =	vmul.f32 v39, v23  }
0x1f4: {  	v50 =	vshrl.u32 v36, $0x1;
	v36 =	vmul.f32 $5.000000000e-01, v36;
	v34 =	vmul.f32 v34, v37  }
0x1f5: {  	[tilespmem:s1+$0xFFFFFF80] =	vst v35;
	v53 =	vmul.f32 v0, v6;
	v38 =	vmul.f32 v39, v49;
	v41 =	vsub.s32 $0x5F3759DF, v50  }
0x1f6: {  	[tilespmem:s12+$0xFFFFFF90] =	vst v1;
	v1 =	vadd.f32 v21, v8;
	v51 =	vmul.f32 v41, v36;
	v2 =	vmul.f32 v34, v2  }
0x1f7: {  	v0 =	vmul.f32 v0, v7;
	v5 =	vmul.f32 v46, v5;
	v38 =	vsub.f32 $1.500000000e+00, v38  }
0x1f8: {  	[tilespmem:s12+$0xFFFFFFB0] =	vst v1;
	v1 =	vadd.f32 v12, v11;
	v42 =	vmul.f32 v41, v51;
	v2 =	vmul.f32 v2, v34  }
0x1f9: {  	v28 =	vmul.f32 v52, v28;
	v5 =	vadd.f32 v5, v8;
	v38 =	vmul.f32 v39, v38  }
0x1fa: {  	s15 =	sadd.s32 $0x200, s1;
	v32 =	vmul.f32 v53, v54;
	v55 =	vsub.f32 $1.500000000e+00, v42;
	v2 =	vsub.f32 $1.500000000e+00, v2  }
0x1fb: {  	v0 =	vmul.f32 v0, v3;
	[tilespmem:s15+$0xB0] =	vst v5;
	v5 =	vadd.f32 v25, v17;
	v23 =	vmul.f32 v38, v23  }
0x1fc: {  	[tilespmem:s12+$0x10] =	vst v1;
	v1 =	vadd.f32 v18, v8;
	v25 =	vmul.f32 v41, v55;
	v2 =	vmul.f32 v2, v34  }
0x1fd: {  	v3 =	vadd.f32 v13, v17;
	[tilespmem:s12+$0xFFFFFFA0] =	vst v5;
	v5 =	vadd.f32 v10, v9;
	v21 =	vmul.f32 v23, v38  }
0x1fe: {  	[tilespmem:s1+$0xFFFFFF30] =	vst v48;
	v0 =	vadd.f32 v0, v17;
	v10 =	vmul.f32 v25, v36;
	v12 =	vmul.f32 v2, v4  }
0x1ff: {  	[tilespmem:s12+$0x0] =	vst v5;
	v5 =	vsub.f32 $1.500000000e+00, v21;
	v13 =	vmul.f32 v2, v6;
	v18 =	vmul.f32 v2, v7  }
0x200: {  	[tilespmem:s12+$0x30] =	vst v1;
	v1 =	vmul.f32 v2, v44;
	v2 =	vadd.f32 v32, v11;
	v10 =	vmul.f32 v10, v25  }
0x201: {  	[tilespmem:s12+$0x20] =	vst v3;
	v21 =	vadd.f32 v28, v9;
	v3 =	vmul.f32 v5, v38;
	v5 =	vmul.f32 v12, v29  }
0x202: {  	v13 =	vmul.f32 v13, v26;
	[tilespmem:s15+$0x90] =	vst v2;
	v2 =	vmul.f32 v18, v27;
	v10 =	vsub.f32 $1.500000000e+00, v10  }
0x203: {  	[tilespmem:s15+$0xA0] =	vst v0;
	v1 =	vmul.f32 v1, v22;
	v12 =	vmul.f32 v3, v4;
	v5 =	vadd.f32 v5, v9  }
0x204: {  	[tilespmem:s15+$0x80] =	vst v21;
	v18 =	vmul.f32 v3, v6;
	v2 =	vadd.f32 v2, v17;
	v10 =	vmul.f32 v10, v25  }
0x205: {  	v0 =	vmul.f32 v12, v24;
	[tilespmem:s15+$0xFFFFFF00] =	vst v5;
	v5 =	vadd.f32 v13, v11;
	v13 =	vmul.f32 v3, v7  }
0x206: {  	v1 =	vadd.f32 v1, v8;
	v12 =	vmul.f32 v18, v30;
	v3 =	vmul.f32 v3, v44;
	[tilespmem:s15+$0xFFFFFF20] =	vst v2  }
0x207: {  	v4 =	vmul.f32 v10, v4;
	v0 =	vadd.f32 v0, v9;
	[tilespmem:s15+$0xFFFFFF10] =	vst v5;
	v5 =	vmul.f32 v13, v31  }
0x208: {  	[tilespmem:s15+$0xFFFFFF30] =	vst v1;
	v2 =	vmul.f32 v10, v6;
	v1 =	vadd.f32 v12, v11;
	v3 =	vmul.f32 v3, v19  }
0x209: {  	v6 =	vmul.f32 v10, v7;
	v4 =	vmul.f32 v4, v16;
	[tilespmem:s15+$0xFFFFFF80] =	vst v0;
	v0 =	vadd.f32 v5, v17  }
0x20a: {  	v2 =	vmul.f32 v2, v20;
	[tilespmem:s15+$0xFFFFFF90] =	vst v1;
	v5 =	vmul.f32 v10, v44;
	v1 =	vadd.f32 v3, v8  }
0x20b: {  	v3 =	vmul.f32 v6, v14;
	[tilespmem:s15+$0xFFFFFFA0] =	vst v0;
	v0 =	vadd.f32 v4, v9  }
0x20c: {  	v4 =	vmul.f32 v5, v15;
	[tilespmem:s15+$0xFFFFFFB0] =	vst v1;
	v1 =	vadd.f32 v2, v11  }
0x20d: {  	s19 =	sshll.u32 s18, $0x7;
	[tilespmem:s15+$0x0] =	vst v0;
	v0 =	vadd.f32 v3, v17  }
0x20e: {  	s7 =	sadd.s32 s16, s19;
	[tilespmem:s15+$0x10] =	vst v1;
	v1 =	vadd.f32 v4, v8  }
0x20f: {  	s7 =	sshrl.u32 s7, $0x3;
	[tilespmem:s15+$0x20] =	vst v0  }
0x210: {  	s23 =	sadd.s32 s6, s7;
	[tilespmem:s15+$0x30] =	vst v1  }
0x211: {  	[hbm4b:s23+s25] =	stream.strided.scatter [tilespmem:s26], [sflag:$0xA], $0x4000, s2, s25, $0x38;
	[tilespmem:$0x13480] =	vst v63  }
0x212: {  	s1 =	rddreg [dreg:$0xb]  }
0x213: {  	s1 =	sadd.s32 @!p0 s1, s28  }
0x214: {  	s1 =	sshrl.u32 @!p0 s1, $0x3  }
0x215: {  	s8 =	simm.s32 @!p0 $0x3300;
	s7 =	simm.s32 @!p0 $0x0;
	s1 =	sadd.s32 @!p0 s0, s1  }
0x216: {  	[tilespmem:s8], [sflag:$0x2] =	stream.linear.gather @!p0 [hbm4b:s1+s7], $0x80, $0x38;
	[tilespmem:$0x13480] =	vst v63  }
0x217: {  	s1 =	simm.s32 @!p0 $0x1  }
0x218: {  	_ =	swait.ge @!p0 [sflag:s1], $0x80  }
0x219: {  	s7 =	simm.s32 @!p0 $0x3280;
	[sflag:s1] =	ssyncset.done @!p0 $0x0  }
0x21a: {  	s8 =	simm.s32 @!p0 $0x3480;
	[sflag:s1] =	ssyncadd.s32 @!p0 $0xFFFFFF80;
	s1 =	simm.s32 @!p0 $0x80  }
0x21b: {  	[tilespmem:s8], [sflag:$0x5] =	stream.indirect.gather @!p0 [hbm4b:s9+s1], $0x40, s7, s1, $0xb8;
	[tilespmem:$0x13480] =	vst v63  }
0x21c: {  	_ =	swait.ge [sflag:s29], $0x4000  }
0x21d: {  	[sflag:s29] =	ssyncset.done $0x0  }
0x21e: {  	[sflag:s29] =	ssyncadd.s32 $0xFFFFC000  }
0x21f: {  	_ =	swait.ge [sflag:s21], $0x2000  }
0x220: {  	[sflag:s21] =	ssyncset.done $0x0  }
0x221: {  	s7 =	simm.s32 $0x7500;
	[sflag:s21] =	ssyncadd.s32 $0xFFFFE000  }
0x222: {  	v8 =	vld [tilespmem:s7+$0x40]  }
0x223: {  	v17 =	vld [tilespmem:s7+$0x50]  }
0x224: {  	v10 =	vld [tilespmem:s7+$0x60]  }
0x225: {  	v4 =	vld [tilespmem:s7+$0x70];
	_ =	sdelay $0x3  }
0x226: {  	v0 =	vmul.f32 v8, v8;
	v1 =	vmul.f32 v17, v17  }
0x227: {  	v2 =	vmul.f32 v10, v10;
	v3 =	vmul.f32 v4, v4  }
0x228: {  	v5 =	vadd.f32 v17, v8;
	v6 =	vadd.f32 v4, v10  }
0x229: {  	v0 =	vadd.f32 v1, v0;
	v1 =	vadd.f32 v3, v2  }
0x22a: {  	v2 =	vadd.f32 v6, v5  }
0x22b: {  	v7 =	vld [tilespmem:s7+$0xFFFFFFB0];
	v0 =	vadd.f32 v1, v0  }
0x22c: {  	v11 =	vld [tilespmem:s7+$0xFFFFFFC0];
	(xrf2) =	vadd.scan.msk.f32 $0xffff, v2  }
0x22d: {  	v12 =	vld [tilespmem:s7+$0xFFFFFFD0];
	(xrf2) =	vadd.scan.msk.f32 $0xffff, v0  }
0x22e: {  	v13 =	vld [tilespmem:s7+$0xFFFFFFE0]  }
0x22f: {  	v14 =	vld [tilespmem:s7+$0xFFFFFFF0]  }
0x230: {  	v15 =	vld [tilespmem:s7+$0xFFFFFF80]  }
0x231: {  	v6 =	vld [tilespmem:s7+$0xFFFFFFA0]  }
0x232: {  	v5 =	vld [tilespmem:s7+$0xFFFFFF90]  }
0x233: {  	v18 =	vld [tilespmem:s7+$0x0]  }
0x234: {  	v20 =	vld [tilespmem:s7+$0x20]  }
0x235: {  	v9 =	vld [tilespmem:s7+$0x30]  }
0x236: {  	v19 =	vld [tilespmem:s7+$0x10];
	v1 =	vadd.f32 v7, v6;
	v0, _, _ =	vpop (xrf2)  }
0x237: {  	v2 =	vadd.f32 v5, v15;
	(v2sf) =	vpush v0, $0xF;
	v0, _, _ =	vpop (xrf2)  }
0x238: {  	v3 =	vadd.f32 v14, v13;
	(v2sf) =	vpush v0, $0xF  }
0x239: {  	v1 =	vadd.f32 v1, v2;
	v0 =	vadd.f32 v12, v11  }
0x23a: {  	v16 =	vadd.f32 v9, v20  }
0x23b: {  	v2 =	vadd.f32 v19, v18;
	(xrf2) =	vadd.scan.msk.f32 $0xffff, v1;
	v0 =	vadd.f32 v3, v0  }
0x23c: {  	v22 =	vmul.f32 v15, v15;
	v21 =	vmul.f32 v5, v5  }
0x23d: {  	v2 =	vadd.f32 v16, v2;
	v1 =	vmul.f32 v6, v6;
	v3 =	vmul.f32 v7, v7;
	(xrf2) =	vadd.scan.msk.f32 $0xffff, v0;
	_ =	sdelay $0x1  }
0x23e: {  	v21 =	vadd.f32 v21, v22;
	v0 =	vadd.f32 v3, v1;
	(xrf2) =	vadd.scan.msk.f32 $0xffff, v2  }
0x23f: {  	v23 =	vmul.f32 v14, v14;
	v16 =	vmul.f32 v13, v13  }
0x240: {  	v1 =	vmul.f32 v11, v11;
	v3 =	vmul.f32 v12, v12;
	v0 =	vadd.f32 v0, v21;
	_ =	sdelay $0x1  }
0x241: {  	v2 =	vadd.f32 v23, v16;
	v1 =	vadd.f32 v3, v1;
	_ =	sdelay $0x1  }
0x242: {  	v1 =	vadd.f32 v2, v1;
	(xrf2) =	vadd.scan.msk.f32 $0xffff, v0;
	v2 =	vmul.f32 v19, v19;
	v0, _, _ =	vpop (xrf2)  }
0x243: {  	v3 =	vmul.f32 v9, v9;
	(v2sf) =	vpush v0, $0xF;
	s8 =	spop (v2sf)  }
0x244: {  	(xrf2) =	vadd.scan.msk.f32 $0xffff, v1;
	v1 =	vmul.f32 v18, v18;
	v0 =	vmul.f32 v20, v20;
	s1 =	smul.f32 $1.562500000e-02, s8;
	v16, _, _ =	vpop (xrf2);
	s12 =	spop (v2sf)  }
0x245: {  	(v2sf) =	vpush v16, $0xF;
	s7 =	smul.f32 $1.562500000e-02, s12  }
0x246: {  	v1 =	vadd.f32 v2, v1;
	v0 =	vadd.f32 v3, v0;
	v2, _, _ =	vpop (xrf2);
	s13 =	smul.f32 s1, s1  }
0x247: {  	(v2sf) =	vpush v2, $0xF  }
0x248: {  	v0 =	vadd.f32 v0, v1;
	s7 =	ssub.f32 s7, s13;
	_ =	sdelay $0x1  }
0x249: {  	(xrf2) =	vadd.scan.msk.f32 $0xffff, v0;
	v1 =	vmov s7  }
0x24a: {  	v1 =	vadd.f32 $9.999999740e-06, v1;
	_ =	sdelay $0x1  }
0x24b: {  	v0, _, _ =	vpop (xrf2);
	v1 =	vbroadcast v1, $0x0  }
0x24c: {  	(v2sf) =	vpush v0, $0xF;
	v0, _, _ =	vpop (xrf2)  }
0x24d: {  	s7 =	simm.s32 $0x7600;
	(v2sf) =	vpush v0, $0xF;
	v0 =	vshrl.u32 v1, $0x1;
	v16 =	vmul.f32 $5.000000000e-01, v1  }
0x24e: {  	v60 =	vld [tilespmem:s7+$0x40];
	v21 =	vsub.s32 $0x5F3759DF, v0  }
0x24f: {  	v58 =	vld [tilespmem:s7+$0x50];
	v1 =	vmul.f32 v21, v16  }
0x250: {  	s14 =	spop (v2sf)  }
0x251: {  	v38 =	vmov s1;
	s8 =	smul.f32 $1.562500000e-02, s14;
	v3 =	vmul.f32 v21, v1  }
0x252: {  	v4 =	vsub.f32 v4, v38;
	v17 =	vsub.f32 v17, v38;
	v22, _, _ =	vpop (xrf2);
	s15 =	spop (v2sf)  }
0x253: {  	(v2sf) =	vpush v22, $0xF;
	v22 =	vmov s8;
	v23 =	vsub.f32 $1.500000000e+00, v3;
	s12 =	smul.f32 $1.562500000e-02, s15;
	v3 =	vld [tilespmem:s7+$0x60]  }
0x254: {  	v24 =	vadd.f32 v58, v60;
	v27 =	vsub.f32 v5, v22;
	s18 =	spop (v2sf);
	v5 =	vld [tilespmem:s7+$0x70]  }
0x255: {  	v26 =	vld [tilespmem:s7+$0xFFFFFF90];
	v34 =	vsub.f32 v15, v22;
	v29 =	vsub.f32 v6, v22;
	s13 =	smul.f32 $1.562500000e-02, s18;
	v6 =	vmov s12  }
0x256: {  	v31 =	vld [tilespmem:s7+$0xFFFFFFC0];
	v21 =	vmul.f32 v21, v23;
	v23 =	vsub.f32 v7, v22;
	v30 =	vsub.f32 v11, v6  }
0x257: {  	v32 =	vld [tilespmem:s7+$0xFFFFFFD0];
	v15 =	vsub.f32 v12, v6;
	v14 =	vsub.f32 v14, v6;
	v36 =	vmov s13  }
0x258: {  	v35 =	vld [tilespmem:s7+$0xFFFFFF80];
	v7 =	vmul.f32 v21, v16;
	v11 =	vsub.f32 v18, v36;
	v18 =	vmul.f32 v58, v58  }
0x259: {  	v33 =	vld [tilespmem:s7+$0xFFFFFFB0];
	v28 =	vmul.f32 v3, v3;
	v56 =	vmul.f32 v5, v5;
	v57 =	vadd.f32 v5, v3  }
0x25a: {  	v25 =	vld [tilespmem:s7+$0xFFFFFFF0];
	v16 =	vsub.f32 v13, v6;
	v6 =	vmul.f32 v7, v21;
	v7 =	vmul.f32 v60, v60  }
0x25b: {  	v22 =	vld [tilespmem:s7+$0xFFFFFFA0];
	v12 =	vsub.f32 v19, v36;
	v59 =	vadd.f32 v57, v24  }
0x25c: {  	s8 =	smul.f32 s8, s8;
	v19 =	vld [tilespmem:s7+$0xFFFFFFE0];
	v7 =	vadd.f32 v18, v7;
	v18 =	vadd.f32 v56, v28  }
0x25d: {  	v0 =	vld [tilespmem:$0x3230];
	v41 =	vmul.f32 v26, v26;
	v43 =	vadd.f32 v32, v31;
	v54 =	vmul.f32 v35, v35;
	s12 =	smul.f32 s12, s12;
	s19 =	spop (v2sf)  }
0x25e: {  	s14 =	smul.f32 $1.562500000e-02, s19;
	s23 =	spop (v2sf);
	v6 =	vsub.f32 $1.500000000e+00, v6;
	(xrf2) =	vadd.scan.msk.f32 $0xffff, v59;
	v7 =	vadd.f32 v18, v7  }
0x25f: {  	v45 =	vmul.f32 v31, v31;
	v46 =	vmul.f32 v32, v32;
	v41 =	vadd.f32 v41, v54;
	s15 =	smul.f32 $1.562500000e-02, s23  }
0x260: {  	v13 =	vsub.f32 v20, v36;
	v20 =	vld [tilespmem:s7+$0x0];
	s8 =	ssub.f32 s14, s8;
	v40 =	vadd.f32 v33, v22;
	v37 =	vmul.f32 v6, v21;
	(xrf2) =	vadd.scan.msk.f32 $0xffff, v7  }
0x261: {  	v24 =	vld [tilespmem:s7+$0x20];
	v62 =	vmul.f32 v22, v22;
	v57 =	vmul.f32 v25, v25;
	s18 =	ssub.f32 s15, s12;
	v44 =	vadd.f32 v25, v19  }
0x262: {  	v28 =	vmov s8;
	v63 =	vmul.f32 v19, v19;
	v21 =	vld [tilespmem:s7+$0x10];
	v61 =	vmul.f32 v37, v0  }
0x263: {  	v6 =	vadd.f32 $9.999999740e-06, v28;
	v18 =	vmov s18;
	v28 =	vld [tilespmem:s7+$0x30];
	v43 =	vadd.f32 v44, v43  }
0x264: {  	v44 =	vadd.f32 v46, v45;
	v39 =	vmul.f32 v61, v4;
	v4 =	vadd.f32 v26, v35  }
0x265: {  	s19 =	smul.f32 s13, s13;
	v42 =	vadd.f32 v57, v63;
	v7 =	vmul.f32 v33, v33;
	v6 =	vbroadcast v6, $0x0;
	s23 =	spop (v2sf)  }
0x266: {  	v18 =	vadd.f32 $9.999999740e-06, v18;
	s7 =	smul.f32 $1.562500000e-02, s23;
	v40 =	vadd.f32 v40, v4  }
0x267: {  	v7 =	vadd.f32 v7, v62;
	v61 =	vmul.f32 v20, v20;
	v57 =	vshrl.u32 v6, $0x1  }
0x268: {  	v48 =	vmul.f32 $5.000000000e-01, v6;
	v59 =	vadd.f32 v21, v20;
	v51 =	vadd.f32 v28, v24;
	s1 =	ssub.f32 s7, s19;
	(xrf2) =	vadd.scan.msk.f32 $0xffff, v40;
	v56, _, _ =	vpop (xrf2)  }
0x269: {  	v62 =	vmul.f32 v21, v21;
	v46 =	vsub.s32 $0x5F3759DF, v57;
	(v2sf) =	vpush v56, $0xF  }
0x26a: {  	v47 =	vmul.f32 v46, v48;
	v55 =	vadd.f32 v51, v59;
	v63 =	vmov s1;
	v6, _, _ =	vpop (xrf2)  }
0x26b: {  	(xrf2) =	vadd.scan.msk.f32 $0xffff, v43;
	(v2sf) =	vpush v6, $0xF;
	v6 =	vbroadcast v18, $0x0;
	v18 =	vadd.f32 $9.999999740e-06, v63  }
0x26c: {  	v52 =	vmul.f32 v24, v24;
	v59 =	vadd.f32 v62, v61;
	v62 =	vmul.f32 v46, v47  }
0x26d: {  	v53 =	vmul.f32 v28, v28;
	v41 =	vadd.f32 v7, v41;
	(xrf2) =	vadd.scan.msk.f32 $0xffff, v55;
	v18 =	vbroadcast v18, $0x0  }
0x26e: {  	v40 =	vsub.f32 $1.500000000e+00, v62;
	v61 =	vshrl.u32 v6, $0x1;
	v50 =	vmul.f32 $5.000000000e-01, v6  }
0x26f: {  	v1 =	vld [tilespmem:$0x3200];
	v47 =	vsub.s32 $0x5F3759DF, v61;
	v63 =	vshrl.u32 v18, $0x1;
	v54 =	vmul.f32 $5.000000000e-01, v18  }
0x270: {  	v52 =	vadd.f32 v53, v52;
	(xrf2) =	vadd.scan.msk.f32 $0xffff, v41;
	v49 =	vmul.f32 v47, v50;
	v51 =	vsub.s32 $0x5F3759DF, v63  }
0x271: {  	v2 =	vld [tilespmem:$0x3210];
	v57 =	vadd.f32 v42, v44;
	v40 =	vmul.f32 v46, v40;
	v56 =	vmul.f32 v51, v54  }
0x272: {  	s8 =	sshll.u32 s24, $0x6;
	v59 =	vadd.f32 v52, v59;
	v18 =	vsub.f32 v9, v36;
	v61, _, _ =	vpop (xrf2);
	v9 =	vmul.f32 v47, v49  }
0x273: {  	v4 =	vld [tilespmem:$0x3220];
	s1 =	sand.u32 $0x3FFFFFC0, s8;
	v48 =	vmul.f32 v40, v48;
	(v2sf) =	vpush v61, $0xF;
	v36 =	vmul.f32 v51, v56  }
0x274: {  	v45 =	vmul.f32 v37, v1;
	v62 =	vsub.f32 v8, v38;
	v8 =	vld [tilespmem:s1+$0x30];
	v9 =	vsub.f32 $1.500000000e+00, v9  }
0x275: {  	v38 =	vsub.f32 v10, v38;
	v10 =	vld [tilespmem:s1+$0x10];
	v41 =	vmul.f32 v48, v40;
	v49, _, _ =	vpop (xrf2);
	v36 =	vsub.f32 $1.500000000e+00, v36  }
0x276: {  	v63 =	vmul.f32 v37, v2;
	(v2sf) =	vpush v49, $0xF;
	v47 =	vmul.f32 v47, v9  }
0x277: {  	v43 =	vmul.f32 v45, v62;
	(xrf2) =	vadd.scan.msk.f32 $0xffff, v57;
	v41 =	vsub.f32 $1.500000000e+00, v41;
	v52, _, _ =	vpop (xrf2);
	v36 =	vmul.f32 v51, v36  }
0x278: {  	v17 =	vmul.f32 v63, v17;
	v9 =	vld [tilespmem:s1+$0x0];
	(v2sf) =	vpush v52, $0xF;
	v50 =	vmul.f32 v47, v50;
	s12 =	spop (v2sf)  }
0x279: {  	v45 =	vadd.f32 v39, v8;
	v37 =	vmul.f32 v37, v4;
	(xrf2) =	vadd.scan.msk.f32 $0xffff, v59;
	s7 =	smul.f32 $1.562500000e-02, s12;
	v53 =	vmul.f32 v36, v54  }
0x27a: {  	v63 =	vadd.f32 v17, v10;
	v17 =	vld [tilespmem:s1+$0x20];
	v55, _, _ =	vpop (xrf2);
	v42 =	vmul.f32 v50, v47;
	v54 =	vmul.f32 v41, v40  }
0x27b: {  	v48 =	vmul.f32 v37, v38;
	(v2sf) =	vpush v55, $0xF;
	s13 =	spop (v2sf);
	s14 =	smul.f32 s7, s7;
	v57 =	vmul.f32 v53, v36  }
0x27c: {  	s8 =	smul.f32 $1.562500000e-02, s13;
	v56 =	vsub.f32 $1.500000000e+00, v42;
	v59 =	vmul.f32 v54, v1;
	v42 =	vmul.f32 v54, v2  }
0x27d: {  	v43 =	vadd.f32 v43, v9;
	v61 =	vmul.f32 v54, v4;
	v51 =	vmul.f32 v54, v0  }
0x27e: {  	v39 =	vmul.f32 v56, v47;
	v40 =	vsub.f32 $1.500000000e+00, v57;
	s8 =	ssub.f32 s8, s14;
	v34 =	vmul.f32 v59, v34  }
0x27f: {  	v42 =	vmul.f32 v42, v27;
	v47 =	vmul.f32 v61, v29;
	v61 =	vadd.f32 v48, v17  }
0x280: {  	v48 =	vmul.f32 v51, v23;
	v53 =	vmul.f32 v39, v1;
	v55 =	vmov s8  }
0x281: {  	[tilespmem:$0x1FF40] =	vst v1;
	v62, _, _ =	vpop (xrf2);
	v40 =	vmul.f32 v40, v36;
	v41 =	vmul.f32 v39, v2;
	v56 =	vadd.f32 $9.999999740e-06, v55  }
0x282: {  	[tilespmem:$0x1FF50] =	vst v2;
	(v2sf) =	vpush v62, $0xF;
	v38 =	vmul.f32 v39, v4;
	v37 =	vmul.f32 v39, v0;
	s15 =	spop (v2sf)  }
0x283: {  	[tilespmem:$0x1FF70] =	vst v0;
	v57, _, _ =	vpop (xrf2);
	v34 =	vadd.f32 v34, v9;
	v39 =	vmul.f32 v40, v1;
	s18 =	smul.f32 $1.562500000e-02, s15;
	v59 =	vbroadcast v56, $0x0  }
0x284: {  	[tilespmem:$0x1FF60] =	vst v4;
	s1 =	simm.s32 $0xB580;
	(v2sf) =	vpush v57, $0xF;
	v46 =	vmul.f32 v40, v2;
	v36 =	vmul.f32 v40, v4  }
0x285: {  	[tilespmem:s1+$0xB0] =	vst v45;
	v62 =	vmov s18;
	s19 =	spop (v2sf);
	v27 =	vshrl.u32 v59, $0x1;
	v49 =	vmul.f32 $5.000000000e-01, v59  }
0x286: {  	[tilespmem:s1+$0x90] =	vst v63;
	v40 =	vmul.f32 v40, v0;
	v29 =	vsub.f32 v35, v62;
	s12 =	smul.f32 $1.562500000e-02, s19;
	v50 =	vsub.s32 $0x5F3759DF, v27  }
0x287: {  	[tilespmem:s1+$0x80] =	vst v43;
	s14 =	smul.f32 s18, s18;
	v26 =	vsub.f32 v26, v62;
	s23 =	spop (v2sf);
	v35 =	vmul.f32 v53, v30;
	v63 =	vmul.f32 v50, v49  }
0x288: {  	[tilespmem:s1+$0xA0] =	vst v61;
	s18 =	simm.s32 $0x4;
	v27 =	vsub.f32 v22, v62;
	v22 =	vsub.f32 v33, v62;
	s15 =	smul.f32 $1.562500000e-02, s23;
	v43 =	vmov s12  }
0x289: {  	[tilespmem:s1+$0xFFFFFF00] =	vst v34;
	s19 =	simm.s32 $0x7700;
	s13 =	smul.f32 s12, s12;
	s12 =	simm.s32 $0xB580;
	v23 =	vsub.f32 v31, v43;
	v30 =	vsub.f32 v32, v43;
	v31 =	vmul.f32 v50, v63  }
.LBB2_9:
0x28a: {  	v19 =	vsub.f32 v19, v43;
	v41 =	vmul.f32 v41, v15  }
0x28b: {  	v45 =	vld [tilespmem:s19+$0x40];
	v25 =	vsub.f32 v25, v43;
	v38 =	vmul.f32 v38, v16;
	v37 =	vmul.f32 v37, v14  }
0x28c: {  	v44 =	vld [tilespmem:s19+$0x50];
	v34 =	vadd.f32 v47, v17;
	v32 =	vmov s15;
	v31 =	vsub.f32 $1.500000000e+00, v31  }
0x28d: {  	v43 =	vld [tilespmem:s19+$0x60];
	v36 =	vmul.f32 v36, v13;
	v40 =	vmul.f32 v40, v18;
	v20 =	vsub.f32 v20, v32  }
0x28e: {  	v51 =	vld [tilespmem:s19+$0x70];
	v16 =	vmovc v19;
	v19 =	vsub.f32 v24, v32;
	v24 =	vsub.f32 v28, v32;
	v28 =	vmul.f32 v50, v31  }
0x28f: {  	v33 =	vld [tilespmem:s19+$0xFFFFFFC0];
	v15 =	vmovc v30;
	v14 =	vmov v25;
	v25 =	vadd.f32 v42, v10;
	v42 =	vmul.f32 v39, v11;
	s8 =	spop (v2sf)  }
0x290: {  	v30 =	vld [tilespmem:s19+$0xFFFFFF90];
	v21 =	vsub.f32 v21, v32;
	v39 =	vmul.f32 v46, v12;
	v11 =	vmovc v20;
	v20 =	vmul.f32 v28, v49;
	s8 =	smul.f32 $1.562500000e-02, s8  }
0x291: {  	v32 =	vld [tilespmem:s19+$0xFFFFFFB0];
	v41 =	vadd.f32 v41, v10;
	v38 =	vadd.f32 v38, v17;
	v50 =	vmov s7  }
0x292: {  	v31 =	vld [tilespmem:s19+$0xFFFFFFA0];
	[tilespmem:s1+$0xFFFFFF10] =	vst v25;
	v25 =	vadd.f32 v48, v8;
	v55 =	vsub.f32 v5, v50;
	v20 =	vmul.f32 v20, v28;
	s8 =	ssub.f32 s8, s14  }
0x293: {  	v4 =	vld [tilespmem:$0x1FF70];
	v18 =	vmovc v24;
	v24 =	vadd.f32 v44, v45;
	v61 =	vadd.f32 v51, v43;
	v62 =	vmul.f32 v45, v45  }
0x294: {  	[tilespmem:s1+$0xFFFFFF20] =	vst v34;
	v34 =	vld [tilespmem:s19+$0xFFFFFFD0];
	v12 =	vmovc v21;
	v63 =	vmul.f32 v44, v44;
	v57 =	vsub.f32 $1.500000000e+00, v20;
	v21 =	vmov s8  }
0x295: {  	v13 =	vmovc v19;
	v19 =	vld [tilespmem:s19+$0xFFFFFFE0];
	v59 =	vmul.f32 v43, v43;
	v52 =	vmul.f32 v51, v51;
	v46 =	vadd.f32 $9.999999740e-06, v21  }
0x296: {  	v20 =	vld [tilespmem:s19+$0x0];
	v49 =	vmul.f32 v57, v28;
	v21 =	vadd.f32 v35, v9;
	v35 =	vadd.f32 v61, v24  }
0x297: {  	v47 =	vadd.f32 v63, v62;
	v28 =	vld [tilespmem:s19+$0x30];
	v61 =	vadd.f32 v52, v59  }
0x298: {  	v6 =	vmovc v3;
	[tilespmem:s1+$0xFFFFFF30] =	vst v25;
	v62 =	vmul.f32 v32, v32;
	s23 =	spop (v2sf);
	v56 =	vmul.f32 v49, v4;
	v24 =	vld [tilespmem:s19+$0x20];
	(xrf2) =	vadd.scan.msk.f32 $0xffff, v35  }
0x299: {  	v3 =	vmovc v58;
	v54 =	vadd.f32 v32, v31;
	v57 =	vmul.f32 v31, v31;
	s14 =	smul.f32 $1.562500000e-02, s23;
	v47 =	vadd.f32 v61, v47;
	v35 =	vld [tilespmem:s19+$0xFFFFFF80]  }
0x29a: {  	v48 =	vadd.f32 v34, v33;
	v58 =	vmul.f32 v34, v34;
	v55 =	vmul.f32 v56, v55;
	[tilespmem:s1+$0xFFFFFF80] =	vst v21;
	v21 =	vld [tilespmem:s19+$0x10]  }
0x29b: {  	v56 =	vadd.f32 v62, v57;
	v57 =	vmul.f32 v33, v33;
	s14 =	ssub.f32 s14, s13;
	v52 =	vmul.f32 v30, v30;
	v25 =	vld [tilespmem:s19+$0xFFFFFFF0];
	(xrf2) =	vadd.scan.msk.f32 $0xffff, v47  }
0x29c: {  	v1 =	vmul.f32 v28, v28;
	v55 =	vadd.f32 v55, v8;
	v61 =	vmul.f32 v20, v20  }
0x29d: {  	v53 =	vmov s14;
	s1 =	sadd.s32 $0x200, s1;
	v46 =	vbroadcast v46, $0x0;
	v0 =	vmul.f32 v24, v24  }
0x29e: {  	[tilespmem:s1+$0xB0] =	vst v55;
	v47 =	vmul.f32 v19, v19;
	v63 =	vadd.f32 v28, v24;
	v55 =	vadd.f32 v30, v35  }
0x29f: {  	s15 =	smul.f32 s15, s15;
	v5 =	vmovc v60;
	s23 =	spop (v2sf);
	v60 =	vadd.f32 v21, v20;
	v2 =	vmul.f32 v35, v35;
	v0 =	vadd.f32 v1, v0  }
0x2a0: {  	v7 =	vmovc v51;
	s13 =	smul.f32 $1.562500000e-02, s23;
	v62 =	vmul.f32 v21, v21;
	v51 =	vadd.f32 v25, v19;
	v54 =	vadd.f32 v54, v55  }
0x2a1: {  	v1 =	vshrl.u32 v46, $0x1;
	v2 =	vadd.f32 v52, v2;
	v52 =	vadd.f32 v63, v60  }
0x2a2: {  	s13 =	ssub.f32 s13, s15;
	v59 =	vmul.f32 v25, v25;
	v48 =	vadd.f32 v51, v48;
	v51 =	vadd.f32 v58, v57;
	v58, _, _ =	vpop (xrf2);
	(xrf2) =	vadd.scan.msk.f32 $0xffff, v54  }
0x2a3: {  	v46 =	vmul.f32 $5.000000000e-01, v46;
	v55 =	vadd.f32 v62, v61;
	v61 =	vld [tilespmem:$0x1FF40];
	v63 =	vadd.f32 $9.999999740e-06, v53  }
0x2a4: {  	v47 =	vadd.f32 v59, v47;
	v57 =	vmov s13;
	v2 =	vadd.f32 v56, v2  }
0x2a5: {  	v1 =	vsub.s32 $0x5F3759DF, v1;
	v57 =	vadd.f32 $9.999999740e-06, v57;
	(v2sf) =	vpush v58, $0xF;
	v56, _, _ =	vpop (xrf2)  }
0x2a6: {  	v54 =	vsub.f32 v5, v50;
	v5 =	vmovc v7;
	v7 =	vld [tilespmem:$0x1FF50];
	v58 =	vmul.f32 v1, v46;
	(xrf2) =	vadd.scan.msk.f32 $0xffff, v48;
	(v2sf) =	vpush v56, $0xF  }
0x2a7: {  	v47 =	vadd.f32 v47, v51;
	v51 =	vbroadcast v57, $0x0;
	v48 =	vbroadcast v63, $0x0  }
0x2a8: {  	v0 =	vadd.f32 v0, v55;
	v59 =	vmul.f32 v49, v61;
	(xrf2) =	vadd.scan.msk.f32 $0xffff, v52;
	v52 =	vmul.f32 v1, v58  }
0x2a9: {  	v63 =	vshrl.u32 v51, $0x1;
	v62 =	vshrl.u32 v48, $0x1;
	v48 =	vmul.f32 $5.000000000e-01, v48  }
0x2aa: {  	v60 =	vmovc v45;
	v51 =	vmul.f32 $5.000000000e-01, v51;
	v45 =	vsub.s32 $0x5F3759DF, v62;
	v52 =	vsub.f32 $1.500000000e+00, v52  }
0x2ab: {  	v56 =	vsub.s32 $0x5F3759DF, v63;
	v55 =	vmul.f32 v49, v7;
	v53 =	vmul.f32 v45, v48  }
0x2ac: {  	v57 =	vsub.f32 v3, v50;
	v63 =	vmul.f32 v56, v51;
	v1 =	vmul.f32 v1, v52;
	v3, _, _ =	vpop (xrf2)  }
0x2ad: {  	(xrf2) =	vadd.scan.msk.f32 $0xffff, v2;
	v52 =	vmul.f32 v59, v54;
	v2 =	vmul.f32 v45, v53;
	(v2sf) =	vpush v3, $0xF  }
0x2ae: {  	v37 =	vadd.f32 v37, v8;
	v62 =	vld [tilespmem:$0x1FF60];
	v58 =	vmovc v44;
	v44 =	vmul.f32 v56, v63;
	v54 =	vmul.f32 v1, v46  }
0x2af: {  	v36 =	vadd.f32 v36, v17;
	v2 =	vsub.f32 $1.500000000e+00, v2  }
0x2b0: {  	v46 =	vmul.f32 v55, v57;
	v44 =	vsub.f32 $1.500000000e+00, v44;
	v57 =	vmul.f32 v54, v1;
	v55, _, _ =	vpop (xrf2)  }
0x2b1: {  	v42 =	vadd.f32 v42, v9;
	[tilespmem:s12+$0xFFFFFF90] =	vst v41;
	v2 =	vmul.f32 v45, v2;
	(v2sf) =	vpush v55, $0xF  }
0x2b2: {  	v50 =	vsub.f32 v6, v50;
	(xrf2) =	vadd.scan.msk.f32 $0xffff, v47;
	v59 =	vmul.f32 v56, v44;
	v63, _, _ =	vpop (xrf2);
	v41 =	vsub.f32 $1.500000000e+00, v57  }
0x2b3: {  	v49 =	vmul.f32 v49, v62;
	(xrf2) =	vadd.scan.msk.f32 $0xffff, v0;
	v0 =	vmul.f32 v2, v48;
	(v2sf) =	vpush v63, $0xF  }
0x2b4: {  	v44 =	vadd.f32 v39, v10;
	v47 =	vmul.f32 v59, v51;
	v1 =	vmul.f32 v41, v1;
	s14 =	spop (v2sf)  }
0x2b5: {  	v45 =	vmul.f32 v49, v50;
	v50 =	vadd.f32 v52, v9;
	v0 =	vmul.f32 v0, v2;
	s7 =	smul.f32 $1.562500000e-02, s14;
	s15 =	spop (v2sf)  }
0x2b6: {  	v55 =	vadd.f32 v46, v10;
	v39 =	vmul.f32 v47, v59;
	v51 =	vmul.f32 v1, v61;
	s8 =	smul.f32 $1.562500000e-02, s15  }
0x2b7: {  	v52 =	vmul.f32 v1, v7;
	v53 =	vmul.f32 v1, v62;
	v0 =	vsub.f32 $1.500000000e+00, v0;
	s23 =	smul.f32 s7, s7  }
0x2b8: {  	v48 =	vadd.f32 v40, v8;
	v1 =	vmul.f32 v1, v4;
	v29 =	vmul.f32 v51, v29  }
0x2b9: {  	[tilespmem:s12+$0x0] =	vst v42;
	v49, _, _ =	vpop (xrf2);
	v42 =	vmul.f32 v52, v26;
	v0 =	vmul.f32 v0, v2;
	v2 =	vsub.f32 $1.500000000e+00, v39;
	s8 =	ssub.f32 s8, s23  }
0x2ba: {  	[tilespmem:s12+$0x30] =	vst v48;
	(v2sf) =	vpush v49, $0xF;
	v47 =	vmul.f32 v53, v27;
	v48 =	vmul.f32 v1, v22  }
0x2bb: {  	v56 =	vmul.f32 v0, v61;
	v2 =	vmul.f32 v2, v59;
	v6 =	vmov s8  }
0x2bc: {  	[tilespmem:s12+$0xFFFFFFA0] =	vst v38;
	v54, _, _ =	vpop (xrf2);
	v41 =	vmul.f32 v0, v7;
	v38 =	vmul.f32 v0, v62;
	v57 =	vadd.f32 $9.999999740e-06, v6;
	s14 =	spop (v2sf)  }
0x2bd: {  	[tilespmem:s12+$0xFFFFFFB0] =	vst v37;
	(v2sf) =	vpush v54, $0xF;
	v37 =	vmul.f32 v0, v4;
	v39 =	vmul.f32 v2, v61;
	s8 =	smul.f32 $1.562500000e-02, s14  }
0x2be: {  	s18 =	sadd.s32 $0x4, s18;
	[tilespmem:s12+$0x20] =	vst v36;
	v29 =	vadd.f32 v29, v9;
	v46 =	vmul.f32 v2, v7;
	v0 =	vbroadcast v57, $0x0  }
0x2bf: {  	p1 =	slt.u32 s18, $0x7C;
	[tilespmem:s12+$0x10] =	vst v44;
	v36 =	vmul.f32 v2, v62;
	v40 =	vmul.f32 v2, v4;
	v2 =	vadd.f32 v45, v17;
	s14 =	smul.f32 s8, s8  }
.Ltmp3:
0x2c0: {  	[tilespmem:s1+$0x80] =	vst v50;
	v59, _, _ =	vpop (xrf2);
	v27 =	vshrl.u32 v0, $0x1;
	v49 =	vmul.f32 $5.000000000e-01, v0;
	s15 =	spop (v2sf);
	v63 =	vmov s8;
	(pc) =	sbr.rel @p1 .LBB2_9-.Ltmp3, $4  }
0x2c1: {  	[tilespmem:s1+$0xFFFFFF00] =	vst v29;
	(v2sf) =	vpush v59, $0xF;
	s8 =	smul.f32 $1.562500000e-02, s15;
	v50 =	vsub.s32 $0x5F3759DF, v27;
	v29 =	vsub.f32 v35, v63  }
0x2c2: {  	[tilespmem:s1+$0xA0] =	vst v2;
	s23 =	spop (v2sf);
	v26 =	vsub.f32 v30, v63;
	v0 =	vsub.f32 v32, v63;
	v2 =	vmul.f32 v50, v49  }
0x2c3: {  	v3 =	vmovc v43;
	[tilespmem:s1+$0x90] =	vst v55;
	v27 =	vsub.f32 v31, v63;
	v35 =	vmul.f32 v56, v23;
	s15 =	smul.f32 $1.562500000e-02, s23;
	v43 =	vmov s8  }
0x2c4: {  	s19 =	sadd.s32 $0x100, s19;
	s12 =	smov.u32 s1;
	s13 =	smul.f32 s8, s8;
	v23 =	vsub.f32 v33, v43;
	v30 =	vsub.f32 v34, v43;
	v31 =	vmul.f32 v50, v2;
	v22 =	vmovc v0  }
0x2c5: {  	_ =	sdelay $0x3  }
0x2c6: {  	s8 =	spop (v2sf)  }
0x2c7: {  	v1 =	vmul.f32 v41, v15;
	v2 =	vmov s15;
	v0 =	vsub.f32 $1.500000000e+00, v31;
	s8 =	smul.f32 $1.562500000e-02, s8  }
0x2c8: {  	v11 =	vmul.f32 v39, v11;
	v31 =	vsub.f32 v19, v43;
	v19 =	vsub.f32 v25, v43  }
0x2c9: {  	v25 =	vmul.f32 v38, v16;
	v16 =	vsub.f32 v20, v2;
	v0 =	vmul.f32 v50, v0;
	s8 =	ssub.f32 s8, s14  }
0x2ca: {  	v20 =	vsub.f32 v21, v2;
	v21 =	vmul.f32 v37, v14;
	v14 =	vsub.f32 v24, v2  }
0x2cb: {  	v15 =	vsub.f32 v28, v2;
	v32 =	vmul.f32 v0, v49;
	s18 =	spop (v2sf);
	v2 =	vmov s8  }
0x2cc: {  	v12 =	vmul.f32 v46, v12;
	v13 =	vmul.f32 v36, v13;
	s14 =	smul.f32 $1.562500000e-02, s18;
	v2 =	vadd.f32 $9.999999740e-06, v2  }
0x2cd: {  	s19 =	smul.f32 s15, s15;
	v59 =	vadd.f32 v47, v17;
	v18 =	vmul.f32 v40, v18;
	v24 =	vmul.f32 v32, v0  }
0x2ce: {  	v48 =	vadd.f32 v48, v8;
	v35 =	vadd.f32 v35, v9;
	s23 =	ssub.f32 s14, s13;
	s14 =	spop (v2sf);
	v2 =	vbroadcast v2, $0x0  }
0x2cf: {  	v61 =	vmov s7;
	v28 =	vadd.f32 v42, v10;
	v24 =	vsub.f32 $1.500000000e+00, v24;
	s13 =	smul.f32 $1.562500000e-02, s14  }
0x2d0: {  	v44 =	vld [tilespmem:$0x1FF70];
	v33 =	vmov s23;
	v34 =	vshrl.u32 v2, $0x1;
	v2 =	vmul.f32 $5.000000000e-01, v2  }
0x2d1: {  	v0 =	vmul.f32 v24, v0;
	v24 =	vadd.f32 $9.999999740e-06, v33;
	s18 =	ssub.f32 s13, s19;
	v34 =	vsub.s32 $0x5F3759DF, v34  }
0x2d2: {  	v4 =	vld [tilespmem:$0x1FF40];
	v5 =	vsub.f32 v5, v61;
	v54 =	vsub.f32 v58, v61;
	v63 =	vmul.f32 v34, v2  }
0x2d3: {  	v3 =	vsub.f32 v3, v61;
	v24 =	vbroadcast v24, $0x0;
	v62 =	vmov s18  }
0x2d4: {  	v6 =	vld [tilespmem:$0x1FF50];
	[tilespmem:s1+$0xFFFFFF20] =	vst v59;
	v1 =	vadd.f32 v1, v10;
	v36 =	vadd.f32 $9.999999740e-06, v62;
	v37 =	vmul.f32 v34, v63  }
0x2d5: {  	[tilespmem:s1+$0xFFFFFF10] =	vst v28;
	v46 =	vmul.f32 v0, v44;
	v47 =	vshrl.u32 v24, $0x1;
	v24 =	vmul.f32 $5.000000000e-01, v24  }
0x2d6: {  	v7 =	vld [tilespmem:$0x1FF60];
	v39 =	vsub.s32 $0x5F3759DF, v47;
	v36 =	vbroadcast v36, $0x0;
	v37 =	vsub.f32 $1.500000000e+00, v37  }
0x2d7: {  	v28 =	vsub.f32 v60, v61;
	v52 =	vmul.f32 v0, v4;
	v49 =	vmul.f32 v39, v24  }
0x2d8: {  	v50 =	vshrl.u32 v36, $0x1;
	v36 =	vmul.f32 $5.000000000e-01, v36;
	v34 =	vmul.f32 v34, v37  }
0x2d9: {  	[tilespmem:s1+$0xFFFFFF80] =	vst v35;
	v53 =	vmul.f32 v0, v6;
	v38 =	vmul.f32 v39, v49;
	v41 =	vsub.s32 $0x5F3759DF, v50  }
0x2da: {  	[tilespmem:s12+$0xFFFFFF90] =	vst v1;
	v1 =	vadd.f32 v21, v8;
	v51 =	vmul.f32 v41, v36;
	v2 =	vmul.f32 v34, v2  }
0x2db: {  	v0 =	vmul.f32 v0, v7;
	v5 =	vmul.f32 v46, v5;
	v38 =	vsub.f32 $1.500000000e+00, v38  }
0x2dc: {  	[tilespmem:s12+$0xFFFFFFB0] =	vst v1;
	v1 =	vadd.f32 v12, v10;
	v42 =	vmul.f32 v41, v51;
	v2 =	vmul.f32 v2, v34  }
0x2dd: {  	v28 =	vmul.f32 v52, v28;
	v5 =	vadd.f32 v5, v8;
	v38 =	vmul.f32 v39, v38  }
0x2de: {  	s19 =	sadd.s32 $0x200, s1;
	v32 =	vmul.f32 v53, v54;
	v55 =	vsub.f32 $1.500000000e+00, v42;
	v2 =	vsub.f32 $1.500000000e+00, v2  }
0x2df: {  	v0 =	vmul.f32 v0, v3;
	[tilespmem:s19+$0xB0] =	vst v5;
	v5 =	vadd.f32 v25, v17;
	v24 =	vmul.f32 v38, v24  }
0x2e0: {  	[tilespmem:s12+$0x10] =	vst v1;
	v1 =	vadd.f32 v18, v8;
	v25 =	vmul.f32 v41, v55;
	v2 =	vmul.f32 v2, v34  }
0x2e1: {  	v3 =	vadd.f32 v13, v17;
	[tilespmem:s12+$0xFFFFFFA0] =	vst v5;
	v5 =	vadd.f32 v11, v9;
	v21 =	vmul.f32 v24, v38  }
0x2e2: {  	[tilespmem:s1+$0xFFFFFF30] =	vst v48;
	v0 =	vadd.f32 v0, v17;
	v11 =	vmul.f32 v25, v36;
	v12 =	vmul.f32 v2, v4  }
0x2e3: {  	[tilespmem:s12+$0x0] =	vst v5;
	v5 =	vsub.f32 $1.500000000e+00, v21;
	v13 =	vmul.f32 v2, v6;
	v18 =	vmul.f32 v2, v7  }
0x2e4: {  	[tilespmem:s12+$0x30] =	vst v1;
	v1 =	vmul.f32 v2, v44;
	v2 =	vadd.f32 v32, v10;
	v11 =	vmul.f32 v11, v25  }
0x2e5: {  	[tilespmem:s12+$0x20] =	vst v3;
	v21 =	vadd.f32 v28, v9;
	v3 =	vmul.f32 v5, v38;
	v5 =	vmul.f32 v12, v29  }
0x2e6: {  	v13 =	vmul.f32 v13, v26;
	[tilespmem:s19+$0x90] =	vst v2;
	v2 =	vmul.f32 v18, v27;
	v11 =	vsub.f32 $1.500000000e+00, v11  }
0x2e7: {  	[tilespmem:s19+$0xA0] =	vst v0;
	v1 =	vmul.f32 v1, v22;
	v12 =	vmul.f32 v3, v4;
	v5 =	vadd.f32 v5, v9  }
0x2e8: {  	[tilespmem:s19+$0x80] =	vst v21;
	v18 =	vmul.f32 v3, v6;
	v2 =	vadd.f32 v2, v17;
	v11 =	vmul.f32 v11, v25  }
0x2e9: {  	v0 =	vmul.f32 v12, v23;
	[tilespmem:s19+$0xFFFFFF00] =	vst v5;
	v5 =	vadd.f32 v13, v10;
	v13 =	vmul.f32 v3, v7  }
0x2ea: {  	v1 =	vadd.f32 v1, v8;
	v12 =	vmul.f32 v18, v30;
	v3 =	vmul.f32 v3, v44;
	[tilespmem:s19+$0xFFFFFF20] =	vst v2  }
0x2eb: {  	v4 =	vmul.f32 v11, v4;
	v0 =	vadd.f32 v0, v9;
	[tilespmem:s19+$0xFFFFFF10] =	vst v5;
	v5 =	vmul.f32 v13, v31  }
0x2ec: {  	[tilespmem:s19+$0xFFFFFF30] =	vst v1;
	v2 =	vmul.f32 v11, v6;
	v1 =	vadd.f32 v12, v10;
	v3 =	vmul.f32 v3, v19  }
0x2ed: {  	v6 =	vmul.f32 v11, v7;
	v4 =	vmul.f32 v4, v16;
	[tilespmem:s19+$0xFFFFFF80] =	vst v0;
	v0 =	vadd.f32 v5, v17  }
0x2ee: {  	v2 =	vmul.f32 v2, v20;
	[tilespmem:s19+$0xFFFFFF90] =	vst v1;
	v5 =	vmul.f32 v11, v44;
	v1 =	vadd.f32 v3, v8  }
0x2ef: {  	v3 =	vmul.f32 v6, v14;
	[tilespmem:s19+$0xFFFFFFA0] =	vst v0;
	v0 =	vadd.f32 v4, v9  }
0x2f0: {  	v4 =	vmul.f32 v5, v15;
	[tilespmem:s19+$0xFFFFFFB0] =	vst v1;
	v1 =	vadd.f32 v2, v10  }
0x2f1: {  	s23 =	sshll.u32 s24, $0x7;
	[tilespmem:s19+$0x0] =	vst v0;
	v0 =	vadd.f32 v3, v17  }
0x2f2: {  	s7 =	sadd.s32 s16, s23;
	[tilespmem:s19+$0x10] =	vst v1;
	v1 =	vadd.f32 v4, v8  }
0x2f3: {  	s7 =	sshrl.u32 s7, $0x3;
	[tilespmem:s19+$0x20] =	vst v0  }
0x2f4: {  	s24 =	sadd.s32 s6, s7;
	[tilespmem:s19+$0x30] =	vst v1  }
0x2f5: {  	[hbm4b:s24+s25] =	stream.strided.scatter [tilespmem:s3], [sflag:$0x9], $0x4000, s2, s25, $0x38;
	[tilespmem:$0x13480] =	vst v63  }
0x2f6: {  	s1 =	rddreg [dreg:$0xc]  }
0x2f7: {  	s1 =	sadd.s32 @!p0 s1, s28  }
0x2f8: {  	s1 =	sshrl.u32 @!p0 s1, $0x3  }
0x2f9: {  	s8 =	simm.s32 @!p0 $0x3380;
	s7 =	simm.s32 @!p0 $0x0;
	s1 =	sadd.s32 @!p0 s0, s1  }
0x2fa: {  	[tilespmem:s8], [sflag:$0x3] =	stream.linear.gather @!p0 [hbm4b:s1+s7], $0x80, $0x38;
	[tilespmem:$0x13480] =	vst v63  }
0x2fb: {  	s1 =	simm.s32 @!p0 $0x2  }
0x2fc: {  	_ =	swait.ge @!p0 [sflag:s1], $0x80  }
0x2fd: {  	s7 =	simm.s32 @!p0 $0x3300;
	[sflag:s1] =	ssyncset.done @!p0 $0x0  }
0x2fe: {  	s8 =	simm.s32 @!p0 $0x5480;
	[sflag:s1] =	ssyncadd.s32 @!p0 $0xFFFFFF80;
	s1 =	simm.s32 @!p0 $0x80  }
0x2ff: {  	[tilespmem:s8], [sflag:$0x6] =	stream.indirect.gather @!p0 [hbm4b:s9+s1], $0x40, s7, s1, $0xb8;
	[tilespmem:$0x13480] =	vst v63  }
0x300: {  	_ =	swait.ge [sflag:s22], $0x4000  }
0x301: {  	[sflag:s22] =	ssyncset.done $0x0  }
0x302: {  	[sflag:s22] =	ssyncadd.s32 $0xFFFFC000  }
0x303: {  	_ =	swait.ge [sflag:s11], $0x2000  }
0x304: {  	[sflag:s11] =	ssyncset.done $0x0  }
0x305: {  	s7 =	simm.s32 $0x9500;
	[sflag:s11] =	ssyncadd.s32 $0xFFFFE000  }
0x306: {  	v8 =	vld [tilespmem:s7+$0x40]  }
0x307: {  	v17 =	vld [tilespmem:s7+$0x50]  }
0x308: {  	v10 =	vld [tilespmem:s7+$0x60]  }
0x309: {  	v4 =	vld [tilespmem:s7+$0x70];
	_ =	sdelay $0x3  }
0x30a: {  	v0 =	vmul.f32 v8, v8;
	v1 =	vmul.f32 v17, v17  }
0x30b: {  	v2 =	vmul.f32 v10, v10;
	v3 =	vmul.f32 v4, v4  }
0x30c: {  	v5 =	vadd.f32 v17, v8;
	v6 =	vadd.f32 v4, v10  }
0x30d: {  	v0 =	vadd.f32 v1, v0;
	v1 =	vadd.f32 v3, v2  }
0x30e: {  	v2 =	vadd.f32 v6, v5  }
0x30f: {  	v7 =	vld [tilespmem:s7+$0xFFFFFFB0];
	v0 =	vadd.f32 v1, v0  }
0x310: {  	v11 =	vld [tilespmem:s7+$0xFFFFFFC0];
	(xrf2) =	vadd.scan.msk.f32 $0xffff, v2  }
0x311: {  	v12 =	vld [tilespmem:s7+$0xFFFFFFD0];
	(xrf2) =	vadd.scan.msk.f32 $0xffff, v0  }
0x312: {  	v13 =	vld [tilespmem:s7+$0xFFFFFFE0]  }
0x313: {  	v14 =	vld [tilespmem:s7+$0xFFFFFFF0]  }
0x314: {  	v15 =	vld [tilespmem:s7+$0xFFFFFF80]  }
0x315: {  	v6 =	vld [tilespmem:s7+$0xFFFFFFA0]  }
0x316: {  	v5 =	vld [tilespmem:s7+$0xFFFFFF90]  }
0x317: {  	v18 =	vld [tilespmem:s7+$0x0]  }
0x318: {  	v20 =	vld [tilespmem:s7+$0x20]  }
0x319: {  	v9 =	vld [tilespmem:s7+$0x30]  }
0x31a: {  	v19 =	vld [tilespmem:s7+$0x10];
	v1 =	vadd.f32 v7, v6;
	v0, _, _ =	vpop (xrf2)  }
0x31b: {  	v2 =	vadd.f32 v5, v15;
	(v2sf) =	vpush v0, $0xF;
	v0, _, _ =	vpop (xrf2)  }
0x31c: {  	v3 =	vadd.f32 v14, v13;
	(v2sf) =	vpush v0, $0xF  }
0x31d: {  	v1 =	vadd.f32 v1, v2;
	v0 =	vadd.f32 v12, v11  }
0x31e: {  	v16 =	vadd.f32 v9, v20  }
0x31f: {  	v2 =	vadd.f32 v19, v18;
	(xrf2) =	vadd.scan.msk.f32 $0xffff, v1;
	v0 =	vadd.f32 v3, v0  }
0x320: {  	v22 =	vmul.f32 v15, v15;
	v21 =	vmul.f32 v5, v5  }
0x321: {  	v2 =	vadd.f32 v16, v2;
	v1 =	vmul.f32 v6, v6;
	v3 =	vmul.f32 v7, v7;
	(xrf2) =	vadd.scan.msk.f32 $0xffff, v0;
	_ =	sdelay $0x1  }
0x322: {  	v21 =	vadd.f32 v21, v22;
	v0 =	vadd.f32 v3, v1;
	(xrf2) =	vadd.scan.msk.f32 $0xffff, v2  }
0x323: {  	v23 =	vmul.f32 v14, v14;
	v16 =	vmul.f32 v13, v13  }
0x324: {  	v1 =	vmul.f32 v11, v11;
	v3 =	vmul.f32 v12, v12;
	v0 =	vadd.f32 v0, v21;
	_ =	sdelay $0x1  }
0x325: {  	v2 =	vadd.f32 v23, v16;
	v1 =	vadd.f32 v3, v1;
	_ =	sdelay $0x1  }
0x326: {  	v1 =	vadd.f32 v2, v1;
	(xrf2) =	vadd.scan.msk.f32 $0xffff, v0;
	v2 =	vmul.f32 v19, v19;
	v0, _, _ =	vpop (xrf2)  }
0x327: {  	v3 =	vmul.f32 v9, v9;
	(v2sf) =	vpush v0, $0xF;
	s8 =	spop (v2sf)  }
0x328: {  	(xrf2) =	vadd.scan.msk.f32 $0xffff, v1;
	v1 =	vmul.f32 v18, v18;
	v0 =	vmul.f32 v20, v20;
	s1 =	smul.f32 $1.562500000e-02, s8;
	v16, _, _ =	vpop (xrf2);
	s12 =	spop (v2sf)  }
0x329: {  	(v2sf) =	vpush v16, $0xF;
	s7 =	smul.f32 $1.562500000e-02, s12  }
0x32a: {  	v1 =	vadd.f32 v2, v1;
	v0 =	vadd.f32 v3, v0;
	v2, _, _ =	vpop (xrf2);
	s13 =	smul.f32 s1, s1  }
0x32b: {  	(v2sf) =	vpush v2, $0xF  }
0x32c: {  	v0 =	vadd.f32 v0, v1;
	s7 =	ssub.f32 s7, s13;
	_ =	sdelay $0x1  }
0x32d: {  	(xrf2) =	vadd.scan.msk.f32 $0xffff, v0;
	v1 =	vmov s7  }
0x32e: {  	v1 =	vadd.f32 $9.999999740e-06, v1;
	_ =	sdelay $0x1  }
0x32f: {  	v0, _, _ =	vpop (xrf2);
	v1 =	vbroadcast v1, $0x0  }
0x330: {  	(v2sf) =	vpush v0, $0xF;
	v0, _, _ =	vpop (xrf2)  }
0x331: {  	s7 =	simm.s32 $0x9600;
	(v2sf) =	vpush v0, $0xF;
	v0 =	vshrl.u32 v1, $0x1;
	v16 =	vmul.f32 $5.000000000e-01, v1  }
0x332: {  	v60 =	vld [tilespmem:s7+$0x40];
	v21 =	vsub.s32 $0x5F3759DF, v0  }
0x333: {  	v58 =	vld [tilespmem:s7+$0x50];
	v1 =	vmul.f32 v21, v16  }
0x334: {  	s14 =	spop (v2sf)  }
0x335: {  	v38 =	vmov s1;
	s8 =	smul.f32 $1.562500000e-02, s14;
	v3 =	vmul.f32 v21, v1  }
0x336: {  	v4 =	vsub.f32 v4, v38;
	v17 =	vsub.f32 v17, v38;
	v22, _, _ =	vpop (xrf2);
	s15 =	spop (v2sf)  }
0x337: {  	(v2sf) =	vpush v22, $0xF;
	v22 =	vmov s8;
	v23 =	vsub.f32 $1.500000000e+00, v3;
	s12 =	smul.f32 $1.562500000e-02, s15;
	v3 =	vld [tilespmem:s7+$0x60]  }
0x338: {  	v24 =	vadd.f32 v58, v60;
	v27 =	vsub.f32 v5, v22;
	s18 =	spop (v2sf);
	v5 =	vld [tilespmem:s7+$0x70]  }
0x339: {  	v26 =	vld [tilespmem:s7+$0xFFFFFF90];
	v34 =	vsub.f32 v15, v22;
	v29 =	vsub.f32 v6, v22;
	s13 =	smul.f32 $1.562500000e-02, s18;
	v6 =	vmov s12  }
0x33a: {  	v31 =	vld [tilespmem:s7+$0xFFFFFFC0];
	v21 =	vmul.f32 v21, v23;
	v23 =	vsub.f32 v7, v22;
	v30 =	vsub.f32 v11, v6  }
0x33b: {  	v32 =	vld [tilespmem:s7+$0xFFFFFFD0];
	v15 =	vsub.f32 v12, v6;
	v14 =	vsub.f32 v14, v6;
	v36 =	vmov s13  }
0x33c: {  	v35 =	vld [tilespmem:s7+$0xFFFFFF80];
	v7 =	vmul.f32 v21, v16;
	v11 =	vsub.f32 v18, v36;
	v18 =	vmul.f32 v58, v58  }
0x33d: {  	v33 =	vld [tilespmem:s7+$0xFFFFFFB0];
	v28 =	vmul.f32 v3, v3;
	v56 =	vmul.f32 v5, v5;
	v57 =	vadd.f32 v5, v3  }
0x33e: {  	v25 =	vld [tilespmem:s7+$0xFFFFFFF0];
	v16 =	vsub.f32 v13, v6;
	v6 =	vmul.f32 v7, v21;
	v7 =	vmul.f32 v60, v60  }
0x33f: {  	v22 =	vld [tilespmem:s7+$0xFFFFFFA0];
	v12 =	vsub.f32 v19, v36;
	v59 =	vadd.f32 v57, v24  }
0x340: {  	s8 =	smul.f32 s8, s8;
	v19 =	vld [tilespmem:s7+$0xFFFFFFE0];
	v7 =	vadd.f32 v18, v7;
	v18 =	vadd.f32 v56, v28  }
0x341: {  	v0 =	vld [tilespmem:$0x3230];
	v41 =	vmul.f32 v26, v26;
	v43 =	vadd.f32 v32, v31;
	v54 =	vmul.f32 v35, v35;
	s12 =	smul.f32 s12, s12;
	s19 =	spop (v2sf)  }
0x342: {  	s14 =	smul.f32 $1.562500000e-02, s19;
	s23 =	spop (v2sf);
	v6 =	vsub.f32 $1.500000000e+00, v6;
	(xrf2) =	vadd.scan.msk.f32 $0xffff, v59;
	v7 =	vadd.f32 v18, v7  }
0x343: {  	v45 =	vmul.f32 v31, v31;
	v46 =	vmul.f32 v32, v32;
	v41 =	vadd.f32 v41, v54;
	s24 =	smul.f32 $1.562500000e-02, s23  }
0x344: {  	v13 =	vsub.f32 v20, v36;
	v20 =	vld [tilespmem:s7+$0x0];
	s8 =	ssub.f32 s14, s8;
	v40 =	vadd.f32 v33, v22;
	v37 =	vmul.f32 v6, v21;
	(xrf2) =	vadd.scan.msk.f32 $0xffff, v7  }
0x345: {  	v24 =	vld [tilespmem:s7+$0x20];
	v62 =	vmul.f32 v22, v22;
	v57 =	vmul.f32 v25, v25;
	s28 =	ssub.f32 s24, s12;
	v44 =	vadd.f32 v25, v19  }
0x346: {  	v28 =	vmov s8;
	v63 =	vmul.f32 v19, v19;
	v21 =	vld [tilespmem:s7+$0x10];
	v61 =	vmul.f32 v37, v0  }
0x347: {  	v6 =	vadd.f32 $9.999999740e-06, v28;
	v18 =	vmov s28;
	v28 =	vld [tilespmem:s7+$0x30];
	v43 =	vadd.f32 v44, v43  }
0x348: {  	v44 =	vadd.f32 v46, v45;
	v39 =	vmul.f32 v61, v4;
	v4 =	vadd.f32 v26, v35  }
0x349: {  	s8 =	smul.f32 s13, s13;
	v42 =	vadd.f32 v57, v63;
	v7 =	vmul.f32 v33, v33;
	v6 =	vbroadcast v6, $0x0;
	s12 =	spop (v2sf)  }
0x34a: {  	v18 =	vadd.f32 $9.999999740e-06, v18;
	s7 =	smul.f32 $1.562500000e-02, s12;
	v40 =	vadd.f32 v40, v4  }
0x34b: {  	v7 =	vadd.f32 v7, v62;
	v61 =	vmul.f32 v20, v20;
	v57 =	vshrl.u32 v6, $0x1  }
0x34c: {  	v48 =	vmul.f32 $5.000000000e-01, v6;
	v59 =	vadd.f32 v21, v20;
	v51 =	vadd.f32 v28, v24;
	s1 =	ssub.f32 s7, s8;
	(xrf2) =	vadd.scan.msk.f32 $0xffff, v40;
	v56, _, _ =	vpop (xrf2)  }
0x34d: {  	v62 =	vmul.f32 v21, v21;
	v46 =	vsub.s32 $0x5F3759DF, v57;
	(v2sf) =	vpush v56, $0xF  }
0x34e: {  	v47 =	vmul.f32 v46, v48;
	v55 =	vadd.f32 v51, v59;
	v63 =	vmov s1;
	v6, _, _ =	vpop (xrf2)  }
0x34f: {  	(xrf2) =	vadd.scan.msk.f32 $0xffff, v43;
	(v2sf) =	vpush v6, $0xF;
	v6 =	vbroadcast v18, $0x0;
	v18 =	vadd.f32 $9.999999740e-06, v63  }
0x350: {  	v52 =	vmul.f32 v24, v24;
	v59 =	vadd.f32 v62, v61;
	v62 =	vmul.f32 v46, v47  }
0x351: {  	v53 =	vmul.f32 v28, v28;
	v41 =	vadd.f32 v7, v41;
	(xrf2) =	vadd.scan.msk.f32 $0xffff, v55;
	v18 =	vbroadcast v18, $0x0  }
0x352: {  	v40 =	vsub.f32 $1.500000000e+00, v62;
	v61 =	vshrl.u32 v6, $0x1;
	v50 =	vmul.f32 $5.000000000e-01, v6  }
0x353: {  	v1 =	vld [tilespmem:$0x3200];
	v47 =	vsub.s32 $0x5F3759DF, v61;
	v63 =	vshrl.u32 v18, $0x1;
	v54 =	vmul.f32 $5.000000000e-01, v18  }
0x354: {  	v52 =	vadd.f32 v53, v52;
	(xrf2) =	vadd.scan.msk.f32 $0xffff, v41;
	v49 =	vmul.f32 v47, v50;
	v51 =	vsub.s32 $0x5F3759DF, v63  }
0x355: {  	v2 =	vld [tilespmem:$0x3210];
	v57 =	vadd.f32 v42, v44;
	v40 =	vmul.f32 v46, v40;
	v56 =	vmul.f32 v51, v54  }
0x356: {  	s13 =	sshll.u32 s10, $0x6;
	v59 =	vadd.f32 v52, v59;
	v18 =	vsub.f32 v9, v36;
	v61, _, _ =	vpop (xrf2);
	v9 =	vmul.f32 v47, v49  }
0x357: {  	v4 =	vld [tilespmem:$0x3220];
	s1 =	sand.u32 $0x3FFFFFC0, s13;
	v48 =	vmul.f32 v40, v48;
	(v2sf) =	vpush v61, $0xF;
	v36 =	vmul.f32 v51, v56  }
0x358: {  	v45 =	vmul.f32 v37, v1;
	v62 =	vsub.f32 v8, v38;
	v8 =	vld [tilespmem:s1+$0x30];
	v9 =	vsub.f32 $1.500000000e+00, v9  }
0x359: {  	v38 =	vsub.f32 v10, v38;
	v10 =	vld [tilespmem:s1+$0x10];
	v41 =	vmul.f32 v48, v40;
	v49, _, _ =	vpop (xrf2);
	v36 =	vsub.f32 $1.500000000e+00, v36  }
0x35a: {  	v63 =	vmul.f32 v37, v2;
	(v2sf) =	vpush v49, $0xF;
	v47 =	vmul.f32 v47, v9  }
0x35b: {  	v43 =	vmul.f32 v45, v62;
	(xrf2) =	vadd.scan.msk.f32 $0xffff, v57;
	v41 =	vsub.f32 $1.500000000e+00, v41;
	v52, _, _ =	vpop (xrf2);
	v36 =	vmul.f32 v51, v36  }
0x35c: {  	v17 =	vmul.f32 v63, v17;
	v9 =	vld [tilespmem:s1+$0x0];
	(v2sf) =	vpush v52, $0xF;
	v50 =	vmul.f32 v47, v50;
	s14 =	spop (v2sf)  }
0x35d: {  	v45 =	vadd.f32 v39, v8;
	v37 =	vmul.f32 v37, v4;
	(xrf2) =	vadd.scan.msk.f32 $0xffff, v59;
	s7 =	smul.f32 $1.562500000e-02, s14;
	v53 =	vmul.f32 v36, v54  }
0x35e: {  	v63 =	vadd.f32 v17, v10;
	v17 =	vld [tilespmem:s1+$0x20];
	v55, _, _ =	vpop (xrf2);
	v42 =	vmul.f32 v50, v47;
	v54 =	vmul.f32 v41, v40  }
0x35f: {  	v48 =	vmul.f32 v37, v38;
	(v2sf) =	vpush v55, $0xF;
	s15 =	spop (v2sf);
	s18 =	smul.f32 s7, s7;
	v57 =	vmul.f32 v53, v36  }
0x360: {  	s8 =	smul.f32 $1.562500000e-02, s15;
	v56 =	vsub.f32 $1.500000000e+00, v42;
	v59 =	vmul.f32 v54, v1;
	v42 =	vmul.f32 v54, v2  }
0x361: {  	v43 =	vadd.f32 v43, v9;
	v61 =	vmul.f32 v54, v4;
	v51 =	vmul.f32 v54, v0  }
0x362: {  	v39 =	vmul.f32 v56, v47;
	v40 =	vsub.f32 $1.500000000e+00, v57;
	s8 =	ssub.f32 s8, s18;
	v34 =	vmul.f32 v59, v34  }
0x363: {  	v42 =	vmul.f32 v42, v27;
	v47 =	vmul.f32 v61, v29;
	v61 =	vadd.f32 v48, v17  }
0x364: {  	v48 =	vmul.f32 v51, v23;
	v53 =	vmul.f32 v39, v1;
	v55 =	vmov s8  }
0x365: {  	[tilespmem:$0x1FF00] =	vst v1;
	v62, _, _ =	vpop (xrf2);
	v40 =	vmul.f32 v40, v36;
	v41 =	vmul.f32 v39, v2;
	v56 =	vadd.f32 $9.999999740e-06, v55  }
0x366: {  	[tilespmem:$0x1FF10] =	vst v2;
	(v2sf) =	vpush v62, $0xF;
	v38 =	vmul.f32 v39, v4;
	v37 =	vmul.f32 v39, v0;
	s19 =	spop (v2sf)  }
0x367: {  	[tilespmem:$0x1FF30] =	vst v0;
	v57, _, _ =	vpop (xrf2);
	v34 =	vadd.f32 v34, v9;
	v39 =	vmul.f32 v40, v1;
	s23 =	smul.f32 $1.562500000e-02, s19;
	v59 =	vbroadcast v56, $0x0  }
0x368: {  	[tilespmem:$0x1FF20] =	vst v4;
	s1 =	simm.s32 $0xF580;
	(v2sf) =	vpush v57, $0xF;
	v46 =	vmul.f32 v40, v2;
	v36 =	vmul.f32 v40, v4  }
0x369: {  	[tilespmem:s1+$0xB0] =	vst v45;
	v62 =	vmov s23;
	s24 =	spop (v2sf);
	v27 =	vshrl.u32 v59, $0x1;
	v49 =	vmul.f32 $5.000000000e-01, v59  }
0x36a: {  	[tilespmem:s1+$0x90] =	vst v63;
	v40 =	vmul.f32 v40, v0;
	v29 =	vsub.f32 v35, v62;
	s12 =	smul.f32 $1.562500000e-02, s24;
	v50 =	vsub.s32 $0x5F3759DF, v27  }
0x36b: {  	[tilespmem:s1+$0x80] =	vst v43;
	s14 =	smul.f32 s23, s23;
	v26 =	vsub.f32 v26, v62;
	s28 =	spop (v2sf);
	v35 =	vmul.f32 v53, v30;
	v63 =	vmul.f32 v50, v49  }
0x36c: {  	s18 =	simm.s32 $0x4;
	[tilespmem:s1+$0xA0] =	vst v61;
	v27 =	vsub.f32 v22, v62;
	v22 =	vsub.f32 v33, v62;
	s15 =	smul.f32 $1.562500000e-02, s28;
	v43 =	vmov s12  }
0x36d: {  	[tilespmem:s1+$0xFFFFFF00] =	vst v34;
	s19 =	simm.s32 $0x9700;
	s13 =	smul.f32 s12, s12;
	s12 =	simm.s32 $0xF580;
	v23 =	vsub.f32 v31, v43;
	v30 =	vsub.f32 v32, v43;
	v31 =	vmul.f32 v50, v63  }
.LBB2_11:
0x36e: {  	v19 =	vsub.f32 v19, v43;
	v41 =	vmul.f32 v41, v15  }
0x36f: {  	v45 =	vld [tilespmem:s19+$0x40];
	v25 =	vsub.f32 v25, v43;
	v38 =	vmul.f32 v38, v16;
	v37 =	vmul.f32 v37, v14  }
0x370: {  	v44 =	vld [tilespmem:s19+$0x50];
	v34 =	vadd.f32 v47, v17;
	v32 =	vmov s15;
	v31 =	vsub.f32 $1.500000000e+00, v31  }
0x371: {  	v43 =	vld [tilespmem:s19+$0x60];
	v36 =	vmul.f32 v36, v13;
	v40 =	vmul.f32 v40, v18;
	v20 =	vsub.f32 v20, v32  }
0x372: {  	v51 =	vld [tilespmem:s19+$0x70];
	v16 =	vmovc v19;
	v19 =	vsub.f32 v24, v32;
	v24 =	vsub.f32 v28, v32;
	v28 =	vmul.f32 v50, v31  }
0x373: {  	v33 =	vld [tilespmem:s19+$0xFFFFFFC0];
	v15 =	vmovc v30;
	v14 =	vmov v25;
	v25 =	vadd.f32 v42, v10;
	v42 =	vmul.f32 v39, v11;
	s8 =	spop (v2sf)  }
0x374: {  	v30 =	vld [tilespmem:s19+$0xFFFFFF90];
	v21 =	vsub.f32 v21, v32;
	v39 =	vmul.f32 v46, v12;
	v11 =	vmovc v20;
	v20 =	vmul.f32 v28, v49;
	s8 =	smul.f32 $1.562500000e-02, s8  }
0x375: {  	v32 =	vld [tilespmem:s19+$0xFFFFFFB0];
	v41 =	vadd.f32 v41, v10;
	v38 =	vadd.f32 v38, v17;
	v50 =	vmov s7  }
0x376: {  	v31 =	vld [tilespmem:s19+$0xFFFFFFA0];
	[tilespmem:s1+$0xFFFFFF10] =	vst v25;
	v25 =	vadd.f32 v48, v8;
	v55 =	vsub.f32 v5, v50;
	v20 =	vmul.f32 v20, v28;
	s8 =	ssub.f32 s8, s14  }
0x377: {  	v4 =	vld [tilespmem:$0x1FF30];
	v18 =	vmovc v24;
	v24 =	vadd.f32 v44, v45;
	v61 =	vadd.f32 v51, v43;
	v62 =	vmul.f32 v45, v45  }
0x378: {  	[tilespmem:s1+$0xFFFFFF20] =	vst v34;
	v34 =	vld [tilespmem:s19+$0xFFFFFFD0];
	v12 =	vmovc v21;
	v63 =	vmul.f32 v44, v44;
	v57 =	vsub.f32 $1.500000000e+00, v20;
	v21 =	vmov s8  }
0x379: {  	v13 =	vmovc v19;
	v19 =	vld [tilespmem:s19+$0xFFFFFFE0];
	v59 =	vmul.f32 v43, v43;
	v52 =	vmul.f32 v51, v51;
	v46 =	vadd.f32 $9.999999740e-06, v21  }
0x37a: {  	v20 =	vld [tilespmem:s19+$0x0];
	v49 =	vmul.f32 v57, v28;
	v21 =	vadd.f32 v35, v9;
	v35 =	vadd.f32 v61, v24  }
0x37b: {  	v47 =	vadd.f32 v63, v62;
	v28 =	vld [tilespmem:s19+$0x30];
	v61 =	vadd.f32 v52, v59  }
0x37c: {  	v6 =	vmovc v3;
	[tilespmem:s1+$0xFFFFFF30] =	vst v25;
	v62 =	vmul.f32 v32, v32;
	s28 =	spop (v2sf);
	v56 =	vmul.f32 v49, v4;
	v24 =	vld [tilespmem:s19+$0x20];
	(xrf2) =	vadd.scan.msk.f32 $0xffff, v35  }
0x37d: {  	v3 =	vmovc v58;
	v54 =	vadd.f32 v32, v31;
	v57 =	vmul.f32 v31, v31;
	s14 =	smul.f32 $1.562500000e-02, s28;
	v47 =	vadd.f32 v61, v47;
	v35 =	vld [tilespmem:s19+$0xFFFFFF80]  }
0x37e: {  	v48 =	vadd.f32 v34, v33;
	v58 =	vmul.f32 v34, v34;
	v55 =	vmul.f32 v56, v55;
	[tilespmem:s1+$0xFFFFFF80] =	vst v21;
	v21 =	vld [tilespmem:s19+$0x10]  }
0x37f: {  	v56 =	vadd.f32 v62, v57;
	v57 =	vmul.f32 v33, v33;
	s23 =	ssub.f32 s14, s13;
	v52 =	vmul.f32 v30, v30;
	v25 =	vld [tilespmem:s19+$0xFFFFFFF0];
	(xrf2) =	vadd.scan.msk.f32 $0xffff, v47  }
0x380: {  	v1 =	vmul.f32 v28, v28;
	v55 =	vadd.f32 v55, v8;
	v61 =	vmul.f32 v20, v20  }
0x381: {  	v53 =	vmov s23;
	s1 =	sadd.s32 $0x200, s1;
	v46 =	vbroadcast v46, $0x0;
	v0 =	vmul.f32 v24, v24  }
0x382: {  	[tilespmem:s1+$0xB0] =	vst v55;
	v47 =	vmul.f32 v19, v19;
	v63 =	vadd.f32 v28, v24;
	v55 =	vadd.f32 v30, v35  }
0x383: {  	s15 =	smul.f32 s15, s15;
	v5 =	vmovc v60;
	s24 =	spop (v2sf);
	v60 =	vadd.f32 v21, v20;
	v2 =	vmul.f32 v35, v35;
	v0 =	vadd.f32 v1, v0  }
0x384: {  	v7 =	vmovc v51;
	s13 =	smul.f32 $1.562500000e-02, s24;
	v62 =	vmul.f32 v21, v21;
	v51 =	vadd.f32 v25, v19;
	v54 =	vadd.f32 v54, v55  }
0x385: {  	v1 =	vshrl.u32 v46, $0x1;
	v2 =	vadd.f32 v52, v2;
	v52 =	vadd.f32 v63, v60  }
0x386: {  	s28 =	ssub.f32 s13, s15;
	v59 =	vmul.f32 v25, v25;
	v48 =	vadd.f32 v51, v48;
	v51 =	vadd.f32 v58, v57;
	v58, _, _ =	vpop (xrf2);
	(xrf2) =	vadd.scan.msk.f32 $0xffff, v54  }
0x387: {  	v46 =	vmul.f32 $5.000000000e-01, v46;
	v55 =	vadd.f32 v62, v61;
	v61 =	vld [tilespmem:$0x1FF00];
	v63 =	vadd.f32 $9.999999740e-06, v53  }
0x388: {  	v47 =	vadd.f32 v59, v47;
	v57 =	vmov s28;
	v2 =	vadd.f32 v56, v2  }
0x389: {  	v1 =	vsub.s32 $0x5F3759DF, v1;
	v57 =	vadd.f32 $9.999999740e-06, v57;
	(v2sf) =	vpush v58, $0xF;
	v56, _, _ =	vpop (xrf2)  }
0x38a: {  	v54 =	vsub.f32 v5, v50;
	v5 =	vmovc v7;
	v7 =	vld [tilespmem:$0x1FF10];
	v58 =	vmul.f32 v1, v46;
	(xrf2) =	vadd.scan.msk.f32 $0xffff, v48;
	(v2sf) =	vpush v56, $0xF  }
0x38b: {  	v47 =	vadd.f32 v47, v51;
	v51 =	vbroadcast v57, $0x0;
	v48 =	vbroadcast v63, $0x0  }
0x38c: {  	v0 =	vadd.f32 v0, v55;
	v59 =	vmul.f32 v49, v61;
	(xrf2) =	vadd.scan.msk.f32 $0xffff, v52;
	v52 =	vmul.f32 v1, v58  }
0x38d: {  	v63 =	vshrl.u32 v51, $0x1;
	v62 =	vshrl.u32 v48, $0x1;
	v48 =	vmul.f32 $5.000000000e-01, v48  }
0x38e: {  	v60 =	vmovc v45;
	v51 =	vmul.f32 $5.000000000e-01, v51;
	v45 =	vsub.s32 $0x5F3759DF, v62;
	v52 =	vsub.f32 $1.500000000e+00, v52  }
0x38f: {  	v56 =	vsub.s32 $0x5F3759DF, v63;
	v55 =	vmul.f32 v49, v7;
	v53 =	vmul.f32 v45, v48  }
0x390: {  	v57 =	vsub.f32 v3, v50;
	v63 =	vmul.f32 v56, v51;
	v1 =	vmul.f32 v1, v52;
	v3, _, _ =	vpop (xrf2)  }
0x391: {  	(xrf2) =	vadd.scan.msk.f32 $0xffff, v2;
	v52 =	vmul.f32 v59, v54;
	v2 =	vmul.f32 v45, v53;
	(v2sf) =	vpush v3, $0xF  }
0x392: {  	v37 =	vadd.f32 v37, v8;
	v62 =	vld [tilespmem:$0x1FF20];
	v58 =	vmovc v44;
	v44 =	vmul.f32 v56, v63;
	v54 =	vmul.f32 v1, v46  }
0x393: {  	v36 =	vadd.f32 v36, v17;
	v2 =	vsub.f32 $1.500000000e+00, v2  }
0x394: {  	v46 =	vmul.f32 v55, v57;
	v44 =	vsub.f32 $1.500000000e+00, v44;
	v57 =	vmul.f32 v54, v1;
	v55, _, _ =	vpop (xrf2)  }
0x395: {  	v42 =	vadd.f32 v42, v9;
	[tilespmem:s12+$0xFFFFFF90] =	vst v41;
	v2 =	vmul.f32 v45, v2;
	(v2sf) =	vpush v55, $0xF  }
0x396: {  	v50 =	vsub.f32 v6, v50;
	(xrf2) =	vadd.scan.msk.f32 $0xffff, v47;
	v59 =	vmul.f32 v56, v44;
	v63, _, _ =	vpop (xrf2);
	v41 =	vsub.f32 $1.500000000e+00, v57  }
0x397: {  	v49 =	vmul.f32 v49, v62;
	(xrf2) =	vadd.scan.msk.f32 $0xffff, v0;
	v0 =	vmul.f32 v2, v48;
	(v2sf) =	vpush v63, $0xF  }
0x398: {  	v44 =	vadd.f32 v39, v10;
	v47 =	vmul.f32 v59, v51;
	v1 =	vmul.f32 v41, v1;
	s13 =	spop (v2sf)  }
0x399: {  	v45 =	vmul.f32 v49, v50;
	v50 =	vadd.f32 v52, v9;
	v0 =	vmul.f32 v0, v2;
	s7 =	smul.f32 $1.562500000e-02, s13;
	s14 =	spop (v2sf)  }
0x39a: {  	v55 =	vadd.f32 v46, v10;
	v39 =	vmul.f32 v47, v59;
	v51 =	vmul.f32 v1, v61;
	s8 =	smul.f32 $1.562500000e-02, s14  }
0x39b: {  	v52 =	vmul.f32 v1, v7;
	v53 =	vmul.f32 v1, v62;
	v0 =	vsub.f32 $1.500000000e+00, v0;
	s15 =	smul.f32 s7, s7  }
0x39c: {  	v48 =	vadd.f32 v40, v8;
	v1 =	vmul.f32 v1, v4;
	v29 =	vmul.f32 v51, v29  }
0x39d: {  	[tilespmem:s12+$0x0] =	vst v42;
	v49, _, _ =	vpop (xrf2);
	v42 =	vmul.f32 v52, v26;
	v0 =	vmul.f32 v0, v2;
	v2 =	vsub.f32 $1.500000000e+00, v39;
	s8 =	ssub.f32 s8, s15  }
0x39e: {  	[tilespmem:s12+$0x30] =	vst v48;
	(v2sf) =	vpush v49, $0xF;
	v47 =	vmul.f32 v53, v27;
	v48 =	vmul.f32 v1, v22  }
0x39f: {  	v56 =	vmul.f32 v0, v61;
	v2 =	vmul.f32 v2, v59;
	v6 =	vmov s8  }
0x3a0: {  	[tilespmem:s12+$0xFFFFFFA0] =	vst v38;
	v54, _, _ =	vpop (xrf2);
	v41 =	vmul.f32 v0, v7;
	v38 =	vmul.f32 v0, v62;
	v57 =	vadd.f32 $9.999999740e-06, v6;
	s23 =	spop (v2sf)  }
0x3a1: {  	[tilespmem:s12+$0xFFFFFFB0] =	vst v37;
	(v2sf) =	vpush v54, $0xF;
	v37 =	vmul.f32 v0, v4;
	v39 =	vmul.f32 v2, v61;
	s8 =	smul.f32 $1.562500000e-02, s23  }
0x3a2: {  	s18 =	sadd.s32 $0x4, s18;
	[tilespmem:s12+$0x20] =	vst v36;
	v29 =	vadd.f32 v29, v9;
	v46 =	vmul.f32 v2, v7;
	v0 =	vbroadcast v57, $0x0  }
0x3a3: {  	p0 =	slt.u32 s18, $0x7C;
	[tilespmem:s12+$0x10] =	vst v44;
	v36 =	vmul.f32 v2, v62;
	v40 =	vmul.f32 v2, v4;
	v2 =	vadd.f32 v45, v17;
	s14 =	smul.f32 s8, s8  }
.Ltmp4:
0x3a4: {  	[tilespmem:s1+$0x80] =	vst v50;
	v59, _, _ =	vpop (xrf2);
	v27 =	vshrl.u32 v0, $0x1;
	v49 =	vmul.f32 $5.000000000e-01, v0;
	s24 =	spop (v2sf);
	v63 =	vmov s8;
	(pc) =	sbr.rel @p0 .LBB2_11-.Ltmp4, $4  }
0x3a5: {  	[tilespmem:s1+$0xFFFFFF00] =	vst v29;
	(v2sf) =	vpush v59, $0xF;
	s8 =	smul.f32 $1.562500000e-02, s24;
	v50 =	vsub.s32 $0x5F3759DF, v27;
	v29 =	vsub.f32 v35, v63  }
0x3a6: {  	[tilespmem:s1+$0xA0] =	vst v2;
	s28 =	spop (v2sf);
	v26 =	vsub.f32 v30, v63;
	v0 =	vsub.f32 v32, v63;
	v2 =	vmul.f32 v50, v49  }
0x3a7: {  	v3 =	vmovc v43;
	[tilespmem:s1+$0x90] =	vst v55;
	v27 =	vsub.f32 v31, v63;
	v35 =	vmul.f32 v56, v23;
	s15 =	smul.f32 $1.562500000e-02, s28;
	v43 =	vmov s8  }
0x3a8: {  	s19 =	sadd.s32 $0x100, s19;
	s12 =	smov.u32 s1;
	s13 =	smul.f32 s8, s8;
	v23 =	vsub.f32 v33, v43;
	v30 =	vsub.f32 v34, v43;
	v31 =	vmul.f32 v50, v2;
	v22 =	vmovc v0  }
0x3a9: {  	_ =	sdelay $0x3  }
0x3aa: {  	s8 =	spop (v2sf)  }
0x3ab: {  	v1 =	vmul.f32 v41, v15;
	v2 =	vmov s15;
	v0 =	vsub.f32 $1.500000000e+00, v31;
	s8 =	smul.f32 $1.562500000e-02, s8  }
0x3ac: {  	v57 =	vadd.f32 v42, v10;
	v11 =	vmul.f32 v39, v11;
	v31 =	vsub.f32 v19, v43  }
0x3ad: {  	v19 =	vsub.f32 v25, v43;
	v25 =	vmul.f32 v38, v16;
	v0 =	vmul.f32 v50, v0;
	s8 =	ssub.f32 s8, s14  }
0x3ae: {  	v16 =	vsub.f32 v20, v2;
	v20 =	vsub.f32 v21, v2;
	v21 =	vmul.f32 v37, v14;
	s24 =	spop (v2sf)  }
0x3af: {  	v14 =	vsub.f32 v24, v2;
	v32 =	vmul.f32 v0, v49;
	s14 =	smul.f32 $1.562500000e-02, s24;
	v55 =	vmov s8  }
0x3b0: {  	s28 =	smul.f32 s15, s15;
	v12 =	vmul.f32 v46, v12;
	v15 =	vsub.f32 v28, v2;
	v2 =	vadd.f32 $9.999999740e-06, v55  }
0x3b1: {  	v59 =	vadd.f32 v47, v17;
	v13 =	vmul.f32 v36, v13;
	v56 =	vmul.f32 v32, v0;
	s14 =	ssub.f32 s14, s13;
	s18 =	spop (v2sf)  }
0x3b2: {  	v62 =	vmov s7;
	v47 =	vadd.f32 v48, v8;
	s13 =	smul.f32 $1.562500000e-02, s18;
	v2 =	vbroadcast v2, $0x0  }
0x3b3: {  	v35 =	vadd.f32 v35, v9;
	v24 =	vsub.f32 $1.500000000e+00, v56;
	v33 =	vmov s14  }
0x3b4: {  	v61 =	vadd.f32 $9.999999740e-06, v33;
	s19 =	ssub.f32 s13, s28;
	v34 =	vshrl.u32 v2, $0x1;
	v2 =	vmul.f32 $5.000000000e-01, v2  }
0x3b5: {  	v5 =	vsub.f32 v5, v62;
	v0 =	vmul.f32 v24, v0;
	v34 =	vsub.s32 $0x5F3759DF, v34  }
0x3b6: {  	v44 =	vld [tilespmem:$0x1FF30];
	v24 =	vbroadcast v61, $0x0;
	v63 =	vmov s19;
	v7 =	vmul.f32 v34, v2  }
0x3b7: {  	v18 =	vmul.f32 v40, v18;
	v53 =	vsub.f32 v60, v62;
	v36 =	vadd.f32 $9.999999740e-06, v63  }
0x3b8: {  	v4 =	vld [tilespmem:$0x1FF00];
	v46 =	vshrl.u32 v24, $0x1;
	v24 =	vmul.f32 $5.000000000e-01, v24;
	v37 =	vmul.f32 v34, v7  }
0x3b9: {  	v6 =	vld [tilespmem:$0x1FF10];
	v54 =	vsub.f32 v58, v62;
	v39 =	vsub.s32 $0x5F3759DF, v46;
	v36 =	vbroadcast v36, $0x0  }
0x3ba: {  	v3 =	vsub.f32 v3, v62;
	v48 =	vmul.f32 v39, v24;
	v37 =	vsub.f32 $1.500000000e+00, v37  }
0x3bb: {  	v45 =	vmul.f32 v0, v44;
	v49 =	vshrl.u32 v36, $0x1;
	v36 =	vmul.f32 $5.000000000e-01, v36  }
0x3bc: {  	[tilespmem:s1+$0xFFFFFF10] =	vst v57;
	v38 =	vmul.f32 v39, v48;
	v41 =	vsub.s32 $0x5F3759DF, v49;
	v34 =	vmul.f32 v34, v37  }
0x3bd: {  	[tilespmem:s1+$0xFFFFFF20] =	vst v59;
	v1 =	vadd.f32 v1, v10;
	v51 =	vmul.f32 v0, v4;
	v50 =	vmul.f32 v41, v36  }
0x3be: {  	v52 =	vmul.f32 v0, v6;
	v7 =	vld [tilespmem:$0x1FF20];
	v38 =	vsub.f32 $1.500000000e+00, v38;
	v2 =	vmul.f32 v34, v2  }
0x3bf: {  	v60 =	vadd.f32 v11, v9;
	v5 =	vmul.f32 v45, v5;
	v42 =	vmul.f32 v41, v50  }
0x3c0: {  	v62 =	vadd.f32 v12, v10;
	[tilespmem:s1+$0xFFFFFF30] =	vst v47;
	v38 =	vmul.f32 v39, v38;
	v2 =	vmul.f32 v2, v34  }
0x3c1: {  	v28 =	vmul.f32 v51, v53;
	v32 =	vmul.f32 v52, v54;
	[tilespmem:s1+$0xFFFFFF80] =	vst v35;
	v55 =	vsub.f32 $1.500000000e+00, v42  }
0x3c2: {  	v5 =	vadd.f32 v5, v8;
	[tilespmem:s12+$0x0] =	vst v60;
	v24 =	vmul.f32 v38, v24;
	v2 =	vsub.f32 $1.500000000e+00, v2  }
0x3c3: {  	s23 =	sadd.s32 $0x200, s1;
	v58 =	vadd.f32 v21, v8;
	[tilespmem:s12+$0x10] =	vst v62;
	v0 =	vmul.f32 v0, v7;
	v57 =	vmul.f32 v41, v55  }
0x3c4: {  	v56 =	vadd.f32 v25, v17;
	[tilespmem:s23+$0xB0] =	vst v5;
	v59 =	vmul.f32 v24, v38;
	v2 =	vmul.f32 v2, v34  }
0x3c5: {  	v63 =	vadd.f32 v13, v17;
	[tilespmem:s12+$0xFFFFFF90] =	vst v1;
	v0 =	vmul.f32 v0, v3;
	v61 =	vmul.f32 v57, v36  }
0x3c6: {  	[tilespmem:s12+$0xFFFFFFA0] =	vst v56;
	v24 =	vsub.f32 $1.500000000e+00, v59;
	v33 =	vmul.f32 v2, v4;
	v35 =	vmul.f32 v2, v6  }
0x3c7: {  	[tilespmem:s12+$0xFFFFFFB0] =	vst v58;
	v37 =	vadd.f32 v28, v9;
	v36 =	vmul.f32 v2, v7;
	v41 =	vmul.f32 v2, v44  }
0x3c8: {  	[tilespmem:s12+$0x20] =	vst v63;
	v42 =	vadd.f32 v32, v10;
	v11 =	vmul.f32 v61, v57;
	v39 =	vmul.f32 v24, v38  }
0x3c9: {  	[tilespmem:s23+$0x80] =	vst v37;
	v0 =	vadd.f32 v0, v17;
	v40 =	vmul.f32 v33, v29;
	v13 =	vmul.f32 v35, v26  }
0x3ca: {  	[tilespmem:s23+$0x90] =	vst v42;
	v34 =	vadd.f32 v18, v8;
	v45 =	vmul.f32 v36, v27;
	v1 =	vmul.f32 v41, v22  }
0x3cb: {  	[tilespmem:s23+$0xA0] =	vst v0;
	v11 =	vsub.f32 $1.500000000e+00, v11;
	v43 =	vmul.f32 v39, v4;
	v5 =	vadd.f32 v40, v9  }
0x3cc: {  	[tilespmem:s12+$0x30] =	vst v34;
	v46 =	vmul.f32 v39, v6;
	v48 =	vmul.f32 v39, v7;
	v47 =	vadd.f32 v13, v10  }
0x3cd: {  	v2 =	vadd.f32 v45, v17;
	v11 =	vmul.f32 v11, v57;
	v49 =	vmul.f32 v43, v23;
	[tilespmem:s23+$0xFFFFFF00] =	vst v5  }
0x3ce: {  	v3 =	vmul.f32 v39, v44;
	v1 =	vadd.f32 v1, v8;
	v50 =	vmul.f32 v46, v30;
	[tilespmem:s23+$0xFFFFFF10] =	vst v47  }
0x3cf: {  	v51 =	vmul.f32 v48, v31;
	[tilespmem:s23+$0xFFFFFF20] =	vst v2;
	v4 =	vmul.f32 v11, v4;
	v0 =	vadd.f32 v49, v9  }
0x3d0: {  	v3 =	vmul.f32 v3, v19;
	[tilespmem:s23+$0xFFFFFF30] =	vst v1;
	v52 =	vmul.f32 v11, v6;
	v53 =	vadd.f32 v50, v10  }
0x3d1: {  	v54 =	vmul.f32 v11, v7;
	v55 =	vadd.f32 v51, v17;
	v4 =	vmul.f32 v4, v16;
	[tilespmem:s23+$0xFFFFFF80] =	vst v0  }
0x3d2: {  	v56 =	vmul.f32 v11, v44;
	v57 =	vadd.f32 v3, v8;
	v2 =	vmul.f32 v52, v20;
	[tilespmem:s23+$0xFFFFFF90] =	vst v53  }
0x3d3: {  	s17 =	sadd.s32 $0x1, s17;
	v58 =	vmul.f32 v54, v14;
	[tilespmem:s23+$0xFFFFFFA0] =	vst v55;
	v59 =	vadd.f32 v4, v9  }
0x3d4: {  	p0 =	sne.s32 s17, $0x32;
	v60 =	vmul.f32 v56, v15;
	[tilespmem:s23+$0xFFFFFFB0] =	vst v57;
	v61 =	vadd.f32 v2, v10  }
.Ltmp5:
0x3d5: {  	s24 =	sshll.u32 s10, $0x7;
	v62 =	vadd.f32 v58, v17;
	[tilespmem:s23+$0x0] =	vst v59;
	(pc) =	sbr.rel @p0 .LBB2_4-.Ltmp5, $4  }
0x3d6: {  	s7 =	sadd.s32 s16, s24;
	v63 =	vadd.f32 v60, v8;
	[tilespmem:s23+$0x10] =	vst v61  }
0x3d7: {  	s7 =	sshrl.u32 s7, $0x3;
	[tilespmem:s23+$0x20] =	vst v62  }
0x3d8: {  	s28 =	sadd.s32 s6, s7;
	[tilespmem:s23+$0x30] =	vst v63  }
0x3d9: {  	[hbm4b:s28+s25] =	stream.strided.scatter [tilespmem:s26], [sflag:$0xA], $0x4000, s2, s25, $0x38;
	[tilespmem:$0x13480] =	vst v63  }
0x3da: {  	_ =	swait.ge [sflag:s29], $0x4000  }
0x3db: {  	[sflag:s29] =	ssyncset.done $0x0  }
0x3dc: {  	[sflag:s29] =	ssyncadd.s32 $0xFFFFC000  }
0x3dd: {  	_ =	swait.ge [sflag:s22], $0x4000  }
0x3de: {  	s7 =	rddreg [dreg:$0xe]  }
0x3df: {  	s1 =	rddreg [dreg:$0xd];
	s7 =	sadd.s32 $0x1, s7  }
0x3e0: {  	p0 =	sne.s32 s7, s1  }
.Ltmp6:
0x3e1: {  	_ = 	snop;
	(pc) =	sbr.rel @p0 .LBB2_1-.Ltmp6, $3  }
0x3e2: {  	_ =	sdelay $0x1  }
0x3e3: {  	[sflag:s22] =	ssyncset.done $0x0  }
0x3e4: {  	[sflag:s22] =	ssyncadd.s32 $0xFFFFC000  }
0x3e5: {  	_ =	sfence.sel $0x180000  }
0x3e6: {  	[bflag:$0x0] =	sbarrier.arrive $0xFFFF  }
0x3e7: {  	_ =	strace $0x90000047  }
0x3e8: {  	s0 =	stileid.u32;
	[bflag:$0x2] =	sbarrier.arrive $0xFFFF  }
0x3e9: {  	p0 =	sne.s32 s0, $0x0;
	s0 =	rddreg [dreg:$0x6]  }
0x3ea: {  	s0 =	sadd.s32 @!p0 $0x100000, s0  }
0x3eb: {  	[sflag:s0] =	ssyncadd.tile.s32 @!p0 $0x1;
	_ =	shalt  }
.Lfunc_end2:
_tile_overlayer_lowered:
.L_overlay_start_2:
0x3ec: {  	(tag) =	ssettag $0x2  }
0x3ed: {  	s0 =	rddreg [dreg:$0x0];
	s2 =	stileid.u32  }
0x3ee: {  	s1 =	rddreg [dreg:$0x1];
	p0 =	sne.s32 s2, $0x0  }
0x3ef: {  	s3 =	rddreg [dreg:$0x2];
	[bflag:$0x3] =	sbarrier.arrive $0xFFFF;
	s2 =	simm.s32 @!p0 $0x1C0B  }
0x3f0: {  	[timem:s3], [sflag:s2] =	dma.local @!p0 [hbm:s0], s1  }
0x3f1: {  	s0 =	simm.s32 @!p0 $0xB  }
0x3f2: {  	_ =	swait.ge @!p0 [sflag:s0], s1  }
0x3f3: {  	s1 =	ssub.s32 @!p0 $0x0, s1;
	[sflag:s0] =	ssyncset.done @!p0 $0x0  }
0x3f4: {  	[sflag:s0] =	ssyncadd.s32 @!p0 s1  }
0x3f5: {  	[bflag:$0x3] =	sbarrier.arrive $0xFFFF  }
0x3f6: {  	_ =	shalt  }

</sc_bundles>
